<compile_context>
chip_gen: v7x
topology: tpu7x:2x2x1
jax: 0.10.2.dev20260603
libtpu: 0.0.44.dev20260713+nightly
codegen_flags: <defaults>
</compile_context>

<pallas_src>
import functools

import jax
import jax.numpy as jnp
from jax import lax
from jax.experimental import pallas as pl
from jax.experimental.pallas import tpu as pltpu
from jax.experimental.pallas import tpu_sc as plsc

INPUT_SIZE = 768.0
CONF_T = 0.01
IOU_T = 0.45
NPRED = 10

B = 8
N = 20000
C = 22
SPB = 4
NLOC = N // SPB
CHUNK = 200
NCHUNKS = NLOC // CHUNK
GPC = (CHUNK + 15) // 16
PAD = 5120
NGROUPS = PAD // 16
S = PAD
L = 16


def _splat_i(k):
    return jnp.full((L,), k, jnp.int32)


def _body(y, out, stage0, stage1, soa, gmax, g64, rec16, postbuf, recbuf,
          groupbuf, shared, sem0, sem1):
    c_id = lax.axis_index("c")
    s_id = lax.axis_index("s")
    b = c_id * SPB + s_id // SPB
    sl = s_id % SPB
    base = sl * NLOC
    leader = sl == 0
    iot = lax.iota(jnp.int32, L)

    def start_copy(c, stage, sem):
        pltpu.make_async_copy(
            y.at[b, pl.ds(base + c * CHUNK, CHUNK), :], stage, sem).start()

    def wait_copy(stage, sem):
        pltpu.make_async_copy(
            y.at[b, pl.ds(base, CHUNK), :], stage, sem).wait()

    def decode_chunk(c, stage):
        lch = c * CHUNK

        @plsc.parallel_loop(0, GPC)
        def dec_body(g):
            raw = g * L + iot
            valid = raw < CHUNK
            rows = jnp.minimum(raw, CHUNK - 1)

            def ld(k):
                return plsc.load_gather(stage, [rows, _splat_i(k)])

            off = lch + g * L
            idx0 = off + iot

            def st(r, v):
                plsc.store_scatter(soa, [r * S + idx0], v, mask=valid)

            sc = ld(1)
            sc = jnp.where(sc < CONF_T, -1.0, sc)
            pcx = ld(14)
            pcy = ld(15)
            pw = ld(16) + 1e-3
            ph = ld(17) + 1e-3
            va = ld(18) * pw
            vb = ld(19) * ph
            cx = ld(2) * va + pcx
            cy = ld(3) * vb + pcy
            w = jnp.exp(jnp.clip(ld(4) * ld(20), -10.0, 10.0)) * pw
            h = jnp.exp(jnp.clip(ld(5) * ld(21), -10.0, 10.0)) * ph
            x1 = (cx - 0.5 * w) * INPUT_SIZE
            y1 = (cy - 0.5 * h) * INPUT_SIZE
            x2 = (cx + 0.5 * w) * INPUT_SIZE
            y2 = (cy + 0.5 * h) * INPUT_SIZE
            ar = jnp.maximum(x2 - x1, 0.0) * jnp.maximum(y2 - y1, 0.0)
            st(0, sc)
            st(1, x1)
            st(2, y1)
            st(3, x2)
            st(4, y2)
            st(5, ar)
            for i in range(4):
                qx = (ld(6 + 2 * i) * va + pcx) * INPUT_SIZE
                qy = (ld(7 + 2 * i) * vb + pcy) * INPUT_SIZE
                st(6 + 2 * i, qx)
                st(7 + 2 * i, qy)

    start_copy(0, stage0, sem0)
    start_copy(1, stage1, sem1)

    def pair_body(p, carry):
        c0 = p * 2

        wait_copy(stage0, sem0)
        decode_chunk(c0, stage0)

        @pl.when(c0 + 2 < NCHUNKS)
        def _():
            start_copy(c0 + 2, stage0, sem0)

        wait_copy(stage1, sem1)
        decode_chunk(c0 + 1, stage1)

        @pl.when(c0 + 3 < NCHUNKS)
        def _():
            start_copy(c0 + 3, stage1, sem1)

        return carry

    lax.fori_loop(0, NCHUNKS // 2, pair_body, 0)
    if NCHUNKS % 2:
        wait_copy(stage0, sem0)
        decode_chunk(NCHUNKS - 1, stage0)

    pad0 = (NLOC // L) * L

    def pad_body(g, carry):
        idx0 = pad0 + g * L + iot
        m = idx0 >= NLOC
        plsc.store_scatter(soa, [idx0], jnp.full((L,), -1.0, jnp.float32),
                           mask=m)
        for r in range(1, 6):
            plsc.store_scatter(soa, [r * S + idx0], jnp.zeros((L,), jnp.float32),
                               mask=m)
        return carry

    lax.fori_loop(0, (PAD - pad0) // L, pad_body, 0)

    def sum_body(g, carry):
        v = soa[pl.ds(g * L, L)]
        plsc.store_scatter(
            gmax, [jnp.zeros((L,), jnp.int32) + g],
            jnp.zeros((L,), jnp.float32) + jnp.max(v), mask=iot == 0)
        return carry

    lax.fori_loop(0, NGROUPS, sum_body, 0)

    def step_body(step, carry):
        wx1, wy1, wx2, wy2, warea = carry

        def scan_summary():
            def sc_body(j, vc):
                bv, bi = vc
                v = gmax[pl.ds(j * L, L)]
                gi = j * L + iot
                upd = (v > bv) | ((v == bv) & (gi < bi))
                return (jnp.where(upd, v, bv), jnp.where(upd, gi, bi))

            bv, bi = lax.fori_loop(
                0, NGROUPS // L, sc_body,
                (jnp.full((L,), -2.0, jnp.float32),
                 jnp.full((L,), 2 ** 30, jnp.int32)))
            m = jnp.max(bv)
            gsel = jnp.min(jnp.where(bv == m, bi, jnp.int32(2 ** 30)))
            return m, gsel

        def w_cond(st):
            return st[0] == 0

        def w_body(st):
            m, gsel = scan_summary()
            svec = soa[pl.ds(gsel * L, L)]
            lane = jnp.min(jnp.where(svec == m, iot, jnp.int32(99)))
            lidx = gsel * L + lane
            cx1 = plsc.load_gather(soa, [jnp.zeros((L,), jnp.int32) + S + lidx])
            cy1 = plsc.load_gather(soa,
                                   [jnp.zeros((L,), jnp.int32) + 2 * S + lidx])
            cx2 = plsc.load_gather(soa,
                                   [jnp.zeros((L,), jnp.int32) + 3 * S + lidx])
            cy2 = plsc.load_gather(soa,
                                   [jnp.zeros((L,), jnp.int32) + 4 * S + lidx])
            car = plsc.load_gather(soa,
                                   [jnp.zeros((L,), jnp.int32) + 5 * S + lidx])
            iw = jnp.maximum(jnp.minimum(wx2, cx2) - jnp.maximum(wx1, cx1),
                             0.0)
            ih = jnp.maximum(jnp.minimum(wy2, cy2) - jnp.maximum(wy1, cy1),
                             0.0)
            inter = iw * ih
            iou = inter / (warea + car - inter + 1e-8)
            bad = jnp.max(iou) > IOU_T
            ok = (m < 0.0) | jnp.logical_not(bad)

            @pl.when(jnp.logical_not(ok))
            def _():
                plsc.store_scatter(
                    soa, [jnp.zeros((L,), jnp.int32) + lidx],
                    jnp.full((L,), -1.0, jnp.float32), mask=iot == 0)
                nv = jnp.where(iot == lane, -1.0, svec)
                plsc.store_scatter(
                    gmax, [jnp.zeros((L,), jnp.int32) + gsel],
                    jnp.zeros((L,), jnp.float32) + jnp.max(nv), mask=iot == 0)

            return (jnp.where(ok, jnp.int32(1), jnp.int32(0)), lidx, m)

        _, lidx, mval = lax.while_loop(
            w_cond, w_body, (jnp.int32(0), jnp.int32(0), jnp.float32(-2.0)))
        gidxf = (base + lidx).astype(jnp.float32)

        rows = jnp.minimum(iot + jnp.where(iot >= 5, 1, 0), 13)
        cand = plsc.load_gather(soa, [rows * S + lidx])
        cand = jnp.where(iot == 13, gidxf, cand)
        cand = jnp.where(iot >= 14, 0.0, cand)
        postbuf[0, 0:L] = cand
        pltpu.sync_copy(postbuf, shared.at[s_id])
        plsc.subcore_barrier()
        pltpu.sync_copy(shared.at[pl.ds((s_id // SPB) * SPB, SPB), :, :],
                        groupbuf)
        for j in range(SPB):
            g64[pl.ds(j * L, L)] = groupbuf[j, 0, 0:L]

        rsel = jnp.minimum(iot, SPB - 1)
        sc4 = plsc.load_gather(g64, [rsel * L])
        id4 = plsc.load_gather(g64, [rsel * L + 13])
        lanem = iot < SPB
        sc4 = jnp.where(lanem, sc4, -3.0)
        m2 = jnp.max(sc4)
        sel2 = (sc4 == m2) & lanem
        wg = jnp.min(jnp.where(sel2, id4, 3e9))
        rowsel = jnp.where(sel2 & (id4 == wg), iot, jnp.int32(99))
        r = jnp.min(rowsel)
        rec = plsc.load_gather(g64, [_splat_i(0) + r * L + iot])
        rec16[...] = rec
        recbuf[0, 0:L] = rec

        @pl.when(leader)
        def _():
            pltpu.sync_copy(recbuf, out.at[b, step])

        nbx1 = plsc.load_gather(rec16, [_splat_i(1)])
        nby1 = plsc.load_gather(rec16, [_splat_i(2)])
        nbx2 = plsc.load_gather(rec16, [_splat_i(3)])
        nby2 = plsc.load_gather(rec16, [_splat_i(4)])
        nwg = plsc.load_gather(rec16, [_splat_i(13)])
        nbarea = jnp.maximum(nbx2 - nbx1, 0.0) * jnp.maximum(nby2 - nby1, 0.0)

        ins = iot == step
        wx1 = jnp.where(ins, nbx1, wx1)
        wy1 = jnp.where(ins, nby1, wy1)
        wx2 = jnp.where(ins, nbx2, wx2)
        wy2 = jnp.where(ins, nby2, wy2)
        warea = jnp.where(ins, nbarea, warea)

        wls = jnp.max((nwg - base.astype(jnp.float32)).astype(jnp.int32))
        own = (wls >= 0) & (wls < NLOC)

        @pl.when(own)
        def _():
            gw = wls // L
            wlane = wls - gw * L
            gvec = soa[pl.ds(gw * L, L)]
            plsc.store_scatter(
                soa, [jnp.zeros((L,), jnp.int32) + wls],
                jnp.full((L,), -1.0, jnp.float32), mask=iot == 0)
            nv = jnp.where(iot == wlane, -1.0, gvec)
            plsc.store_scatter(
                gmax, [jnp.zeros((L,), jnp.int32) + gw],
                jnp.zeros((L,), jnp.float32) + jnp.max(nv), mask=iot == 0)

        return (wx1, wy1, wx2, wy2, warea)

    z = jnp.zeros((L,), jnp.float32)
    lax.fori_loop(0, NPRED, step_body, (z, z, z, z, z))


@functools.partial(
    pl.kernel,
    out_type=jax.ShapeDtypeStruct((B, NPRED, 8, 128), jnp.float32),
    mesh=plsc.VectorSubcoreMesh(core_axis_name="c", subcore_axis_name="s"),
    compiler_params=pltpu.CompilerParams(
        needs_layout_passes=False, use_tc_tiling_on_sc=True),
    scratch_types=[
        pltpu.VMEM((CHUNK, C), jnp.float32),
        pltpu.VMEM((CHUNK, C), jnp.float32),
        pltpu.VMEM((14 * S,), jnp.float32),
        pltpu.VMEM((NGROUPS,), jnp.float32),
        pltpu.VMEM((SPB * L,), jnp.float32),
        pltpu.VMEM((L,), jnp.float32),
        pltpu.VMEM((8, 128), jnp.float32),
        pltpu.VMEM((8, 128), jnp.float32),
        pltpu.VMEM((SPB, 8, 128), jnp.float32),
        pltpu.VMEM_SHARED((16, 8, 128), jnp.float32),
        pltpu.SemaphoreType.DMA,
        pltpu.SemaphoreType.DMA,
    ],
)
def _sc_nms(y, out, *scratch):
    _body(y, out, *scratch)


def kernel(y_pred):
    out = _sc_nms(y_pred)
    return out[:, :, 0, :13]

# --- scband reference (transcript-rebuilt; emitter-appended) ---
"""Pipeline reference for scband-decode-tbpppredictions-8564164789047 (READ-ONLY COPY).

The authoritative reference and input builder live on the scoring server;
editing this copy changes nothing except your own understanding.
"""

import jax, jax.numpy as jnp
import numpy as np

INPUT_SIZE = 768
NMS_MAX_OUTPUT_SIZE = 400
CONFIDENCE_THRESHOLD = 0.01
IOU_THRESHOLD = 0.45
NUM_PREDICTIONS = 10


def setup_inputs(seed: int = 0) -> dict:
    key = jax.random.key(seed)
    # TBPP SSD head output per default box:
    #   [0:2]   class scores (background, text) -- assumed post-softmax
    #   [2:14]  12 loc offsets: (cx, cy, w, h, x1, y1, x2, y2, x3, y3, x4, y4)
    #   [14:18] default (prior) box: (cx, cy, w, h) in normalized coords
    #   [18:22] variances: (v0, v1, v2, v3)
    y_pred = jax.random.uniform(key, (8, 20000, 22), dtype=jnp.float32)
    return {"y_pred": y_pred}


def _decode(y_pred):
    scores = y_pred[..., 1]  # text-class confidence
    loc = y_pred[..., 2:14]
    pcx = y_pred[..., 14]
    pcy = y_pred[..., 15]
    pw = y_pred[..., 16] + 1e-3
    ph = y_pred[..., 17] + 1e-3
    v0 = y_pred[..., 18]
    v1 = y_pred[..., 19]
    v2 = y_pred[..., 20]
    v3 = y_pred[..., 21]

    cx = loc[..., 0] * v0 * pw + pcx
    cy = loc[..., 1] * v1 * ph + pcy
    w = jnp.exp(jnp.clip(loc[..., 2] * v2, -10.0, 10.0)) * pw
    h = jnp.exp(jnp.clip(loc[..., 3] * v3, -10.0, 10.0)) * ph

    xmin = (cx - 0.5 * w) * INPUT_SIZE
    ymin = (cy - 0.5 * h) * INPUT_SIZE
    xmax = (cx + 0.5 * w) * INPUT_SIZE
    ymax = (cy + 0.5 * h) * INPUT_SIZE
    boxes = jnp.stack([xmin, ymin, xmax, ymax], axis=-1)  # [B, N, 4]

    quad_pts = []
    for i in range(4):
        qx = (loc[..., 4 + 2 * i] * v0 * pw + pcx) * INPUT_SIZE
        qy = (loc[..., 5 + 2 * i] * v1 * ph + pcy) * INPUT_SIZE
        quad_pts.append(qx)
        quad_pts.append(qy)
    quads = jnp.stack(quad_pts, axis=-1)  # [B, N, 8]
    return boxes, quads, scores


def _iou_one_vs_all(box, boxes):
    ix1 = jnp.maximum(box[0], boxes[:, 0])
    iy1 = jnp.maximum(box[1], boxes[:, 1])
    ix2 = jnp.minimum(box[2], boxes[:, 2])
    iy2 = jnp.minimum(box[3], boxes[:, 3])
    iw = jnp.maximum(ix2 - ix1, 0.0)
    ih = jnp.maximum(iy2 - iy1, 0.0)
    inter = iw * ih
    area1 = jnp.maximum(box[2] - box[0], 0.0) * jnp.maximum(box[3] - box[1], 0.0)
    area2 = jnp.maximum(boxes[:, 2] - boxes[:, 0], 0.0) * jnp.maximum(boxes[:, 3] - boxes[:, 1], 0.0)
    return inter / (area1 + area2 - inter + 1e-8)


def _nms_single(boxes, quads, scores):
    # NMS selects up to NMS_MAX_OUTPUT_SIZE boxes in descending score order;
    # only the first NUM_PREDICTIONS are kept, so running the greedy loop for
    # min(NUM_PREDICTIONS, NMS_MAX_OUTPUT_SIZE) steps is exactly equivalent.
    n_steps = min(NUM_PREDICTIONS, NMS_MAX_OUTPUT_SIZE)
    scores0 = jnp.where(scores < CONFIDENCE_THRESHOLD, -1.0, scores)

    def step(scores_cur, _):
        best = jnp.argmax(scores_cur)
        bscore = scores_cur[best]
        bbox = boxes[best]
        bquad = quads[best]
        ious = _iou_one_vs_all(bbox, boxes)
        scores_next = jnp.where(ious > IOU_THRESHOLD, -1.0, scores_cur)
        scores_next = scores_next.at[best].set(-1.0)
        rec = jnp.concatenate([bscore[None], bbox, bquad], axis=0)  # [13]
        return scores_next, rec

    _, recs = jax.lax.scan(step, scores0, None, length=n_steps)
    return recs  # [NUM_PREDICTIONS, 13] = (score, xmin, ymin, xmax, ymax, x1..y4)


def reference(y_pred):
    boxes, quads, scores = _decode(y_pred)
    out = jax.vmap(_nms_single)(boxes, quads, scores)
    return out  # [B, NUM_PREDICTIONS, 13]

if __name__ == "__main__":
    import jax
    _d = setup_inputs()
    print(jax.jit(kernel)(*tuple(_d.values())))

</pallas_src>

<mosaic_0001>
#map = affine_map<(d0, d1) -> (0, 0, 0)>
#map1 = affine_map<(d0, d1) -> (0, 0, 0, 0)>
module attributes {stable_mosaic.version = 14 : i64} {
  func.func @_sc_nms(%arg0: i32, %arg1: i32, %arg2: memref<8x20000x22xf32, #tpu.memory_space<hbm>>, %arg3: memref<8x10x8x128xf32, #tpu.memory_space<hbm>>, %arg4: memref<200x22xf32, #tpu.memory_space<vmem>>, %arg5: memref<200x22xf32, #tpu.memory_space<vmem>>, %arg6: memref<71680xf32, #tpu.memory_space<vmem>>, %arg7: memref<320xf32, #tpu.memory_space<vmem>>, %arg8: memref<64xf32, #tpu.memory_space<vmem>>, %arg9: memref<16xf32, #tpu.memory_space<vmem>>, %arg10: memref<8x128xf32, #tpu.memory_space<vmem>>, %arg11: memref<8x128xf32, #tpu.memory_space<vmem>>, %arg12: memref<4x8x128xf32, #tpu.memory_space<vmem>>, %arg13: memref<16x8x128xf32, #tpu.memory_space<vmem_shared>>, %arg14: memref<!tpu.dma_semaphore, #tpu.memory_space<semaphore_mem>>, %arg15: memref<!tpu.dma_semaphore, #tpu.memory_space<semaphore_mem>>) attributes {dimension_semantics = [#tpu.dimension_semantics<core_parallel>, #tpu.dimension_semantics<subcore_parallel>], iteration_bounds = array<i64: 2, 16>, scalar_prefetch = 0 : i64, scratch_operands = 12 : i64, tpu.core_type = #tpu.core_type<sc_vector_subcore>, window_params = [{transform_indices = #map}, {transform_indices = #map1}]} {
    %mul3A = arith.constant 4 : i32
    %mul3A_0 = arith.muli %arg0, %mul3A : i32
    %jit3A = arith.constant 4 : i32
    %div3A = arith.divsi %arg1, %jit3A : i32
    %sign3A = arith.constant 0 : i32
    %sign3A_1 = arith.cmpi sgt, %arg1, %sign3A : i32
    %sign3A_2 = arith.extui %sign3A_1 : i1 to i32
    %sign3A_3 = arith.constant 0 : i32
    %sign3A_4 = arith.cmpi slt, %arg1, %sign3A_3 : i32
    %sign3A_5 = arith.extui %sign3A_4 : i1 to i32
    %sign3A_6 = arith.subi %sign3A_2, %sign3A_5 : i32
    %sign3A_7 = arith.constant 0 : i32
    %sign3A_8 = arith.cmpi sgt, %jit3A, %sign3A_7 : i32
    %sign3A_9 = arith.extui %sign3A_8 : i1 to i32
    %sign3A_10 = arith.constant 0 : i32
    %sign3A_11 = arith.cmpi slt, %jit3A, %sign3A_10 : i32
    %sign3A_12 = arith.extui %sign3A_11 : i1 to i32
    %sign3A_13 = arith.subi %sign3A_9, %sign3A_12 : i32
    %ne3A = arith.cmpi ne, %sign3A_6, %sign3A_13 : i32
    %rem3A = arith.remsi %arg1, %jit3A : i32
    %ne3A_14 = arith.constant 0 : i32
    %ne3A_15 = arith.cmpi ne, %rem3A, %ne3A_14 : i32
    %and3A = arith.andi %ne3A, %ne3A_15 : i1
    %sub3A = arith.constant 1 : i32
    %sub3A_16 = arith.subi %div3A, %sub3A : i32
    %select_n3A = arith.select %and3A, %sub3A_16, %div3A : i32
    %add3A = arith.addi %mul3A_0, %select_n3A : i32
    %jit3A_17 = arith.constant 4 : i32
    %eq3A = arith.constant 0 : i32
    %eq3A_18 = arith.cmpi eq, %jit3A_17, %eq3A : i32
    %jit3A_19 = arith.constant 1 : i32
    %select_n3A_20 = arith.select %eq3A_18, %jit3A_19, %jit3A_17 : i32
    %rem3A_21 = arith.remsi %arg1, %select_n3A_20 : i32
    %ne3A_22 = arith.constant 0 : i32
    %ne3A_23 = arith.cmpi ne, %rem3A_21, %ne3A_22 : i32
    %lt3A = arith.constant 0 : i32
    %lt3A_24 = arith.cmpi slt, %rem3A_21, %lt3A : i32
    %lt3A_25 = arith.constant 0 : i32
    %lt3A_26 = arith.cmpi slt, %select_n3A_20, %lt3A_25 : i32
    %ne3A_27 = arith.xori %lt3A_24, %lt3A_26 : i1
    %and3A_28 = arith.andi %ne3A_27, %ne3A_23 : i1
    %add3A_29 = arith.addi %rem3A_21, %select_n3A_20 : i32
    %select_n3A_30 = arith.select %and3A_28, %add3A_29, %rem3A_21 : i32
    %mul3A_31 = arith.constant 5000 : i32
    %mul3A_32 = arith.muli %select_n3A_30, %mul3A_31 : i32
    %eq3A_33 = arith.constant 0 : i32
    %eq3A_34 = arith.cmpi eq, %select_n3A_30, %eq3A_33 : i32
    %iota3A = tpu.iota {dimensions = array<i32: 0>} : vector<16xi32>
    %add3A_35 = arith.constant 0 : i32
    %add3A_36 = arith.addi %mul3A_32, %add3A_35 : i32
    %dma_start3A = arith.constant 0 : i32
    %dma_start3A_37 = tpu.memref_slice %arg2[%add3A, %add3A_36, %dma_start3A] : memref<8x20000x22xf32, #tpu.memory_space<hbm>> -> memref<1x200x22xf32, #tpu.memory_space<hbm>>
    %dma_start3A_38 = tpu.memref_squeeze %dma_start3A_37 : memref<1x200x22xf32, #tpu.memory_space<hbm>> -> memref<200x22xf32, #tpu.memory_space<hbm>>
    %dma_start3A_39 = arith.constant 0 : i32
    %dma_start3A_40 = tpu.memref_slice %arg2[%add3A, %add3A_36, %dma_start3A_39] : memref<8x20000x22xf32, #tpu.memory_space<hbm>> -> memref<1x200x22xf32, #tpu.memory_space<hbm>>
    %dma_start3A_41 = tpu.memref_squeeze %dma_start3A_40 : memref<1x200x22xf32, #tpu.memory_space<hbm>> -> memref<200x22xf32, #tpu.memory_space<hbm>>
    tpu.enqueue_dma source(%dma_start3A_41 : memref<200x22xf32, #tpu.memory_space<hbm>>) target(%arg4 : memref<200x22xf32, #tpu.memory_space<vmem>>) target_semaphore(%arg14 : memref<!tpu.dma_semaphore, #tpu.memory_space<semaphore_mem>>)
    %add3A_42 = arith.constant 200 : i32
    %add3A_43 = arith.addi %mul3A_32, %add3A_42 : i32
    %dma_start3A_44 = arith.constant 0 : i32
    %dma_start3A_45 = tpu.memref_slice %arg2[%add3A, %add3A_43, %dma_start3A_44] : memref<8x20000x22xf32, #tpu.memory_space<hbm>> -> memref<1x200x22xf32, #tpu.memory_space<hbm>>
    %dma_start3A_46 = tpu.memref_squeeze %dma_start3A_45 : memref<1x200x22xf32, #tpu.memory_space<hbm>> -> memref<200x22xf32, #tpu.memory_space<hbm>>
    %dma_start3A_47 = arith.constant 0 : i32
    %dma_start3A_48 = tpu.memref_slice %arg2[%add3A, %add3A_43, %dma_start3A_47] : memref<8x20000x22xf32, #tpu.memory_space<hbm>> -> memref<1x200x22xf32, #tpu.memory_space<hbm>>
    %dma_start3A_49 = tpu.memref_squeeze %dma_start3A_48 : memref<1x200x22xf32, #tpu.memory_space<hbm>> -> memref<200x22xf32, #tpu.memory_space<hbm>>
    tpu.enqueue_dma source(%dma_start3A_49 : memref<200x22xf32, #tpu.memory_space<hbm>>) target(%arg5 : memref<200x22xf32, #tpu.memory_space<vmem>>) target_semaphore(%arg15 : memref<!tpu.dma_semaphore, #tpu.memory_space<semaphore_mem>>)
    %scan3A = arith.constant 0 : i32
    %scan3A_50 = arith.constant 0 : i32
    %scan3A_51 = arith.constant 12 : i32
    %scan3A_52 = arith.addi %scan3A_50, %scan3A_51 : i32
    %scan3A_53 = arith.constant 1 : i32
    scf.for %scan3A_81 = %scan3A_50 to %scan3A_52 step %scan3A_53  : i32 {
      %mul3A_82 = arith.constant 2 : i32
      %mul3A_83 = arith.muli %scan3A_81, %mul3A_82 : i32
      %dma_wait3A_84 = arith.constant 0 : i32
      %dma_wait3A_85 = tpu.memref_slice %arg2[%add3A, %mul3A_32, %dma_wait3A_84] : memref<8x20000x22xf32, #tpu.memory_space<hbm>> -> memref<1x200x22xf32, #tpu.memory_space<hbm>>
      %dma_wait3A_86 = tpu.memref_squeeze %dma_wait3A_85 : memref<1x200x22xf32, #tpu.memory_space<hbm>> -> memref<200x22xf32, #tpu.memory_space<hbm>>
      %dma_wait3A_87 = arith.constant 0 : i32
      %dma_wait3A_88 = tpu.memref_slice %arg2[%add3A, %mul3A_32, %dma_wait3A_87] : memref<8x20000x22xf32, #tpu.memory_space<hbm>> -> memref<1x200x22xf32, #tpu.memory_space<hbm>>
      %dma_wait3A_89 = tpu.memref_squeeze %dma_wait3A_88 : memref<1x200x22xf32, #tpu.memory_space<hbm>> -> memref<200x22xf32, #tpu.memory_space<hbm>>
      tpu.wait_dma2 semaphore(%arg14 : memref<!tpu.dma_semaphore, #tpu.memory_space<semaphore_mem>>) src(%dma_wait3A_89 : memref<200x22xf32, #tpu.memory_space<hbm>>) dst(%arg4 : memref<200x22xf32, #tpu.memory_space<vmem>>)
      %mul3A_90 = arith.constant 200 : i32
      %mul3A_91 = arith.muli %mul3A_83, %mul3A_90 : i32
      %parallel_loop3A_92 = arith.constant 0 : i32
      %parallel_loop3A_93 = arith.constant 13 : i32
      %parallel_loop3A_94 = arith.constant 1 : i32
      scf.for %parallel_loop3A_120 = %parallel_loop3A_92 to %parallel_loop3A_93 step %parallel_loop3A_94  : i32 {
        %parallel_loop3A_121 = arith.constant 16 : i32
        %parallel_loop3A_122 = arith.muli %parallel_loop3A_120, %parallel_loop3A_121 : i32
        %parallel_loop3A_123 = vector.broadcast %parallel_loop3A_122 : i32 to vector<16xi32>
        %parallel_loop3A_124 = arith.addi %parallel_loop3A_123, %iota3A : vector<16xi32>
        %parallel_loop3A_125 = arith.constant 200 : i32
        %parallel_loop3A_126 = vector.broadcast %parallel_loop3A_125 : i32 to vector<16xi32>
        %parallel_loop3A_127 = arith.cmpi slt, %parallel_loop3A_124, %parallel_loop3A_126 : vector<16xi32>
        %parallel_loop3A_128 = arith.constant 199 : i32
        %parallel_loop3A_129 = vector.broadcast %parallel_loop3A_128 : i32 to vector<16xi32>
        %parallel_loop3A_130 = arith.minsi %parallel_loop3A_124, %parallel_loop3A_129 : vector<16xi32>
        %parallel_loop3A_131 = arith.constant 16 : i32
        %parallel_loop3A_132 = arith.muli %parallel_loop3A_120, %parallel_loop3A_131 : i32
        %parallel_loop3A_133 = arith.addi %mul3A_91, %parallel_loop3A_132 : i32
        %parallel_loop3A_134 = vector.broadcast %parallel_loop3A_133 : i32 to vector<16xi32>
        %parallel_loop3A_135 = arith.addi %parallel_loop3A_134, %iota3A : vector<16xi32>
        %parallel_loop3A_136 = arith.constant 1 : i32
        %parallel_loop3A_137 = vector.broadcast %parallel_loop3A_136 : i32 to vector<16xi32>
        %parallel_loop3A_138 = tpu.vector_load_idx %arg4[%parallel_loop3A_130, %parallel_loop3A_137] : memref<200x22xf32, #tpu.memory_space<vmem>>[vector<16xi32>, vector<16xi32>], vector<16xf32>,
        %parallel_loop3A_139 = arith.constant 0.00999999977 : f32
        %parallel_loop3A_140 = vector.broadcast %parallel_loop3A_139 : f32 to vector<16xf32>
        %parallel_loop3A_141 = arith.cmpf olt, %parallel_loop3A_138, %parallel_loop3A_140 : vector<16xf32>
        %parallel_loop3A_142 = arith.constant -1.000000e+00 : f32
        %parallel_loop3A_143 = vector.broadcast %parallel_loop3A_142 : f32 to vector<16xf32>
        %parallel_loop3A_144 = arith.select %parallel_loop3A_141, %parallel_loop3A_143, %parallel_loop3A_138 : vector<16xi1>, vector<16xf32>
        %parallel_loop3A_145 = arith.constant 14 : i32
        %parallel_loop3A_146 = vector.broadcast %parallel_loop3A_145 : i32 to vector<16xi32>
        %parallel_loop3A_147 = tpu.vector_load_idx %arg4[%parallel_loop3A_130, %parallel_loop3A_146] : memref<200x22xf32, #tpu.memory_space<vmem>>[vector<16xi32>, vector<16xi32>], vector<16xf32>,
        %parallel_loop3A_148 = arith.constant 15 : i32
        %parallel_loop3A_149 = vector.broadcast %parallel_loop3A_148 : i32 to vector<16xi32>
        %parallel_loop3A_150 = tpu.vector_load_idx %arg4[%parallel_loop3A_130, %parallel_loop3A_149] : memref<200x22xf32, #tpu.memory_space<vmem>>[vector<16xi32>, vector<16xi32>], vector<16xf32>,
        %parallel_loop3A_151 = arith.constant 16 : i32
        %parallel_loop3A_152 = vector.broadcast %parallel_loop3A_151 : i32 to vector<16xi32>
        %parallel_loop3A_153 = tpu.vector_load_idx %arg4[%parallel_loop3A_130, %parallel_loop3A_152] : memref<200x22xf32, #tpu.memory_space<vmem>>[vector<16xi32>, vector<16xi32>], vector<16xf32>,
        %parallel_loop3A_154 = arith.constant 1.000000e-03 : f32
        %parallel_loop3A_155 = vector.broadcast %parallel_loop3A_154 : f32 to vector<16xf32>
        %parallel_loop3A_156 = arith.addf %parallel_loop3A_153, %parallel_loop3A_155 : vector<16xf32>
        %parallel_loop3A_157 = arith.constant 17 : i32
        %parallel_loop3A_158 = vector.broadcast %parallel_loop3A_157 : i32 to vector<16xi32>
        %parallel_loop3A_159 = tpu.vector_load_idx %arg4[%parallel_loop3A_130, %parallel_loop3A_158] : memref<200x22xf32, #tpu.memory_space<vmem>>[vector<16xi32>, vector<16xi32>], vector<16xf32>,
        %parallel_loop3A_160 = arith.constant 1.000000e-03 : f32
        %parallel_loop3A_161 = vector.broadcast %parallel_loop3A_160 : f32 to vector<16xf32>
        %parallel_loop3A_162 = arith.addf %parallel_loop3A_159, %parallel_loop3A_161 : vector<16xf32>
        %parallel_loop3A_163 = arith.constant 18 : i32
        %parallel_loop3A_164 = vector.broadcast %parallel_loop3A_163 : i32 to vector<16xi32>
        %parallel_loop3A_165 = tpu.vector_load_idx %arg4[%parallel_loop3A_130, %parallel_loop3A_164] : memref<200x22xf32, #tpu.memory_space<vmem>>[vector<16xi32>, vector<16xi32>], vector<16xf32>,
        %parallel_loop3A_166 = arith.mulf %parallel_loop3A_165, %parallel_loop3A_156 : vector<16xf32>
        %parallel_loop3A_167 = arith.constant 19 : i32
        %parallel_loop3A_168 = vector.broadcast %parallel_loop3A_167 : i32 to vector<16xi32>
        %parallel_loop3A_169 = tpu.vector_load_idx %arg4[%parallel_loop3A_130, %parallel_loop3A_168] : memref<200x22xf32, #tpu.memory_space<vmem>>[vector<16xi32>, vector<16xi32>], vector<16xf32>,
        %parallel_loop3A_170 = arith.mulf %parallel_loop3A_169, %parallel_loop3A_162 : vector<16xf32>
        %parallel_loop3A_171 = arith.constant 2 : i32
        %parallel_loop3A_172 = vector.broadcast %parallel_loop3A_171 : i32 to vector<16xi32>
        %parallel_loop3A_173 = tpu.vector_load_idx %arg4[%parallel_loop3A_130, %parallel_loop3A_172] : memref<200x22xf32, #tpu.memory_space<vmem>>[vector<16xi32>, vector<16xi32>], vector<16xf32>,
        %parallel_loop3A_174 = arith.mulf %parallel_loop3A_173, %parallel_loop3A_166 : vector<16xf32>
        %parallel_loop3A_175 = arith.addf %parallel_loop3A_174, %parallel_loop3A_147 : vector<16xf32>
        %parallel_loop3A_176 = arith.constant 3 : i32
        %parallel_loop3A_177 = vector.broadcast %parallel_loop3A_176 : i32 to vector<16xi32>
        %parallel_loop3A_178 = tpu.vector_load_idx %arg4[%parallel_loop3A_130, %parallel_loop3A_177] : memref<200x22xf32, #tpu.memory_space<vmem>>[vector<16xi32>, vector<16xi32>], vector<16xf32>,
        %parallel_loop3A_179 = arith.mulf %parallel_loop3A_178, %parallel_loop3A_170 : vector<16xf32>
        %parallel_loop3A_180 = arith.addf %parallel_loop3A_179, %parallel_loop3A_150 : vector<16xf32>
        %parallel_loop3A_181 = arith.constant 4 : i32
        %parallel_loop3A_182 = vector.broadcast %parallel_loop3A_181 : i32 to vector<16xi32>
        %parallel_loop3A_183 = tpu.vector_load_idx %arg4[%parallel_loop3A_130, %parallel_loop3A_182] : memref<200x22xf32, #tpu.memory_space<vmem>>[vector<16xi32>, vector<16xi32>], vector<16xf32>,
        %parallel_loop3A_184 = arith.constant 20 : i32
        %parallel_loop3A_185 = vector.broadcast %parallel_loop3A_184 : i32 to vector<16xi32>
        %parallel_loop3A_186 = tpu.vector_load_idx %arg4[%parallel_loop3A_130, %parallel_loop3A_185] : memref<200x22xf32, #tpu.memory_space<vmem>>[vector<16xi32>, vector<16xi32>], vector<16xf32>,
        %parallel_loop3A_187 = arith.mulf %parallel_loop3A_183, %parallel_loop3A_186 : vector<16xf32>
        %parallel_loop3A_188 = arith.constant -1.000000e+01 : f32
        %parallel_loop3A_189 = arith.constant 1.000000e+01 : f32
        %parallel_loop3A_190 = vector.broadcast %parallel_loop3A_188 : f32 to vector<16xf32>
        %parallel_loop3A_191 = arith.maximumf %parallel_loop3A_190, %parallel_loop3A_187 : vector<16xf32>
        %parallel_loop3A_192 = vector.broadcast %parallel_loop3A_189 : f32 to vector<16xf32>
        %parallel_loop3A_193 = arith.minimumf %parallel_loop3A_192, %parallel_loop3A_191 : vector<16xf32>
        %parallel_loop3A_194 = math.exp %parallel_loop3A_193 : vector<16xf32>
        %parallel_loop3A_195 = arith.mulf %parallel_loop3A_194, %parallel_loop3A_156 : vector<16xf32>
        %parallel_loop3A_196 = arith.constant 5 : i32
        %parallel_loop3A_197 = vector.broadcast %parallel_loop3A_196 : i32 to vector<16xi32>
        %parallel_loop3A_198 = tpu.vector_load_idx %arg4[%parallel_loop3A_130, %parallel_loop3A_197] : memref<200x22xf32, #tpu.memory_space<vmem>>[vector<16xi32>, vector<16xi32>], vector<16xf32>,
        %parallel_loop3A_199 = arith.constant 21 : i32
        %parallel_loop3A_200 = vector.broadcast %parallel_loop3A_199 : i32 to vector<16xi32>
        %parallel_loop3A_201 = tpu.vector_load_idx %arg4[%parallel_loop3A_130, %parallel_loop3A_200] : memref<200x22xf32, #tpu.memory_space<vmem>>[vector<16xi32>, vector<16xi32>], vector<16xf32>,
        %parallel_loop3A_202 = arith.mulf %parallel_loop3A_198, %parallel_loop3A_201 : vector<16xf32>
        %parallel_loop3A_203 = arith.constant -1.000000e+01 : f32
        %parallel_loop3A_204 = arith.constant 1.000000e+01 : f32
        %parallel_loop3A_205 = vector.broadcast %parallel_loop3A_203 : f32 to vector<16xf32>
        %parallel_loop3A_206 = arith.maximumf %parallel_loop3A_205, %parallel_loop3A_202 : vector<16xf32>
        %parallel_loop3A_207 = vector.broadcast %parallel_loop3A_204 : f32 to vector<16xf32>
        %parallel_loop3A_208 = arith.minimumf %parallel_loop3A_207, %parallel_loop3A_206 : vector<16xf32>
        %parallel_loop3A_209 = math.exp %parallel_loop3A_208 : vector<16xf32>
        %parallel_loop3A_210 = arith.mulf %parallel_loop3A_209, %parallel_loop3A_162 : vector<16xf32>
        %parallel_loop3A_211 = arith.constant 5.000000e-01 : f32
        %parallel_loop3A_212 = vector.broadcast %parallel_loop3A_211 : f32 to vector<16xf32>
        %parallel_loop3A_213 = arith.mulf %parallel_loop3A_212, %parallel_loop3A_195 : vector<16xf32>
        %parallel_loop3A_214 = arith.subf %parallel_loop3A_175, %parallel_loop3A_213 : vector<16xf32>
        %parallel_loop3A_215 = arith.constant 7.680000e+02 : f32
        %parallel_loop3A_216 = vector.broadcast %parallel_loop3A_215 : f32 to vector<16xf32>
        %parallel_loop3A_217 = arith.mulf %parallel_loop3A_214, %parallel_loop3A_216 : vector<16xf32>
        %parallel_loop3A_218 = arith.constant 5.000000e-01 : f32
        %parallel_loop3A_219 = vector.broadcast %parallel_loop3A_218 : f32 to vector<16xf32>
        %parallel_loop3A_220 = arith.mulf %parallel_loop3A_219, %parallel_loop3A_210 : vector<16xf32>
        %parallel_loop3A_221 = arith.subf %parallel_loop3A_180, %parallel_loop3A_220 : vector<16xf32>
        %parallel_loop3A_222 = arith.constant 7.680000e+02 : f32
        %parallel_loop3A_223 = vector.broadcast %parallel_loop3A_222 : f32 to vector<16xf32>
        %parallel_loop3A_224 = arith.mulf %parallel_loop3A_221, %parallel_loop3A_223 : vector<16xf32>
        %parallel_loop3A_225 = arith.constant 5.000000e-01 : f32
        %parallel_loop3A_226 = vector.broadcast %parallel_loop3A_225 : f32 to vector<16xf32>
        %parallel_loop3A_227 = arith.mulf %parallel_loop3A_226, %parallel_loop3A_195 : vector<16xf32>
        %parallel_loop3A_228 = arith.addf %parallel_loop3A_175, %parallel_loop3A_227 : vector<16xf32>
        %parallel_loop3A_229 = arith.constant 7.680000e+02 : f32
        %parallel_loop3A_230 = vector.broadcast %parallel_loop3A_229 : f32 to vector<16xf32>
        %parallel_loop3A_231 = arith.mulf %parallel_loop3A_228, %parallel_loop3A_230 : vector<16xf32>
        %parallel_loop3A_232 = arith.constant 5.000000e-01 : f32
        %parallel_loop3A_233 = vector.broadcast %parallel_loop3A_232 : f32 to vector<16xf32>
        %parallel_loop3A_234 = arith.mulf %parallel_loop3A_233, %parallel_loop3A_210 : vector<16xf32>
        %parallel_loop3A_235 = arith.addf %parallel_loop3A_180, %parallel_loop3A_234 : vector<16xf32>
        %parallel_loop3A_236 = arith.constant 7.680000e+02 : f32
        %parallel_loop3A_237 = vector.broadcast %parallel_loop3A_236 : f32 to vector<16xf32>
        %parallel_loop3A_238 = arith.mulf %parallel_loop3A_235, %parallel_loop3A_237 : vector<16xf32>
        %parallel_loop3A_239 = arith.subf %parallel_loop3A_231, %parallel_loop3A_217 : vector<16xf32>
        %parallel_loop3A_240 = arith.constant 0.000000e+00 : f32
        %parallel_loop3A_241 = vector.broadcast %parallel_loop3A_240 : f32 to vector<16xf32>
        %parallel_loop3A_242 = arith.maximumf %parallel_loop3A_239, %parallel_loop3A_241 : vector<16xf32>
        %parallel_loop3A_243 = arith.subf %parallel_loop3A_238, %parallel_loop3A_224 : vector<16xf32>
        %parallel_loop3A_244 = arith.constant 0.000000e+00 : f32
        %parallel_loop3A_245 = vector.broadcast %parallel_loop3A_244 : f32 to vector<16xf32>
        %parallel_loop3A_246 = arith.maximumf %parallel_loop3A_243, %parallel_loop3A_245 : vector<16xf32>
        %parallel_loop3A_247 = arith.mulf %parallel_loop3A_242, %parallel_loop3A_246 : vector<16xf32>
        %parallel_loop3A_248 = arith.constant 0 : i32
        %parallel_loop3A_249 = vector.broadcast %parallel_loop3A_248 : i32 to vector<16xi32>
        %parallel_loop3A_250 = arith.addi %parallel_loop3A_249, %parallel_loop3A_135 : vector<16xi32>
        tpu.vector_store_idx %arg6[%parallel_loop3A_250], %parallel_loop3A_144 masked %parallel_loop3A_127 : memref<71680xf32, #tpu.memory_space<vmem>>[vector<16xi32>], vector<16xf32>, vector<16xi1>
        %parallel_loop3A_251 = arith.constant 5120 : i32
        %parallel_loop3A_252 = vector.broadcast %parallel_loop3A_251 : i32 to vector<16xi32>
        %parallel_loop3A_253 = arith.addi %parallel_loop3A_252, %parallel_loop3A_135 : vector<16xi32>
        tpu.vector_store_idx %arg6[%parallel_loop3A_253], %parallel_loop3A_217 masked %parallel_loop3A_127 : memref<71680xf32, #tpu.memory_space<vmem>>[vector<16xi32>], vector<16xf32>, vector<16xi1>
        %parallel_loop3A_254 = arith.constant 10240 : i32
        %parallel_loop3A_255 = vector.broadcast %parallel_loop3A_254 : i32 to vector<16xi32>
        %parallel_loop3A_256 = arith.addi %parallel_loop3A_255, %parallel_loop3A_135 : vector<16xi32>
        tpu.vector_store_idx %arg6[%parallel_loop3A_256], %parallel_loop3A_224 masked %parallel_loop3A_127 : memref<71680xf32, #tpu.memory_space<vmem>>[vector<16xi32>], vector<16xf32>, vector<16xi1>
        %parallel_loop3A_257 = arith.constant 15360 : i32
        %parallel_loop3A_258 = vector.broadcast %parallel_loop3A_257 : i32 to vector<16xi32>
        %parallel_loop3A_259 = arith.addi %parallel_loop3A_258, %parallel_loop3A_135 : vector<16xi32>
        tpu.vector_store_idx %arg6[%parallel_loop3A_259], %parallel_loop3A_231 masked %parallel_loop3A_127 : memref<71680xf32, #tpu.memory_space<vmem>>[vector<16xi32>], vector<16xf32>, vector<16xi1>
        %parallel_loop3A_260 = arith.constant 20480 : i32
        %parallel_loop3A_261 = vector.broadcast %parallel_loop3A_260 : i32 to vector<16xi32>
        %parallel_loop3A_262 = arith.addi %parallel_loop3A_261, %parallel_loop3A_135 : vector<16xi32>
        tpu.vector_store_idx %arg6[%parallel_loop3A_262], %parallel_loop3A_238 masked %parallel_loop3A_127 : memref<71680xf32, #tpu.memory_space<vmem>>[vector<16xi32>], vector<16xf32>, vector<16xi1>
        %parallel_loop3A_263 = arith.constant 25600 : i32
        %parallel_loop3A_264 = vector.broadcast %parallel_loop3A_263 : i32 to vector<16xi32>
        %parallel_loop3A_265 = arith.addi %parallel_loop3A_264, %parallel_loop3A_135 : vector<16xi32>
        tpu.vector_store_idx %arg6[%parallel_loop3A_265], %parallel_loop3A_247 masked %parallel_loop3A_127 : memref<71680xf32, #tpu.memory_space<vmem>>[vector<16xi32>], vector<16xf32>, vector<16xi1>
        %parallel_loop3A_266 = arith.constant 6 : i32
        %parallel_loop3A_267 = vector.broadcast %parallel_loop3A_266 : i32 to vector<16xi32>
        %parallel_loop3A_268 = tpu.vector_load_idx %arg4[%parallel_loop3A_130, %parallel_loop3A_267] : memref<200x22xf32, #tpu.memory_space<vmem>>[vector<16xi32>, vector<16xi32>], vector<16xf32>,
        %parallel_loop3A_269 = arith.mulf %parallel_loop3A_268, %parallel_loop3A_166 : vector<16xf32>
        %parallel_loop3A_270 = arith.addf %parallel_loop3A_269, %parallel_loop3A_147 : vector<16xf32>
        %parallel_loop3A_271 = arith.constant 7.680000e+02 : f32
        %parallel_loop3A_272 = vector.broadcast %parallel_loop3A_271 : f32 to vector<16xf32>
        %parallel_loop3A_273 = arith.mulf %parallel_loop3A_270, %parallel_loop3A_272 : vector<16xf32>
        %parallel_loop3A_274 = arith.constant 7 : i32
        %parallel_loop3A_275 = vector.broadcast %parallel_loop3A_274 : i32 to vector<16xi32>
        %parallel_loop3A_276 = tpu.vector_load_idx %arg4[%parallel_loop3A_130, %parallel_loop3A_275] : memref<200x22xf32, #tpu.memory_space<vmem>>[vector<16xi32>, vector<16xi32>], vector<16xf32>,
        %parallel_loop3A_277 = arith.mulf %parallel_loop3A_276, %parallel_loop3A_170 : vector<16xf32>
        %parallel_loop3A_278 = arith.addf %parallel_loop3A_277, %parallel_loop3A_150 : vector<16xf32>
        %parallel_loop3A_279 = arith.constant 7.680000e+02 : f32
        %parallel_loop3A_280 = vector.broadcast %parallel_loop3A_279 : f32 to vector<16xf32>
        %parallel_loop3A_281 = arith.mulf %parallel_loop3A_278, %parallel_loop3A_280 : vector<16xf32>
        %parallel_loop3A_282 = arith.constant 30720 : i32
        %parallel_loop3A_283 = vector.broadcast %parallel_loop3A_282 : i32 to vector<16xi32>
        %parallel_loop3A_284 = arith.addi %parallel_loop3A_283, %parallel_loop3A_135 : vector<16xi32>
        tpu.vector_store_idx %arg6[%parallel_loop3A_284], %parallel_loop3A_273 masked %parallel_loop3A_127 : memref<71680xf32, #tpu.memory_space<vmem>>[vector<16xi32>], vector<16xf32>, vector<16xi1>
        %parallel_loop3A_285 = arith.constant 35840 : i32
        %parallel_loop3A_286 = vector.broadcast %parallel_loop3A_285 : i32 to vector<16xi32>
        %parallel_loop3A_287 = arith.addi %parallel_loop3A_286, %parallel_loop3A_135 : vector<16xi32>
        tpu.vector_store_idx %arg6[%parallel_loop3A_287], %parallel_loop3A_281 masked %parallel_loop3A_127 : memref<71680xf32, #tpu.memory_space<vmem>>[vector<16xi32>], vector<16xf32>, vector<16xi1>
        %parallel_loop3A_288 = arith.constant 8 : i32
        %parallel_loop3A_289 = vector.broadcast %parallel_loop3A_288 : i32 to vector<16xi32>
        %parallel_loop3A_290 = tpu.vector_load_idx %arg4[%parallel_loop3A_130, %parallel_loop3A_289] : memref<200x22xf32, #tpu.memory_space<vmem>>[vector<16xi32>, vector<16xi32>], vector<16xf32>,
        %parallel_loop3A_291 = arith.mulf %parallel_loop3A_290, %parallel_loop3A_166 : vector<16xf32>
        %parallel_loop3A_292 = arith.addf %parallel_loop3A_291, %parallel_loop3A_147 : vector<16xf32>
        %parallel_loop3A_293 = arith.constant 7.680000e+02 : f32
        %parallel_loop3A_294 = vector.broadcast %parallel_loop3A_293 : f32 to vector<16xf32>
        %parallel_loop3A_295 = arith.mulf %parallel_loop3A_292, %parallel_loop3A_294 : vector<16xf32>
        %parallel_loop3A_296 = arith.constant 9 : i32
        %parallel_loop3A_297 = vector.broadcast %parallel_loop3A_296 : i32 to vector<16xi32>
        %parallel_loop3A_298 = tpu.vector_load_idx %arg4[%parallel_loop3A_130, %parallel_loop3A_297] : memref<200x22xf32, #tpu.memory_space<vmem>>[vector<16xi32>, vector<16xi32>], vector<16xf32>,
        %parallel_loop3A_299 = arith.mulf %parallel_loop3A_298, %parallel_loop3A_170 : vector<16xf32>
        %parallel_loop3A_300 = arith.addf %parallel_loop3A_299, %parallel_loop3A_150 : vector<16xf32>
        %parallel_loop3A_301 = arith.constant 7.680000e+02 : f32
        %parallel_loop3A_302 = vector.broadcast %parallel_loop3A_301 : f32 to vector<16xf32>
        %parallel_loop3A_303 = arith.mulf %parallel_loop3A_300, %parallel_loop3A_302 : vector<16xf32>
        %parallel_loop3A_304 = arith.constant 40960 : i32
        %parallel_loop3A_305 = vector.broadcast %parallel_loop3A_304 : i32 to vector<16xi32>
        %parallel_loop3A_306 = arith.addi %parallel_loop3A_305, %parallel_loop3A_135 : vector<16xi32>
        tpu.vector_store_idx %arg6[%parallel_loop3A_306], %parallel_loop3A_295 masked %parallel_loop3A_127 : memref<71680xf32, #tpu.memory_space<vmem>>[vector<16xi32>], vector<16xf32>, vector<16xi1>
        %parallel_loop3A_307 = arith.constant 46080 : i32
        %parallel_loop3A_308 = vector.broadcast %parallel_loop3A_307 : i32 to vector<16xi32>
        %parallel_loop3A_309 = arith.addi %parallel_loop3A_308, %parallel_loop3A_135 : vector<16xi32>
        tpu.vector_store_idx %arg6[%parallel_loop3A_309], %parallel_loop3A_303 masked %parallel_loop3A_127 : memref<71680xf32, #tpu.memory_space<vmem>>[vector<16xi32>], vector<16xf32>, vector<16xi1>
        %parallel_loop3A_310 = arith.constant 10 : i32
        %parallel_loop3A_311 = vector.broadcast %parallel_loop3A_310 : i32 to vector<16xi32>
        %parallel_loop3A_312 = tpu.vector_load_idx %arg4[%parallel_loop3A_130, %parallel_loop3A_311] : memref<200x22xf32, #tpu.memory_space<vmem>>[vector<16xi32>, vector<16xi32>], vector<16xf32>,
        %parallel_loop3A_313 = arith.mulf %parallel_loop3A_312, %parallel_loop3A_166 : vector<16xf32>
        %parallel_loop3A_314 = arith.addf %parallel_loop3A_313, %parallel_loop3A_147 : vector<16xf32>
        %parallel_loop3A_315 = arith.constant 7.680000e+02 : f32
        %parallel_loop3A_316 = vector.broadcast %parallel_loop3A_315 : f32 to vector<16xf32>
        %parallel_loop3A_317 = arith.mulf %parallel_loop3A_314, %parallel_loop3A_316 : vector<16xf32>
        %parallel_loop3A_318 = arith.constant 11 : i32
        %parallel_loop3A_319 = vector.broadcast %parallel_loop3A_318 : i32 to vector<16xi32>
        %parallel_loop3A_320 = tpu.vector_load_idx %arg4[%parallel_loop3A_130, %parallel_loop3A_319] : memref<200x22xf32, #tpu.memory_space<vmem>>[vector<16xi32>, vector<16xi32>], vector<16xf32>,
        %parallel_loop3A_321 = arith.mulf %parallel_loop3A_320, %parallel_loop3A_170 : vector<16xf32>
        %parallel_loop3A_322 = arith.addf %parallel_loop3A_321, %parallel_loop3A_150 : vector<16xf32>
        %parallel_loop3A_323 = arith.constant 7.680000e+02 : f32
        %parallel_loop3A_324 = vector.broadcast %parallel_loop3A_323 : f32 to vector<16xf32>
        %parallel_loop3A_325 = arith.mulf %parallel_loop3A_322, %parallel_loop3A_324 : vector<16xf32>
        %parallel_loop3A_326 = arith.constant 51200 : i32
        %parallel_loop3A_327 = vector.broadcast %parallel_loop3A_326 : i32 to vector<16xi32>
        %parallel_loop3A_328 = arith.addi %parallel_loop3A_327, %parallel_loop3A_135 : vector<16xi32>
        tpu.vector_store_idx %arg6[%parallel_loop3A_328], %parallel_loop3A_317 masked %parallel_loop3A_127 : memref<71680xf32, #tpu.memory_space<vmem>>[vector<16xi32>], vector<16xf32>, vector<16xi1>
        %parallel_loop3A_329 = arith.constant 56320 : i32
        %parallel_loop3A_330 = vector.broadcast %parallel_loop3A_329 : i32 to vector<16xi32>
        %parallel_loop3A_331 = arith.addi %parallel_loop3A_330, %parallel_loop3A_135 : vector<16xi32>
        tpu.vector_store_idx %arg6[%parallel_loop3A_331], %parallel_loop3A_325 masked %parallel_loop3A_127 : memref<71680xf32, #tpu.memory_space<vmem>>[vector<16xi32>], vector<16xf32>, vector<16xi1>
        %parallel_loop3A_332 = arith.constant 12 : i32
        %parallel_loop3A_333 = vector.broadcast %parallel_loop3A_332 : i32 to vector<16xi32>
        %parallel_loop3A_334 = tpu.vector_load_idx %arg4[%parallel_loop3A_130, %parallel_loop3A_333] : memref<200x22xf32, #tpu.memory_space<vmem>>[vector<16xi32>, vector<16xi32>], vector<16xf32>,
        %parallel_loop3A_335 = arith.mulf %parallel_loop3A_334, %parallel_loop3A_166 : vector<16xf32>
        %parallel_loop3A_336 = arith.addf %parallel_loop3A_335, %parallel_loop3A_147 : vector<16xf32>
        %parallel_loop3A_337 = arith.constant 7.680000e+02 : f32
        %parallel_loop3A_338 = vector.broadcast %parallel_loop3A_337 : f32 to vector<16xf32>
        %parallel_loop3A_339 = arith.mulf %parallel_loop3A_336, %parallel_loop3A_338 : vector<16xf32>
        %parallel_loop3A_340 = arith.constant 13 : i32
        %parallel_loop3A_341 = vector.broadcast %parallel_loop3A_340 : i32 to vector<16xi32>
        %parallel_loop3A_342 = tpu.vector_load_idx %arg4[%parallel_loop3A_130, %parallel_loop3A_341] : memref<200x22xf32, #tpu.memory_space<vmem>>[vector<16xi32>, vector<16xi32>], vector<16xf32>,
        %parallel_loop3A_343 = arith.mulf %parallel_loop3A_342, %parallel_loop3A_170 : vector<16xf32>
        %parallel_loop3A_344 = arith.addf %parallel_loop3A_343, %parallel_loop3A_150 : vector<16xf32>
        %parallel_loop3A_345 = arith.constant 7.680000e+02 : f32
        %parallel_loop3A_346 = vector.broadcast %parallel_loop3A_345 : f32 to vector<16xf32>
        %parallel_loop3A_347 = arith.mulf %parallel_loop3A_344, %parallel_loop3A_346 : vector<16xf32>
        %parallel_loop3A_348 = arith.constant 61440 : i32
        %parallel_loop3A_349 = vector.broadcast %parallel_loop3A_348 : i32 to vector<16xi32>
        %parallel_loop3A_350 = arith.addi %parallel_loop3A_349, %parallel_loop3A_135 : vector<16xi32>
        tpu.vector_store_idx %arg6[%parallel_loop3A_350], %parallel_loop3A_339 masked %parallel_loop3A_127 : memref<71680xf32, #tpu.memory_space<vmem>>[vector<16xi32>], vector<16xf32>, vector<16xi1>
        %parallel_loop3A_351 = arith.constant 66560 : i32
        %parallel_loop3A_352 = vector.broadcast %parallel_loop3A_351 : i32 to vector<16xi32>
        %parallel_loop3A_353 = arith.addi %parallel_loop3A_352, %parallel_loop3A_135 : vector<16xi32>
        tpu.vector_store_idx %arg6[%parallel_loop3A_353], %parallel_loop3A_347 masked %parallel_loop3A_127 : memref<71680xf32, #tpu.memory_space<vmem>>[vector<16xi32>], vector<16xf32>, vector<16xi1>
      } {sc.loop_unroll_factor = 1 : i64, sc.parallel_access}
      %add3A_95 = arith.constant 2 : i32
      %add3A_96 = arith.addi %mul3A_83, %add3A_95 : i32
      %lt3A_97 = arith.constant 25 : i32
      %lt3A_98 = arith.cmpi slt, %add3A_96, %lt3A_97 : i32
      %convert_element_type3A = arith.extui %lt3A_98 : i1 to i32
      %cond3A = arith.constant 0 : i32
      %cond3A_99 = arith.cmpi ne, %convert_element_type3A, %cond3A : i32
      scf.if %cond3A_99 {
        %add3A_120 = arith.constant 2 : i32
        %add3A_121 = arith.addi %mul3A_83, %add3A_120 : i32
        %mul3A_122 = arith.constant 200 : i32
        %mul3A_123 = arith.muli %add3A_121, %mul3A_122 : i32
        %add3A_124 = arith.addi %mul3A_32, %mul3A_123 : i32
        %dma_start3A_125 = arith.constant 0 : i32
        %dma_start3A_126 = tpu.memref_slice %arg2[%add3A, %add3A_124, %dma_start3A_125] : memref<8x20000x22xf32, #tpu.memory_space<hbm>> -> memref<1x200x22xf32, #tpu.memory_space<hbm>>
        %dma_start3A_127 = tpu.memref_squeeze %dma_start3A_126 : memref<1x200x22xf32, #tpu.memory_space<hbm>> -> memref<200x22xf32, #tpu.memory_space<hbm>>
        %dma_start3A_128 = arith.constant 0 : i32
        %dma_start3A_129 = tpu.memref_slice %arg2[%add3A, %add3A_124, %dma_start3A_128] : memref<8x20000x22xf32, #tpu.memory_space<hbm>> -> memref<1x200x22xf32, #tpu.memory_space<hbm>>
        %dma_start3A_130 = tpu.memref_squeeze %dma_start3A_129 : memref<1x200x22xf32, #tpu.memory_space<hbm>> -> memref<200x22xf32, #tpu.memory_space<hbm>>
        tpu.enqueue_dma source(%dma_start3A_130 : memref<200x22xf32, #tpu.memory_space<hbm>>) target(%arg4 : memref<200x22xf32, #tpu.memory_space<vmem>>) target_semaphore(%arg14 : memref<!tpu.dma_semaphore, #tpu.memory_space<semaphore_mem>>)
      } else {
      }
      %dma_wait3A_100 = arith.constant 0 : i32
      %dma_wait3A_101 = tpu.memref_slice %arg2[%add3A, %mul3A_32, %dma_wait3A_100] : memref<8x20000x22xf32, #tpu.memory_space<hbm>> -> memref<1x200x22xf32, #tpu.memory_space<hbm>>
      %dma_wait3A_102 = tpu.memref_squeeze %dma_wait3A_101 : memref<1x200x22xf32, #tpu.memory_space<hbm>> -> memref<200x22xf32, #tpu.memory_space<hbm>>
      %dma_wait3A_103 = arith.constant 0 : i32
      %dma_wait3A_104 = tpu.memref_slice %arg2[%add3A, %mul3A_32, %dma_wait3A_103] : memref<8x20000x22xf32, #tpu.memory_space<hbm>> -> memref<1x200x22xf32, #tpu.memory_space<hbm>>
      %dma_wait3A_105 = tpu.memref_squeeze %dma_wait3A_104 : memref<1x200x22xf32, #tpu.memory_space<hbm>> -> memref<200x22xf32, #tpu.memory_space<hbm>>
      tpu.wait_dma2 semaphore(%arg15 : memref<!tpu.dma_semaphore, #tpu.memory_space<semaphore_mem>>) src(%dma_wait3A_105 : memref<200x22xf32, #tpu.memory_space<hbm>>) dst(%arg5 : memref<200x22xf32, #tpu.memory_space<vmem>>)
      %add3A_106 = arith.constant 1 : i32
      %add3A_107 = arith.addi %mul3A_83, %add3A_106 : i32
      %mul3A_108 = arith.constant 200 : i32
      %mul3A_109 = arith.muli %add3A_107, %mul3A_108 : i32
      %parallel_loop3A_110 = arith.constant 0 : i32
      %parallel_loop3A_111 = arith.constant 13 : i32
      %parallel_loop3A_112 = arith.constant 1 : i32
      scf.for %parallel_loop3A_120 = %parallel_loop3A_110 to %parallel_loop3A_111 step %parallel_loop3A_112  : i32 {
        %parallel_loop3A_121 = arith.constant 16 : i32
        %parallel_loop3A_122 = arith.muli %parallel_loop3A_120, %parallel_loop3A_121 : i32
        %parallel_loop3A_123 = vector.broadcast %parallel_loop3A_122 : i32 to vector<16xi32>
        %parallel_loop3A_124 = arith.addi %parallel_loop3A_123, %iota3A : vector<16xi32>
        %parallel_loop3A_125 = arith.constant 200 : i32
        %parallel_loop3A_126 = vector.broadcast %parallel_loop3A_125 : i32 to vector<16xi32>
        %parallel_loop3A_127 = arith.cmpi slt, %parallel_loop3A_124, %parallel_loop3A_126 : vector<16xi32>
        %parallel_loop3A_128 = arith.constant 199 : i32
        %parallel_loop3A_129 = vector.broadcast %parallel_loop3A_128 : i32 to vector<16xi32>
        %parallel_loop3A_130 = arith.minsi %parallel_loop3A_124, %parallel_loop3A_129 : vector<16xi32>
        %parallel_loop3A_131 = arith.constant 16 : i32
        %parallel_loop3A_132 = arith.muli %parallel_loop3A_120, %parallel_loop3A_131 : i32
        %parallel_loop3A_133 = arith.addi %mul3A_109, %parallel_loop3A_132 : i32
        %parallel_loop3A_134 = vector.broadcast %parallel_loop3A_133 : i32 to vector<16xi32>
        %parallel_loop3A_135 = arith.addi %parallel_loop3A_134, %iota3A : vector<16xi32>
        %parallel_loop3A_136 = arith.constant 1 : i32
        %parallel_loop3A_137 = vector.broadcast %parallel_loop3A_136 : i32 to vector<16xi32>
        %parallel_loop3A_138 = tpu.vector_load_idx %arg5[%parallel_loop3A_130, %parallel_loop3A_137] : memref<200x22xf32, #tpu.memory_space<vmem>>[vector<16xi32>, vector<16xi32>], vector<16xf32>,
        %parallel_loop3A_139 = arith.constant 0.00999999977 : f32
        %parallel_loop3A_140 = vector.broadcast %parallel_loop3A_139 : f32 to vector<16xf32>
        %parallel_loop3A_141 = arith.cmpf olt, %parallel_loop3A_138, %parallel_loop3A_140 : vector<16xf32>
        %parallel_loop3A_142 = arith.constant -1.000000e+00 : f32
        %parallel_loop3A_143 = vector.broadcast %parallel_loop3A_142 : f32 to vector<16xf32>
        %parallel_loop3A_144 = arith.select %parallel_loop3A_141, %parallel_loop3A_143, %parallel_loop3A_138 : vector<16xi1>, vector<16xf32>
        %parallel_loop3A_145 = arith.constant 14 : i32
        %parallel_loop3A_146 = vector.broadcast %parallel_loop3A_145 : i32 to vector<16xi32>
        %parallel_loop3A_147 = tpu.vector_load_idx %arg5[%parallel_loop3A_130, %parallel_loop3A_146] : memref<200x22xf32, #tpu.memory_space<vmem>>[vector<16xi32>, vector<16xi32>], vector<16xf32>,
        %parallel_loop3A_148 = arith.constant 15 : i32
        %parallel_loop3A_149 = vector.broadcast %parallel_loop3A_148 : i32 to vector<16xi32>
        %parallel_loop3A_150 = tpu.vector_load_idx %arg5[%parallel_loop3A_130, %parallel_loop3A_149] : memref<200x22xf32, #tpu.memory_space<vmem>>[vector<16xi32>, vector<16xi32>], vector<16xf32>,
        %parallel_loop3A_151 = arith.constant 16 : i32
        %parallel_loop3A_152 = vector.broadcast %parallel_loop3A_151 : i32 to vector<16xi32>
        %parallel_loop3A_153 = tpu.vector_load_idx %arg5[%parallel_loop3A_130, %parallel_loop3A_152] : memref<200x22xf32, #tpu.memory_space<vmem>>[vector<16xi32>, vector<16xi32>], vector<16xf32>,
        %parallel_loop3A_154 = arith.constant 1.000000e-03 : f32
        %parallel_loop3A_155 = vector.broadcast %parallel_loop3A_154 : f32 to vector<16xf32>
        %parallel_loop3A_156 = arith.addf %parallel_loop3A_153, %parallel_loop3A_155 : vector<16xf32>
        %parallel_loop3A_157 = arith.constant 17 : i32
        %parallel_loop3A_158 = vector.broadcast %parallel_loop3A_157 : i32 to vector<16xi32>
        %parallel_loop3A_159 = tpu.vector_load_idx %arg5[%parallel_loop3A_130, %parallel_loop3A_158] : memref<200x22xf32, #tpu.memory_space<vmem>>[vector<16xi32>, vector<16xi32>], vector<16xf32>,
        %parallel_loop3A_160 = arith.constant 1.000000e-03 : f32
        %parallel_loop3A_161 = vector.broadcast %parallel_loop3A_160 : f32 to vector<16xf32>
        %parallel_loop3A_162 = arith.addf %parallel_loop3A_159, %parallel_loop3A_161 : vector<16xf32>
        %parallel_loop3A_163 = arith.constant 18 : i32
        %parallel_loop3A_164 = vector.broadcast %parallel_loop3A_163 : i32 to vector<16xi32>
        %parallel_loop3A_165 = tpu.vector_load_idx %arg5[%parallel_loop3A_130, %parallel_loop3A_164] : memref<200x22xf32, #tpu.memory_space<vmem>>[vector<16xi32>, vector<16xi32>], vector<16xf32>,
        %parallel_loop3A_166 = arith.mulf %parallel_loop3A_165, %parallel_loop3A_156 : vector<16xf32>
        %parallel_loop3A_167 = arith.constant 19 : i32
        %parallel_loop3A_168 = vector.broadcast %parallel_loop3A_167 : i32 to vector<16xi32>
        %parallel_loop3A_169 = tpu.vector_load_idx %arg5[%parallel_loop3A_130, %parallel_loop3A_168] : memref<200x22xf32, #tpu.memory_space<vmem>>[vector<16xi32>, vector<16xi32>], vector<16xf32>,
        %parallel_loop3A_170 = arith.mulf %parallel_loop3A_169, %parallel_loop3A_162 : vector<16xf32>
        %parallel_loop3A_171 = arith.constant 2 : i32
        %parallel_loop3A_172 = vector.broadcast %parallel_loop3A_171 : i32 to vector<16xi32>
        %parallel_loop3A_173 = tpu.vector_load_idx %arg5[%parallel_loop3A_130, %parallel_loop3A_172] : memref<200x22xf32, #tpu.memory_space<vmem>>[vector<16xi32>, vector<16xi32>], vector<16xf32>,
        %parallel_loop3A_174 = arith.mulf %parallel_loop3A_173, %parallel_loop3A_166 : vector<16xf32>
        %parallel_loop3A_175 = arith.addf %parallel_loop3A_174, %parallel_loop3A_147 : vector<16xf32>
        %parallel_loop3A_176 = arith.constant 3 : i32
        %parallel_loop3A_177 = vector.broadcast %parallel_loop3A_176 : i32 to vector<16xi32>
        %parallel_loop3A_178 = tpu.vector_load_idx %arg5[%parallel_loop3A_130, %parallel_loop3A_177] : memref<200x22xf32, #tpu.memory_space<vmem>>[vector<16xi32>, vector<16xi32>], vector<16xf32>,
        %parallel_loop3A_179 = arith.mulf %parallel_loop3A_178, %parallel_loop3A_170 : vector<16xf32>
        %parallel_loop3A_180 = arith.addf %parallel_loop3A_179, %parallel_loop3A_150 : vector<16xf32>
        %parallel_loop3A_181 = arith.constant 4 : i32
        %parallel_loop3A_182 = vector.broadcast %parallel_loop3A_181 : i32 to vector<16xi32>
        %parallel_loop3A_183 = tpu.vector_load_idx %arg5[%parallel_loop3A_130, %parallel_loop3A_182] : memref<200x22xf32, #tpu.memory_space<vmem>>[vector<16xi32>, vector<16xi32>], vector<16xf32>,
        %parallel_loop3A_184 = arith.constant 20 : i32
        %parallel_loop3A_185 = vector.broadcast %parallel_loop3A_184 : i32 to vector<16xi32>
        %parallel_loop3A_186 = tpu.vector_load_idx %arg5[%parallel_loop3A_130, %parallel_loop3A_185] : memref<200x22xf32, #tpu.memory_space<vmem>>[vector<16xi32>, vector<16xi32>], vector<16xf32>,
        %parallel_loop3A_187 = arith.mulf %parallel_loop3A_183, %parallel_loop3A_186 : vector<16xf32>
        %parallel_loop3A_188 = arith.constant -1.000000e+01 : f32
        %parallel_loop3A_189 = arith.constant 1.000000e+01 : f32
        %parallel_loop3A_190 = vector.broadcast %parallel_loop3A_188 : f32 to vector<16xf32>
        %parallel_loop3A_191 = arith.maximumf %parallel_loop3A_190, %parallel_loop3A_187 : vector<16xf32>
        %parallel_loop3A_192 = vector.broadcast %parallel_loop3A_189 : f32 to vector<16xf32>
        %parallel_loop3A_193 = arith.minimumf %parallel_loop3A_192, %parallel_loop3A_191 : vector<16xf32>
        %parallel_loop3A_194 = math.exp %parallel_loop3A_193 : vector<16xf32>
        %parallel_loop3A_195 = arith.mulf %parallel_loop3A_194, %parallel_loop3A_156 : vector<16xf32>
        %parallel_loop3A_196 = arith.constant 5 : i32
        %parallel_loop3A_197 = vector.broadcast %parallel_loop3A_196 : i32 to vector<16xi32>
        %parallel_loop3A_198 = tpu.vector_load_idx %arg5[%parallel_loop3A_130, %parallel_loop3A_197] : memref<200x22xf32, #tpu.memory_space<vmem>>[vector<16xi32>, vector<16xi32>], vector<16xf32>,
        %parallel_loop3A_199 = arith.constant 21 : i32
        %parallel_loop3A_200 = vector.broadcast %parallel_loop3A_199 : i32 to vector<16xi32>
        %parallel_loop3A_201 = tpu.vector_load_idx %arg5[%parallel_loop3A_130, %parallel_loop3A_200] : memref<200x22xf32, #tpu.memory_space<vmem>>[vector<16xi32>, vector<16xi32>], vector<16xf32>,
        %parallel_loop3A_202 = arith.mulf %parallel_loop3A_198, %parallel_loop3A_201 : vector<16xf32>
        %parallel_loop3A_203 = arith.constant -1.000000e+01 : f32
        %parallel_loop3A_204 = arith.constant 1.000000e+01 : f32
        %parallel_loop3A_205 = vector.broadcast %parallel_loop3A_203 : f32 to vector<16xf32>
        %parallel_loop3A_206 = arith.maximumf %parallel_loop3A_205, %parallel_loop3A_202 : vector<16xf32>
        %parallel_loop3A_207 = vector.broadcast %parallel_loop3A_204 : f32 to vector<16xf32>
        %parallel_loop3A_208 = arith.minimumf %parallel_loop3A_207, %parallel_loop3A_206 : vector<16xf32>
        %parallel_loop3A_209 = math.exp %parallel_loop3A_208 : vector<16xf32>
        %parallel_loop3A_210 = arith.mulf %parallel_loop3A_209, %parallel_loop3A_162 : vector<16xf32>
        %parallel_loop3A_211 = arith.constant 5.000000e-01 : f32
        %parallel_loop3A_212 = vector.broadcast %parallel_loop3A_211 : f32 to vector<16xf32>
        %parallel_loop3A_213 = arith.mulf %parallel_loop3A_212, %parallel_loop3A_195 : vector<16xf32>
        %parallel_loop3A_214 = arith.subf %parallel_loop3A_175, %parallel_loop3A_213 : vector<16xf32>
        %parallel_loop3A_215 = arith.constant 7.680000e+02 : f32
        %parallel_loop3A_216 = vector.broadcast %parallel_loop3A_215 : f32 to vector<16xf32>
        %parallel_loop3A_217 = arith.mulf %parallel_loop3A_214, %parallel_loop3A_216 : vector<16xf32>
        %parallel_loop3A_218 = arith.constant 5.000000e-01 : f32
        %parallel_loop3A_219 = vector.broadcast %parallel_loop3A_218 : f32 to vector<16xf32>
        %parallel_loop3A_220 = arith.mulf %parallel_loop3A_219, %parallel_loop3A_210 : vector<16xf32>
        %parallel_loop3A_221 = arith.subf %parallel_loop3A_180, %parallel_loop3A_220 : vector<16xf32>
        %parallel_loop3A_222 = arith.constant 7.680000e+02 : f32
        %parallel_loop3A_223 = vector.broadcast %parallel_loop3A_222 : f32 to vector<16xf32>
        %parallel_loop3A_224 = arith.mulf %parallel_loop3A_221, %parallel_loop3A_223 : vector<16xf32>
        %parallel_loop3A_225 = arith.constant 5.000000e-01 : f32
        %parallel_loop3A_226 = vector.broadcast %parallel_loop3A_225 : f32 to vector<16xf32>
        %parallel_loop3A_227 = arith.mulf %parallel_loop3A_226, %parallel_loop3A_195 : vector<16xf32>
        %parallel_loop3A_228 = arith.addf %parallel_loop3A_175, %parallel_loop3A_227 : vector<16xf32>
        %parallel_loop3A_229 = arith.constant 7.680000e+02 : f32
        %parallel_loop3A_230 = vector.broadcast %parallel_loop3A_229 : f32 to vector<16xf32>
        %parallel_loop3A_231 = arith.mulf %parallel_loop3A_228, %parallel_loop3A_230 : vector<16xf32>
        %parallel_loop3A_232 = arith.constant 5.000000e-01 : f32
        %parallel_loop3A_233 = vector.broadcast %parallel_loop3A_232 : f32 to vector<16xf32>
        %parallel_loop3A_234 = arith.mulf %parallel_loop3A_233, %parallel_loop3A_210 : vector<16xf32>
        %parallel_loop3A_235 = arith.addf %parallel_loop3A_180, %parallel_loop3A_234 : vector<16xf32>
        %parallel_loop3A_236 = arith.constant 7.680000e+02 : f32
        %parallel_loop3A_237 = vector.broadcast %parallel_loop3A_236 : f32 to vector<16xf32>
        %parallel_loop3A_238 = arith.mulf %parallel_loop3A_235, %parallel_loop3A_237 : vector<16xf32>
        %parallel_loop3A_239 = arith.subf %parallel_loop3A_231, %parallel_loop3A_217 : vector<16xf32>
        %parallel_loop3A_240 = arith.constant 0.000000e+00 : f32
        %parallel_loop3A_241 = vector.broadcast %parallel_loop3A_240 : f32 to vector<16xf32>
        %parallel_loop3A_242 = arith.maximumf %parallel_loop3A_239, %parallel_loop3A_241 : vector<16xf32>
        %parallel_loop3A_243 = arith.subf %parallel_loop3A_238, %parallel_loop3A_224 : vector<16xf32>
        %parallel_loop3A_244 = arith.constant 0.000000e+00 : f32
        %parallel_loop3A_245 = vector.broadcast %parallel_loop3A_244 : f32 to vector<16xf32>
        %parallel_loop3A_246 = arith.maximumf %parallel_loop3A_243, %parallel_loop3A_245 : vector<16xf32>
        %parallel_loop3A_247 = arith.mulf %parallel_loop3A_242, %parallel_loop3A_246 : vector<16xf32>
        %parallel_loop3A_248 = arith.constant 0 : i32
        %parallel_loop3A_249 = vector.broadcast %parallel_loop3A_248 : i32 to vector<16xi32>
        %parallel_loop3A_250 = arith.addi %parallel_loop3A_249, %parallel_loop3A_135 : vector<16xi32>
        tpu.vector_store_idx %arg6[%parallel_loop3A_250], %parallel_loop3A_144 masked %parallel_loop3A_127 : memref<71680xf32, #tpu.memory_space<vmem>>[vector<16xi32>], vector<16xf32>, vector<16xi1>
        %parallel_loop3A_251 = arith.constant 5120 : i32
        %parallel_loop3A_252 = vector.broadcast %parallel_loop3A_251 : i32 to vector<16xi32>
        %parallel_loop3A_253 = arith.addi %parallel_loop3A_252, %parallel_loop3A_135 : vector<16xi32>
        tpu.vector_store_idx %arg6[%parallel_loop3A_253], %parallel_loop3A_217 masked %parallel_loop3A_127 : memref<71680xf32, #tpu.memory_space<vmem>>[vector<16xi32>], vector<16xf32>, vector<16xi1>
        %parallel_loop3A_254 = arith.constant 10240 : i32
        %parallel_loop3A_255 = vector.broadcast %parallel_loop3A_254 : i32 to vector<16xi32>
        %parallel_loop3A_256 = arith.addi %parallel_loop3A_255, %parallel_loop3A_135 : vector<16xi32>
        tpu.vector_store_idx %arg6[%parallel_loop3A_256], %parallel_loop3A_224 masked %parallel_loop3A_127 : memref<71680xf32, #tpu.memory_space<vmem>>[vector<16xi32>], vector<16xf32>, vector<16xi1>
        %parallel_loop3A_257 = arith.constant 15360 : i32
        %parallel_loop3A_258 = vector.broadcast %parallel_loop3A_257 : i32 to vector<16xi32>
        %parallel_loop3A_259 = arith.addi %parallel_loop3A_258, %parallel_loop3A_135 : vector<16xi32>
        tpu.vector_store_idx %arg6[%parallel_loop3A_259], %parallel_loop3A_231 masked %parallel_loop3A_127 : memref<71680xf32, #tpu.memory_space<vmem>>[vector<16xi32>], vector<16xf32>, vector<16xi1>
        %parallel_loop3A_260 = arith.constant 20480 : i32
        %parallel_loop3A_261 = vector.broadcast %parallel_loop3A_260 : i32 to vector<16xi32>
        %parallel_loop3A_262 = arith.addi %parallel_loop3A_261, %parallel_loop3A_135 : vector<16xi32>
        tpu.vector_store_idx %arg6[%parallel_loop3A_262], %parallel_loop3A_238 masked %parallel_loop3A_127 : memref<71680xf32, #tpu.memory_space<vmem>>[vector<16xi32>], vector<16xf32>, vector<16xi1>
        %parallel_loop3A_263 = arith.constant 25600 : i32
        %parallel_loop3A_264 = vector.broadcast %parallel_loop3A_263 : i32 to vector<16xi32>
        %parallel_loop3A_265 = arith.addi %parallel_loop3A_264, %parallel_loop3A_135 : vector<16xi32>
        tpu.vector_store_idx %arg6[%parallel_loop3A_265], %parallel_loop3A_247 masked %parallel_loop3A_127 : memref<71680xf32, #tpu.memory_space<vmem>>[vector<16xi32>], vector<16xf32>, vector<16xi1>
        %parallel_loop3A_266 = arith.constant 6 : i32
        %parallel_loop3A_267 = vector.broadcast %parallel_loop3A_266 : i32 to vector<16xi32>
        %parallel_loop3A_268 = tpu.vector_load_idx %arg5[%parallel_loop3A_130, %parallel_loop3A_267] : memref<200x22xf32, #tpu.memory_space<vmem>>[vector<16xi32>, vector<16xi32>], vector<16xf32>,
        %parallel_loop3A_269 = arith.mulf %parallel_loop3A_268, %parallel_loop3A_166 : vector<16xf32>
        %parallel_loop3A_270 = arith.addf %parallel_loop3A_269, %parallel_loop3A_147 : vector<16xf32>
        %parallel_loop3A_271 = arith.constant 7.680000e+02 : f32
        %parallel_loop3A_272 = vector.broadcast %parallel_loop3A_271 : f32 to vector<16xf32>
        %parallel_loop3A_273 = arith.mulf %parallel_loop3A_270, %parallel_loop3A_272 : vector<16xf32>
        %parallel_loop3A_274 = arith.constant 7 : i32
        %parallel_loop3A_275 = vector.broadcast %parallel_loop3A_274 : i32 to vector<16xi32>
        %parallel_loop3A_276 = tpu.vector_load_idx %arg5[%parallel_loop3A_130, %parallel_loop3A_275] : memref<200x22xf32, #tpu.memory_space<vmem>>[vector<16xi32>, vector<16xi32>], vector<16xf32>,
        %parallel_loop3A_277 = arith.mulf %parallel_loop3A_276, %parallel_loop3A_170 : vector<16xf32>
        %parallel_loop3A_278 = arith.addf %parallel_loop3A_277, %parallel_loop3A_150 : vector<16xf32>
        %parallel_loop3A_279 = arith.constant 7.680000e+02 : f32
        %parallel_loop3A_280 = vector.broadcast %parallel_loop3A_279 : f32 to vector<16xf32>
        %parallel_loop3A_281 = arith.mulf %parallel_loop3A_278, %parallel_loop3A_280 : vector<16xf32>
        %parallel_loop3A_282 = arith.constant 30720 : i32
        %parallel_loop3A_283 = vector.broadcast %parallel_loop3A_282 : i32 to vector<16xi32>
        %parallel_loop3A_284 = arith.addi %parallel_loop3A_283, %parallel_loop3A_135 : vector<16xi32>
        tpu.vector_store_idx %arg6[%parallel_loop3A_284], %parallel_loop3A_273 masked %parallel_loop3A_127 : memref<71680xf32, #tpu.memory_space<vmem>>[vector<16xi32>], vector<16xf32>, vector<16xi1>
        %parallel_loop3A_285 = arith.constant 35840 : i32
        %parallel_loop3A_286 = vector.broadcast %parallel_loop3A_285 : i32 to vector<16xi32>
        %parallel_loop3A_287 = arith.addi %parallel_loop3A_286, %parallel_loop3A_135 : vector<16xi32>
        tpu.vector_store_idx %arg6[%parallel_loop3A_287], %parallel_loop3A_281 masked %parallel_loop3A_127 : memref<71680xf32, #tpu.memory_space<vmem>>[vector<16xi32>], vector<16xf32>, vector<16xi1>
        %parallel_loop3A_288 = arith.constant 8 : i32
        %parallel_loop3A_289 = vector.broadcast %parallel_loop3A_288 : i32 to vector<16xi32>
        %parallel_loop3A_290 = tpu.vector_load_idx %arg5[%parallel_loop3A_130, %parallel_loop3A_289] : memref<200x22xf32, #tpu.memory_space<vmem>>[vector<16xi32>, vector<16xi32>], vector<16xf32>,
        %parallel_loop3A_291 = arith.mulf %parallel_loop3A_290, %parallel_loop3A_166 : vector<16xf32>
        %parallel_loop3A_292 = arith.addf %parallel_loop3A_291, %parallel_loop3A_147 : vector<16xf32>
        %parallel_loop3A_293 = arith.constant 7.680000e+02 : f32
        %parallel_loop3A_294 = vector.broadcast %parallel_loop3A_293 : f32 to vector<16xf32>
        %parallel_loop3A_295 = arith.mulf %parallel_loop3A_292, %parallel_loop3A_294 : vector<16xf32>
        %parallel_loop3A_296 = arith.constant 9 : i32
        %parallel_loop3A_297 = vector.broadcast %parallel_loop3A_296 : i32 to vector<16xi32>
        %parallel_loop3A_298 = tpu.vector_load_idx %arg5[%parallel_loop3A_130, %parallel_loop3A_297] : memref<200x22xf32, #tpu.memory_space<vmem>>[vector<16xi32>, vector<16xi32>], vector<16xf32>,
        %parallel_loop3A_299 = arith.mulf %parallel_loop3A_298, %parallel_loop3A_170 : vector<16xf32>
        %parallel_loop3A_300 = arith.addf %parallel_loop3A_299, %parallel_loop3A_150 : vector<16xf32>
        %parallel_loop3A_301 = arith.constant 7.680000e+02 : f32
        %parallel_loop3A_302 = vector.broadcast %parallel_loop3A_301 : f32 to vector<16xf32>
        %parallel_loop3A_303 = arith.mulf %parallel_loop3A_300, %parallel_loop3A_302 : vector<16xf32>
        %parallel_loop3A_304 = arith.constant 40960 : i32
        %parallel_loop3A_305 = vector.broadcast %parallel_loop3A_304 : i32 to vector<16xi32>
        %parallel_loop3A_306 = arith.addi %parallel_loop3A_305, %parallel_loop3A_135 : vector<16xi32>
        tpu.vector_store_idx %arg6[%parallel_loop3A_306], %parallel_loop3A_295 masked %parallel_loop3A_127 : memref<71680xf32, #tpu.memory_space<vmem>>[vector<16xi32>], vector<16xf32>, vector<16xi1>
        %parallel_loop3A_307 = arith.constant 46080 : i32
        %parallel_loop3A_308 = vector.broadcast %parallel_loop3A_307 : i32 to vector<16xi32>
        %parallel_loop3A_309 = arith.addi %parallel_loop3A_308, %parallel_loop3A_135 : vector<16xi32>
        tpu.vector_store_idx %arg6[%parallel_loop3A_309], %parallel_loop3A_303 masked %parallel_loop3A_127 : memref<71680xf32, #tpu.memory_space<vmem>>[vector<16xi32>], vector<16xf32>, vector<16xi1>
        %parallel_loop3A_310 = arith.constant 10 : i32
        %parallel_loop3A_311 = vector.broadcast %parallel_loop3A_310 : i32 to vector<16xi32>
        %parallel_loop3A_312 = tpu.vector_load_idx %arg5[%parallel_loop3A_130, %parallel_loop3A_311] : memref<200x22xf32, #tpu.memory_space<vmem>>[vector<16xi32>, vector<16xi32>], vector<16xf32>,
        %parallel_loop3A_313 = arith.mulf %parallel_loop3A_312, %parallel_loop3A_166 : vector<16xf32>
        %parallel_loop3A_314 = arith.addf %parallel_loop3A_313, %parallel_loop3A_147 : vector<16xf32>
        %parallel_loop3A_315 = arith.constant 7.680000e+02 : f32
        %parallel_loop3A_316 = vector.broadcast %parallel_loop3A_315 : f32 to vector<16xf32>
        %parallel_loop3A_317 = arith.mulf %parallel_loop3A_314, %parallel_loop3A_316 : vector<16xf32>
        %parallel_loop3A_318 = arith.constant 11 : i32
        %parallel_loop3A_319 = vector.broadcast %parallel_loop3A_318 : i32 to vector<16xi32>
        %parallel_loop3A_320 = tpu.vector_load_idx %arg5[%parallel_loop3A_130, %parallel_loop3A_319] : memref<200x22xf32, #tpu.memory_space<vmem>>[vector<16xi32>, vector<16xi32>], vector<16xf32>,
        %parallel_loop3A_321 = arith.mulf %parallel_loop3A_320, %parallel_loop3A_170 : vector<16xf32>
        %parallel_loop3A_322 = arith.addf %parallel_loop3A_321, %parallel_loop3A_150 : vector<16xf32>
        %parallel_loop3A_323 = arith.constant 7.680000e+02 : f32
        %parallel_loop3A_324 = vector.broadcast %parallel_loop3A_323 : f32 to vector<16xf32>
        %parallel_loop3A_325 = arith.mulf %parallel_loop3A_322, %parallel_loop3A_324 : vector<16xf32>
        %parallel_loop3A_326 = arith.constant 51200 : i32
        %parallel_loop3A_327 = vector.broadcast %parallel_loop3A_326 : i32 to vector<16xi32>
        %parallel_loop3A_328 = arith.addi %parallel_loop3A_327, %parallel_loop3A_135 : vector<16xi32>
        tpu.vector_store_idx %arg6[%parallel_loop3A_328], %parallel_loop3A_317 masked %parallel_loop3A_127 : memref<71680xf32, #tpu.memory_space<vmem>>[vector<16xi32>], vector<16xf32>, vector<16xi1>
        %parallel_loop3A_329 = arith.constant 56320 : i32
        %parallel_loop3A_330 = vector.broadcast %parallel_loop3A_329 : i32 to vector<16xi32>
        %parallel_loop3A_331 = arith.addi %parallel_loop3A_330, %parallel_loop3A_135 : vector<16xi32>
        tpu.vector_store_idx %arg6[%parallel_loop3A_331], %parallel_loop3A_325 masked %parallel_loop3A_127 : memref<71680xf32, #tpu.memory_space<vmem>>[vector<16xi32>], vector<16xf32>, vector<16xi1>
        %parallel_loop3A_332 = arith.constant 12 : i32
        %parallel_loop3A_333 = vector.broadcast %parallel_loop3A_332 : i32 to vector<16xi32>
        %parallel_loop3A_334 = tpu.vector_load_idx %arg5[%parallel_loop3A_130, %parallel_loop3A_333] : memref<200x22xf32, #tpu.memory_space<vmem>>[vector<16xi32>, vector<16xi32>], vector<16xf32>,
        %parallel_loop3A_335 = arith.mulf %parallel_loop3A_334, %parallel_loop3A_166 : vector<16xf32>
        %parallel_loop3A_336 = arith.addf %parallel_loop3A_335, %parallel_loop3A_147 : vector<16xf32>
        %parallel_loop3A_337 = arith.constant 7.680000e+02 : f32
        %parallel_loop3A_338 = vector.broadcast %parallel_loop3A_337 : f32 to vector<16xf32>
        %parallel_loop3A_339 = arith.mulf %parallel_loop3A_336, %parallel_loop3A_338 : vector<16xf32>
        %parallel_loop3A_340 = arith.constant 13 : i32
        %parallel_loop3A_341 = vector.broadcast %parallel_loop3A_340 : i32 to vector<16xi32>
        %parallel_loop3A_342 = tpu.vector_load_idx %arg5[%parallel_loop3A_130, %parallel_loop3A_341] : memref<200x22xf32, #tpu.memory_space<vmem>>[vector<16xi32>, vector<16xi32>], vector<16xf32>,
        %parallel_loop3A_343 = arith.mulf %parallel_loop3A_342, %parallel_loop3A_170 : vector<16xf32>
        %parallel_loop3A_344 = arith.addf %parallel_loop3A_343, %parallel_loop3A_150 : vector<16xf32>
        %parallel_loop3A_345 = arith.constant 7.680000e+02 : f32
        %parallel_loop3A_346 = vector.broadcast %parallel_loop3A_345 : f32 to vector<16xf32>
        %parallel_loop3A_347 = arith.mulf %parallel_loop3A_344, %parallel_loop3A_346 : vector<16xf32>
        %parallel_loop3A_348 = arith.constant 61440 : i32
        %parallel_loop3A_349 = vector.broadcast %parallel_loop3A_348 : i32 to vector<16xi32>
        %parallel_loop3A_350 = arith.addi %parallel_loop3A_349, %parallel_loop3A_135 : vector<16xi32>
        tpu.vector_store_idx %arg6[%parallel_loop3A_350], %parallel_loop3A_339 masked %parallel_loop3A_127 : memref<71680xf32, #tpu.memory_space<vmem>>[vector<16xi32>], vector<16xf32>, vector<16xi1>
        %parallel_loop3A_351 = arith.constant 66560 : i32
        %parallel_loop3A_352 = vector.broadcast %parallel_loop3A_351 : i32 to vector<16xi32>
        %parallel_loop3A_353 = arith.addi %parallel_loop3A_352, %parallel_loop3A_135 : vector<16xi32>
        tpu.vector_store_idx %arg6[%parallel_loop3A_353], %parallel_loop3A_347 masked %parallel_loop3A_127 : memref<71680xf32, #tpu.memory_space<vmem>>[vector<16xi32>], vector<16xf32>, vector<16xi1>
      } {sc.loop_unroll_factor = 1 : i64, sc.parallel_access}
      %add3A_113 = arith.constant 3 : i32
      %add3A_114 = arith.addi %mul3A_83, %add3A_113 : i32
      %lt3A_115 = arith.constant 25 : i32
      %lt3A_116 = arith.cmpi slt, %add3A_114, %lt3A_115 : i32
      %convert_element_type3A_117 = arith.extui %lt3A_116 : i1 to i32
      %cond3A_118 = arith.constant 0 : i32
      %cond3A_119 = arith.cmpi ne, %convert_element_type3A_117, %cond3A_118 : i32
      scf.if %cond3A_119 {
        %add3A_120 = arith.constant 3 : i32
        %add3A_121 = arith.addi %mul3A_83, %add3A_120 : i32
        %mul3A_122 = arith.constant 200 : i32
        %mul3A_123 = arith.muli %add3A_121, %mul3A_122 : i32
        %add3A_124 = arith.addi %mul3A_32, %mul3A_123 : i32
        %dma_start3A_125 = arith.constant 0 : i32
        %dma_start3A_126 = tpu.memref_slice %arg2[%add3A, %add3A_124, %dma_start3A_125] : memref<8x20000x22xf32, #tpu.memory_space<hbm>> -> memref<1x200x22xf32, #tpu.memory_space<hbm>>
        %dma_start3A_127 = tpu.memref_squeeze %dma_start3A_126 : memref<1x200x22xf32, #tpu.memory_space<hbm>> -> memref<200x22xf32, #tpu.memory_space<hbm>>
        %dma_start3A_128 = arith.constant 0 : i32
        %dma_start3A_129 = tpu.memref_slice %arg2[%add3A, %add3A_124, %dma_start3A_128] : memref<8x20000x22xf32, #tpu.memory_space<hbm>> -> memref<1x200x22xf32, #tpu.memory_space<hbm>>
        %dma_start3A_130 = tpu.memref_squeeze %dma_start3A_129 : memref<1x200x22xf32, #tpu.memory_space<hbm>> -> memref<200x22xf32, #tpu.memory_space<hbm>>
        tpu.enqueue_dma source(%dma_start3A_130 : memref<200x22xf32, #tpu.memory_space<hbm>>) target(%arg5 : memref<200x22xf32, #tpu.memory_space<vmem>>) target_semaphore(%arg15 : memref<!tpu.dma_semaphore, #tpu.memory_space<semaphore_mem>>)
      } else {
      }
    }
    %scan3A_54 = arith.constant 12 : i32
    %dma_wait3A = arith.constant 0 : i32
    %dma_wait3A_55 = tpu.memref_slice %arg2[%add3A, %mul3A_32, %dma_wait3A] : memref<8x20000x22xf32, #tpu.memory_space<hbm>> -> memref<1x200x22xf32, #tpu.memory_space<hbm>>
    %dma_wait3A_56 = tpu.memref_squeeze %dma_wait3A_55 : memref<1x200x22xf32, #tpu.memory_space<hbm>> -> memref<200x22xf32, #tpu.memory_space<hbm>>
    %dma_wait3A_57 = arith.constant 0 : i32
    %dma_wait3A_58 = tpu.memref_slice %arg2[%add3A, %mul3A_32, %dma_wait3A_57] : memref<8x20000x22xf32, #tpu.memory_space<hbm>> -> memref<1x200x22xf32, #tpu.memory_space<hbm>>
    %dma_wait3A_59 = tpu.memref_squeeze %dma_wait3A_58 : memref<1x200x22xf32, #tpu.memory_space<hbm>> -> memref<200x22xf32, #tpu.memory_space<hbm>>
    tpu.wait_dma2 semaphore(%arg14 : memref<!tpu.dma_semaphore, #tpu.memory_space<semaphore_mem>>) src(%dma_wait3A_59 : memref<200x22xf32, #tpu.memory_space<hbm>>) dst(%arg4 : memref<200x22xf32, #tpu.memory_space<vmem>>)
    %parallel_loop3A = arith.constant 0 : i32
    %parallel_loop3A_60 = arith.constant 13 : i32
    %parallel_loop3A_61 = arith.constant 1 : i32
    scf.for %parallel_loop3A_81 = %parallel_loop3A to %parallel_loop3A_60 step %parallel_loop3A_61  : i32 {
      %parallel_loop3A_82 = arith.constant 16 : i32
      %parallel_loop3A_83 = arith.muli %parallel_loop3A_81, %parallel_loop3A_82 : i32
      %parallel_loop3A_84 = vector.broadcast %parallel_loop3A_83 : i32 to vector<16xi32>
      %parallel_loop3A_85 = arith.addi %parallel_loop3A_84, %iota3A : vector<16xi32>
      %parallel_loop3A_86 = arith.constant 200 : i32
      %parallel_loop3A_87 = vector.broadcast %parallel_loop3A_86 : i32 to vector<16xi32>
      %parallel_loop3A_88 = arith.cmpi slt, %parallel_loop3A_85, %parallel_loop3A_87 : vector<16xi32>
      %parallel_loop3A_89 = arith.constant 199 : i32
      %parallel_loop3A_90 = vector.broadcast %parallel_loop3A_89 : i32 to vector<16xi32>
      %parallel_loop3A_91 = arith.minsi %parallel_loop3A_85, %parallel_loop3A_90 : vector<16xi32>
      %parallel_loop3A_92 = arith.constant 16 : i32
      %parallel_loop3A_93 = arith.muli %parallel_loop3A_81, %parallel_loop3A_92 : i32
      %parallel_loop3A_94 = arith.constant 4800 : i32
      %parallel_loop3A_95 = arith.addi %parallel_loop3A_94, %parallel_loop3A_93 : i32
      %parallel_loop3A_96 = vector.broadcast %parallel_loop3A_95 : i32 to vector<16xi32>
      %parallel_loop3A_97 = arith.addi %parallel_loop3A_96, %iota3A : vector<16xi32>
      %parallel_loop3A_98 = arith.constant 1 : i32
      %parallel_loop3A_99 = vector.broadcast %parallel_loop3A_98 : i32 to vector<16xi32>
      %parallel_loop3A_100 = tpu.vector_load_idx %arg4[%parallel_loop3A_91, %parallel_loop3A_99] : memref<200x22xf32, #tpu.memory_space<vmem>>[vector<16xi32>, vector<16xi32>], vector<16xf32>,
      %parallel_loop3A_101 = arith.constant 0.00999999977 : f32
      %parallel_loop3A_102 = vector.broadcast %parallel_loop3A_101 : f32 to vector<16xf32>
      %parallel_loop3A_103 = arith.cmpf olt, %parallel_loop3A_100, %parallel_loop3A_102 : vector<16xf32>
      %parallel_loop3A_104 = arith.constant -1.000000e+00 : f32
      %parallel_loop3A_105 = vector.broadcast %parallel_loop3A_104 : f32 to vector<16xf32>
      %parallel_loop3A_106 = arith.select %parallel_loop3A_103, %parallel_loop3A_105, %parallel_loop3A_100 : vector<16xi1>, vector<16xf32>
      %parallel_loop3A_107 = arith.constant 14 : i32
      %parallel_loop3A_108 = vector.broadcast %parallel_loop3A_107 : i32 to vector<16xi32>
      %parallel_loop3A_109 = tpu.vector_load_idx %arg4[%parallel_loop3A_91, %parallel_loop3A_108] : memref<200x22xf32, #tpu.memory_space<vmem>>[vector<16xi32>, vector<16xi32>], vector<16xf32>,
      %parallel_loop3A_110 = arith.constant 15 : i32
      %parallel_loop3A_111 = vector.broadcast %parallel_loop3A_110 : i32 to vector<16xi32>
      %parallel_loop3A_112 = tpu.vector_load_idx %arg4[%parallel_loop3A_91, %parallel_loop3A_111] : memref<200x22xf32, #tpu.memory_space<vmem>>[vector<16xi32>, vector<16xi32>], vector<16xf32>,
      %parallel_loop3A_113 = arith.constant 16 : i32
      %parallel_loop3A_114 = vector.broadcast %parallel_loop3A_113 : i32 to vector<16xi32>
      %parallel_loop3A_115 = tpu.vector_load_idx %arg4[%parallel_loop3A_91, %parallel_loop3A_114] : memref<200x22xf32, #tpu.memory_space<vmem>>[vector<16xi32>, vector<16xi32>], vector<16xf32>,
      %parallel_loop3A_116 = arith.constant 1.000000e-03 : f32
      %parallel_loop3A_117 = vector.broadcast %parallel_loop3A_116 : f32 to vector<16xf32>
      %parallel_loop3A_118 = arith.addf %parallel_loop3A_115, %parallel_loop3A_117 : vector<16xf32>
      %parallel_loop3A_119 = arith.constant 17 : i32
      %parallel_loop3A_120 = vector.broadcast %parallel_loop3A_119 : i32 to vector<16xi32>
      %parallel_loop3A_121 = tpu.vector_load_idx %arg4[%parallel_loop3A_91, %parallel_loop3A_120] : memref<200x22xf32, #tpu.memory_space<vmem>>[vector<16xi32>, vector<16xi32>], vector<16xf32>,
      %parallel_loop3A_122 = arith.constant 1.000000e-03 : f32
      %parallel_loop3A_123 = vector.broadcast %parallel_loop3A_122 : f32 to vector<16xf32>
      %parallel_loop3A_124 = arith.addf %parallel_loop3A_121, %parallel_loop3A_123 : vector<16xf32>
      %parallel_loop3A_125 = arith.constant 18 : i32
      %parallel_loop3A_126 = vector.broadcast %parallel_loop3A_125 : i32 to vector<16xi32>
      %parallel_loop3A_127 = tpu.vector_load_idx %arg4[%parallel_loop3A_91, %parallel_loop3A_126] : memref<200x22xf32, #tpu.memory_space<vmem>>[vector<16xi32>, vector<16xi32>], vector<16xf32>,
      %parallel_loop3A_128 = arith.mulf %parallel_loop3A_127, %parallel_loop3A_118 : vector<16xf32>
      %parallel_loop3A_129 = arith.constant 19 : i32
      %parallel_loop3A_130 = vector.broadcast %parallel_loop3A_129 : i32 to vector<16xi32>
      %parallel_loop3A_131 = tpu.vector_load_idx %arg4[%parallel_loop3A_91, %parallel_loop3A_130] : memref<200x22xf32, #tpu.memory_space<vmem>>[vector<16xi32>, vector<16xi32>], vector<16xf32>,
      %parallel_loop3A_132 = arith.mulf %parallel_loop3A_131, %parallel_loop3A_124 : vector<16xf32>
      %parallel_loop3A_133 = arith.constant 2 : i32
      %parallel_loop3A_134 = vector.broadcast %parallel_loop3A_133 : i32 to vector<16xi32>
      %parallel_loop3A_135 = tpu.vector_load_idx %arg4[%parallel_loop3A_91, %parallel_loop3A_134] : memref<200x22xf32, #tpu.memory_space<vmem>>[vector<16xi32>, vector<16xi32>], vector<16xf32>,
      %parallel_loop3A_136 = arith.mulf %parallel_loop3A_135, %parallel_loop3A_128 : vector<16xf32>
      %parallel_loop3A_137 = arith.addf %parallel_loop3A_136, %parallel_loop3A_109 : vector<16xf32>
      %parallel_loop3A_138 = arith.constant 3 : i32
      %parallel_loop3A_139 = vector.broadcast %parallel_loop3A_138 : i32 to vector<16xi32>
      %parallel_loop3A_140 = tpu.vector_load_idx %arg4[%parallel_loop3A_91, %parallel_loop3A_139] : memref<200x22xf32, #tpu.memory_space<vmem>>[vector<16xi32>, vector<16xi32>], vector<16xf32>,
      %parallel_loop3A_141 = arith.mulf %parallel_loop3A_140, %parallel_loop3A_132 : vector<16xf32>
      %parallel_loop3A_142 = arith.addf %parallel_loop3A_141, %parallel_loop3A_112 : vector<16xf32>
      %parallel_loop3A_143 = arith.constant 4 : i32
      %parallel_loop3A_144 = vector.broadcast %parallel_loop3A_143 : i32 to vector<16xi32>
      %parallel_loop3A_145 = tpu.vector_load_idx %arg4[%parallel_loop3A_91, %parallel_loop3A_144] : memref<200x22xf32, #tpu.memory_space<vmem>>[vector<16xi32>, vector<16xi32>], vector<16xf32>,
      %parallel_loop3A_146 = arith.constant 20 : i32
      %parallel_loop3A_147 = vector.broadcast %parallel_loop3A_146 : i32 to vector<16xi32>
      %parallel_loop3A_148 = tpu.vector_load_idx %arg4[%parallel_loop3A_91, %parallel_loop3A_147] : memref<200x22xf32, #tpu.memory_space<vmem>>[vector<16xi32>, vector<16xi32>], vector<16xf32>,
      %parallel_loop3A_149 = arith.mulf %parallel_loop3A_145, %parallel_loop3A_148 : vector<16xf32>
      %parallel_loop3A_150 = arith.constant -1.000000e+01 : f32
      %parallel_loop3A_151 = arith.constant 1.000000e+01 : f32
      %parallel_loop3A_152 = vector.broadcast %parallel_loop3A_150 : f32 to vector<16xf32>
      %parallel_loop3A_153 = arith.maximumf %parallel_loop3A_152, %parallel_loop3A_149 : vector<16xf32>
      %parallel_loop3A_154 = vector.broadcast %parallel_loop3A_151 : f32 to vector<16xf32>
      %parallel_loop3A_155 = arith.minimumf %parallel_loop3A_154, %parallel_loop3A_153 : vector<16xf32>
      %parallel_loop3A_156 = math.exp %parallel_loop3A_155 : vector<16xf32>
      %parallel_loop3A_157 = arith.mulf %parallel_loop3A_156, %parallel_loop3A_118 : vector<16xf32>
      %parallel_loop3A_158 = arith.constant 5 : i32
      %parallel_loop3A_159 = vector.broadcast %parallel_loop3A_158 : i32 to vector<16xi32>
      %parallel_loop3A_160 = tpu.vector_load_idx %arg4[%parallel_loop3A_91, %parallel_loop3A_159] : memref<200x22xf32, #tpu.memory_space<vmem>>[vector<16xi32>, vector<16xi32>], vector<16xf32>,
      %parallel_loop3A_161 = arith.constant 21 : i32
      %parallel_loop3A_162 = vector.broadcast %parallel_loop3A_161 : i32 to vector<16xi32>
      %parallel_loop3A_163 = tpu.vector_load_idx %arg4[%parallel_loop3A_91, %parallel_loop3A_162] : memref<200x22xf32, #tpu.memory_space<vmem>>[vector<16xi32>, vector<16xi32>], vector<16xf32>,
      %parallel_loop3A_164 = arith.mulf %parallel_loop3A_160, %parallel_loop3A_163 : vector<16xf32>
      %parallel_loop3A_165 = arith.constant -1.000000e+01 : f32
      %parallel_loop3A_166 = arith.constant 1.000000e+01 : f32
      %parallel_loop3A_167 = vector.broadcast %parallel_loop3A_165 : f32 to vector<16xf32>
      %parallel_loop3A_168 = arith.maximumf %parallel_loop3A_167, %parallel_loop3A_164 : vector<16xf32>
      %parallel_loop3A_169 = vector.broadcast %parallel_loop3A_166 : f32 to vector<16xf32>
      %parallel_loop3A_170 = arith.minimumf %parallel_loop3A_169, %parallel_loop3A_168 : vector<16xf32>
      %parallel_loop3A_171 = math.exp %parallel_loop3A_170 : vector<16xf32>
      %parallel_loop3A_172 = arith.mulf %parallel_loop3A_171, %parallel_loop3A_124 : vector<16xf32>
      %parallel_loop3A_173 = arith.constant 5.000000e-01 : f32
      %parallel_loop3A_174 = vector.broadcast %parallel_loop3A_173 : f32 to vector<16xf32>
      %parallel_loop3A_175 = arith.mulf %parallel_loop3A_174, %parallel_loop3A_157 : vector<16xf32>
      %parallel_loop3A_176 = arith.subf %parallel_loop3A_137, %parallel_loop3A_175 : vector<16xf32>
      %parallel_loop3A_177 = arith.constant 7.680000e+02 : f32
      %parallel_loop3A_178 = vector.broadcast %parallel_loop3A_177 : f32 to vector<16xf32>
      %parallel_loop3A_179 = arith.mulf %parallel_loop3A_176, %parallel_loop3A_178 : vector<16xf32>
      %parallel_loop3A_180 = arith.constant 5.000000e-01 : f32
      %parallel_loop3A_181 = vector.broadcast %parallel_loop3A_180 : f32 to vector<16xf32>
      %parallel_loop3A_182 = arith.mulf %parallel_loop3A_181, %parallel_loop3A_172 : vector<16xf32>
      %parallel_loop3A_183 = arith.subf %parallel_loop3A_142, %parallel_loop3A_182 : vector<16xf32>
      %parallel_loop3A_184 = arith.constant 7.680000e+02 : f32
      %parallel_loop3A_185 = vector.broadcast %parallel_loop3A_184 : f32 to vector<16xf32>
      %parallel_loop3A_186 = arith.mulf %parallel_loop3A_183, %parallel_loop3A_185 : vector<16xf32>
      %parallel_loop3A_187 = arith.constant 5.000000e-01 : f32
      %parallel_loop3A_188 = vector.broadcast %parallel_loop3A_187 : f32 to vector<16xf32>
      %parallel_loop3A_189 = arith.mulf %parallel_loop3A_188, %parallel_loop3A_157 : vector<16xf32>
      %parallel_loop3A_190 = arith.addf %parallel_loop3A_137, %parallel_loop3A_189 : vector<16xf32>
      %parallel_loop3A_191 = arith.constant 7.680000e+02 : f32
      %parallel_loop3A_192 = vector.broadcast %parallel_loop3A_191 : f32 to vector<16xf32>
      %parallel_loop3A_193 = arith.mulf %parallel_loop3A_190, %parallel_loop3A_192 : vector<16xf32>
      %parallel_loop3A_194 = arith.constant 5.000000e-01 : f32
      %parallel_loop3A_195 = vector.broadcast %parallel_loop3A_194 : f32 to vector<16xf32>
      %parallel_loop3A_196 = arith.mulf %parallel_loop3A_195, %parallel_loop3A_172 : vector<16xf32>
      %parallel_loop3A_197 = arith.addf %parallel_loop3A_142, %parallel_loop3A_196 : vector<16xf32>
      %parallel_loop3A_198 = arith.constant 7.680000e+02 : f32
      %parallel_loop3A_199 = vector.broadcast %parallel_loop3A_198 : f32 to vector<16xf32>
      %parallel_loop3A_200 = arith.mulf %parallel_loop3A_197, %parallel_loop3A_199 : vector<16xf32>
      %parallel_loop3A_201 = arith.subf %parallel_loop3A_193, %parallel_loop3A_179 : vector<16xf32>
      %parallel_loop3A_202 = arith.constant 0.000000e+00 : f32
      %parallel_loop3A_203 = vector.broadcast %parallel_loop3A_202 : f32 to vector<16xf32>
      %parallel_loop3A_204 = arith.maximumf %parallel_loop3A_201, %parallel_loop3A_203 : vector<16xf32>
      %parallel_loop3A_205 = arith.subf %parallel_loop3A_200, %parallel_loop3A_186 : vector<16xf32>
      %parallel_loop3A_206 = arith.constant 0.000000e+00 : f32
      %parallel_loop3A_207 = vector.broadcast %parallel_loop3A_206 : f32 to vector<16xf32>
      %parallel_loop3A_208 = arith.maximumf %parallel_loop3A_205, %parallel_loop3A_207 : vector<16xf32>
      %parallel_loop3A_209 = arith.mulf %parallel_loop3A_204, %parallel_loop3A_208 : vector<16xf32>
      %parallel_loop3A_210 = arith.constant 0 : i32
      %parallel_loop3A_211 = vector.broadcast %parallel_loop3A_210 : i32 to vector<16xi32>
      %parallel_loop3A_212 = arith.addi %parallel_loop3A_211, %parallel_loop3A_97 : vector<16xi32>
      tpu.vector_store_idx %arg6[%parallel_loop3A_212], %parallel_loop3A_106 masked %parallel_loop3A_88 : memref<71680xf32, #tpu.memory_space<vmem>>[vector<16xi32>], vector<16xf32>, vector<16xi1>
      %parallel_loop3A_213 = arith.constant 5120 : i32
      %parallel_loop3A_214 = vector.broadcast %parallel_loop3A_213 : i32 to vector<16xi32>
      %parallel_loop3A_215 = arith.addi %parallel_loop3A_214, %parallel_loop3A_97 : vector<16xi32>
      tpu.vector_store_idx %arg6[%parallel_loop3A_215], %parallel_loop3A_179 masked %parallel_loop3A_88 : memref<71680xf32, #tpu.memory_space<vmem>>[vector<16xi32>], vector<16xf32>, vector<16xi1>
      %parallel_loop3A_216 = arith.constant 10240 : i32
      %parallel_loop3A_217 = vector.broadcast %parallel_loop3A_216 : i32 to vector<16xi32>
      %parallel_loop3A_218 = arith.addi %parallel_loop3A_217, %parallel_loop3A_97 : vector<16xi32>
      tpu.vector_store_idx %arg6[%parallel_loop3A_218], %parallel_loop3A_186 masked %parallel_loop3A_88 : memref<71680xf32, #tpu.memory_space<vmem>>[vector<16xi32>], vector<16xf32>, vector<16xi1>
      %parallel_loop3A_219 = arith.constant 15360 : i32
      %parallel_loop3A_220 = vector.broadcast %parallel_loop3A_219 : i32 to vector<16xi32>
      %parallel_loop3A_221 = arith.addi %parallel_loop3A_220, %parallel_loop3A_97 : vector<16xi32>
      tpu.vector_store_idx %arg6[%parallel_loop3A_221], %parallel_loop3A_193 masked %parallel_loop3A_88 : memref<71680xf32, #tpu.memory_space<vmem>>[vector<16xi32>], vector<16xf32>, vector<16xi1>
      %parallel_loop3A_222 = arith.constant 20480 : i32
      %parallel_loop3A_223 = vector.broadcast %parallel_loop3A_222 : i32 to vector<16xi32>
      %parallel_loop3A_224 = arith.addi %parallel_loop3A_223, %parallel_loop3A_97 : vector<16xi32>
      tpu.vector_store_idx %arg6[%parallel_loop3A_224], %parallel_loop3A_200 masked %parallel_loop3A_88 : memref<71680xf32, #tpu.memory_space<vmem>>[vector<16xi32>], vector<16xf32>, vector<16xi1>
      %parallel_loop3A_225 = arith.constant 25600 : i32
      %parallel_loop3A_226 = vector.broadcast %parallel_loop3A_225 : i32 to vector<16xi32>
      %parallel_loop3A_227 = arith.addi %parallel_loop3A_226, %parallel_loop3A_97 : vector<16xi32>
      tpu.vector_store_idx %arg6[%parallel_loop3A_227], %parallel_loop3A_209 masked %parallel_loop3A_88 : memref<71680xf32, #tpu.memory_space<vmem>>[vector<16xi32>], vector<16xf32>, vector<16xi1>
      %parallel_loop3A_228 = arith.constant 6 : i32
      %parallel_loop3A_229 = vector.broadcast %parallel_loop3A_228 : i32 to vector<16xi32>
      %parallel_loop3A_230 = tpu.vector_load_idx %arg4[%parallel_loop3A_91, %parallel_loop3A_229] : memref<200x22xf32, #tpu.memory_space<vmem>>[vector<16xi32>, vector<16xi32>], vector<16xf32>,
      %parallel_loop3A_231 = arith.mulf %parallel_loop3A_230, %parallel_loop3A_128 : vector<16xf32>
      %parallel_loop3A_232 = arith.addf %parallel_loop3A_231, %parallel_loop3A_109 : vector<16xf32>
      %parallel_loop3A_233 = arith.constant 7.680000e+02 : f32
      %parallel_loop3A_234 = vector.broadcast %parallel_loop3A_233 : f32 to vector<16xf32>
      %parallel_loop3A_235 = arith.mulf %parallel_loop3A_232, %parallel_loop3A_234 : vector<16xf32>
      %parallel_loop3A_236 = arith.constant 7 : i32
      %parallel_loop3A_237 = vector.broadcast %parallel_loop3A_236 : i32 to vector<16xi32>
      %parallel_loop3A_238 = tpu.vector_load_idx %arg4[%parallel_loop3A_91, %parallel_loop3A_237] : memref<200x22xf32, #tpu.memory_space<vmem>>[vector<16xi32>, vector<16xi32>], vector<16xf32>,
      %parallel_loop3A_239 = arith.mulf %parallel_loop3A_238, %parallel_loop3A_132 : vector<16xf32>
      %parallel_loop3A_240 = arith.addf %parallel_loop3A_239, %parallel_loop3A_112 : vector<16xf32>
      %parallel_loop3A_241 = arith.constant 7.680000e+02 : f32
      %parallel_loop3A_242 = vector.broadcast %parallel_loop3A_241 : f32 to vector<16xf32>
      %parallel_loop3A_243 = arith.mulf %parallel_loop3A_240, %parallel_loop3A_242 : vector<16xf32>
      %parallel_loop3A_244 = arith.constant 30720 : i32
      %parallel_loop3A_245 = vector.broadcast %parallel_loop3A_244 : i32 to vector<16xi32>
      %parallel_loop3A_246 = arith.addi %parallel_loop3A_245, %parallel_loop3A_97 : vector<16xi32>
      tpu.vector_store_idx %arg6[%parallel_loop3A_246], %parallel_loop3A_235 masked %parallel_loop3A_88 : memref<71680xf32, #tpu.memory_space<vmem>>[vector<16xi32>], vector<16xf32>, vector<16xi1>
      %parallel_loop3A_247 = arith.constant 35840 : i32
      %parallel_loop3A_248 = vector.broadcast %parallel_loop3A_247 : i32 to vector<16xi32>
      %parallel_loop3A_249 = arith.addi %parallel_loop3A_248, %parallel_loop3A_97 : vector<16xi32>
      tpu.vector_store_idx %arg6[%parallel_loop3A_249], %parallel_loop3A_243 masked %parallel_loop3A_88 : memref<71680xf32, #tpu.memory_space<vmem>>[vector<16xi32>], vector<16xf32>, vector<16xi1>
      %parallel_loop3A_250 = arith.constant 8 : i32
      %parallel_loop3A_251 = vector.broadcast %parallel_loop3A_250 : i32 to vector<16xi32>
      %parallel_loop3A_252 = tpu.vector_load_idx %arg4[%parallel_loop3A_91, %parallel_loop3A_251] : memref<200x22xf32, #tpu.memory_space<vmem>>[vector<16xi32>, vector<16xi32>], vector<16xf32>,
      %parallel_loop3A_253 = arith.mulf %parallel_loop3A_252, %parallel_loop3A_128 : vector<16xf32>
      %parallel_loop3A_254 = arith.addf %parallel_loop3A_253, %parallel_loop3A_109 : vector<16xf32>
      %parallel_loop3A_255 = arith.constant 7.680000e+02 : f32
      %parallel_loop3A_256 = vector.broadcast %parallel_loop3A_255 : f32 to vector<16xf32>
      %parallel_loop3A_257 = arith.mulf %parallel_loop3A_254, %parallel_loop3A_256 : vector<16xf32>
      %parallel_loop3A_258 = arith.constant 9 : i32
      %parallel_loop3A_259 = vector.broadcast %parallel_loop3A_258 : i32 to vector<16xi32>
      %parallel_loop3A_260 = tpu.vector_load_idx %arg4[%parallel_loop3A_91, %parallel_loop3A_259] : memref<200x22xf32, #tpu.memory_space<vmem>>[vector<16xi32>, vector<16xi32>], vector<16xf32>,
      %parallel_loop3A_261 = arith.mulf %parallel_loop3A_260, %parallel_loop3A_132 : vector<16xf32>
      %parallel_loop3A_262 = arith.addf %parallel_loop3A_261, %parallel_loop3A_112 : vector<16xf32>
      %parallel_loop3A_263 = arith.constant 7.680000e+02 : f32
      %parallel_loop3A_264 = vector.broadcast %parallel_loop3A_263 : f32 to vector<16xf32>
      %parallel_loop3A_265 = arith.mulf %parallel_loop3A_262, %parallel_loop3A_264 : vector<16xf32>
      %parallel_loop3A_266 = arith.constant 40960 : i32
      %parallel_loop3A_267 = vector.broadcast %parallel_loop3A_266 : i32 to vector<16xi32>
      %parallel_loop3A_268 = arith.addi %parallel_loop3A_267, %parallel_loop3A_97 : vector<16xi32>
      tpu.vector_store_idx %arg6[%parallel_loop3A_268], %parallel_loop3A_257 masked %parallel_loop3A_88 : memref<71680xf32, #tpu.memory_space<vmem>>[vector<16xi32>], vector<16xf32>, vector<16xi1>
      %parallel_loop3A_269 = arith.constant 46080 : i32
      %parallel_loop3A_270 = vector.broadcast %parallel_loop3A_269 : i32 to vector<16xi32>
      %parallel_loop3A_271 = arith.addi %parallel_loop3A_270, %parallel_loop3A_97 : vector<16xi32>
      tpu.vector_store_idx %arg6[%parallel_loop3A_271], %parallel_loop3A_265 masked %parallel_loop3A_88 : memref<71680xf32, #tpu.memory_space<vmem>>[vector<16xi32>], vector<16xf32>, vector<16xi1>
      %parallel_loop3A_272 = arith.constant 10 : i32
      %parallel_loop3A_273 = vector.broadcast %parallel_loop3A_272 : i32 to vector<16xi32>
      %parallel_loop3A_274 = tpu.vector_load_idx %arg4[%parallel_loop3A_91, %parallel_loop3A_273] : memref<200x22xf32, #tpu.memory_space<vmem>>[vector<16xi32>, vector<16xi32>], vector<16xf32>,
      %parallel_loop3A_275 = arith.mulf %parallel_loop3A_274, %parallel_loop3A_128 : vector<16xf32>
      %parallel_loop3A_276 = arith.addf %parallel_loop3A_275, %parallel_loop3A_109 : vector<16xf32>
      %parallel_loop3A_277 = arith.constant 7.680000e+02 : f32
      %parallel_loop3A_278 = vector.broadcast %parallel_loop3A_277 : f32 to vector<16xf32>
      %parallel_loop3A_279 = arith.mulf %parallel_loop3A_276, %parallel_loop3A_278 : vector<16xf32>
      %parallel_loop3A_280 = arith.constant 11 : i32
      %parallel_loop3A_281 = vector.broadcast %parallel_loop3A_280 : i32 to vector<16xi32>
      %parallel_loop3A_282 = tpu.vector_load_idx %arg4[%parallel_loop3A_91, %parallel_loop3A_281] : memref<200x22xf32, #tpu.memory_space<vmem>>[vector<16xi32>, vector<16xi32>], vector<16xf32>,
      %parallel_loop3A_283 = arith.mulf %parallel_loop3A_282, %parallel_loop3A_132 : vector<16xf32>
      %parallel_loop3A_284 = arith.addf %parallel_loop3A_283, %parallel_loop3A_112 : vector<16xf32>
      %parallel_loop3A_285 = arith.constant 7.680000e+02 : f32
      %parallel_loop3A_286 = vector.broadcast %parallel_loop3A_285 : f32 to vector<16xf32>
      %parallel_loop3A_287 = arith.mulf %parallel_loop3A_284, %parallel_loop3A_286 : vector<16xf32>
      %parallel_loop3A_288 = arith.constant 51200 : i32
      %parallel_loop3A_289 = vector.broadcast %parallel_loop3A_288 : i32 to vector<16xi32>
      %parallel_loop3A_290 = arith.addi %parallel_loop3A_289, %parallel_loop3A_97 : vector<16xi32>
      tpu.vector_store_idx %arg6[%parallel_loop3A_290], %parallel_loop3A_279 masked %parallel_loop3A_88 : memref<71680xf32, #tpu.memory_space<vmem>>[vector<16xi32>], vector<16xf32>, vector<16xi1>
      %parallel_loop3A_291 = arith.constant 56320 : i32
      %parallel_loop3A_292 = vector.broadcast %parallel_loop3A_291 : i32 to vector<16xi32>
      %parallel_loop3A_293 = arith.addi %parallel_loop3A_292, %parallel_loop3A_97 : vector<16xi32>
      tpu.vector_store_idx %arg6[%parallel_loop3A_293], %parallel_loop3A_287 masked %parallel_loop3A_88 : memref<71680xf32, #tpu.memory_space<vmem>>[vector<16xi32>], vector<16xf32>, vector<16xi1>
      %parallel_loop3A_294 = arith.constant 12 : i32
      %parallel_loop3A_295 = vector.broadcast %parallel_loop3A_294 : i32 to vector<16xi32>
      %parallel_loop3A_296 = tpu.vector_load_idx %arg4[%parallel_loop3A_91, %parallel_loop3A_295] : memref<200x22xf32, #tpu.memory_space<vmem>>[vector<16xi32>, vector<16xi32>], vector<16xf32>,
      %parallel_loop3A_297 = arith.mulf %parallel_loop3A_296, %parallel_loop3A_128 : vector<16xf32>
      %parallel_loop3A_298 = arith.addf %parallel_loop3A_297, %parallel_loop3A_109 : vector<16xf32>
      %parallel_loop3A_299 = arith.constant 7.680000e+02 : f32
      %parallel_loop3A_300 = vector.broadcast %parallel_loop3A_299 : f32 to vector<16xf32>
      %parallel_loop3A_301 = arith.mulf %parallel_loop3A_298, %parallel_loop3A_300 : vector<16xf32>
      %parallel_loop3A_302 = arith.constant 13 : i32
      %parallel_loop3A_303 = vector.broadcast %parallel_loop3A_302 : i32 to vector<16xi32>
      %parallel_loop3A_304 = tpu.vector_load_idx %arg4[%parallel_loop3A_91, %parallel_loop3A_303] : memref<200x22xf32, #tpu.memory_space<vmem>>[vector<16xi32>, vector<16xi32>], vector<16xf32>,
      %parallel_loop3A_305 = arith.mulf %parallel_loop3A_304, %parallel_loop3A_132 : vector<16xf32>
      %parallel_loop3A_306 = arith.addf %parallel_loop3A_305, %parallel_loop3A_112 : vector<16xf32>
      %parallel_loop3A_307 = arith.constant 7.680000e+02 : f32
      %parallel_loop3A_308 = vector.broadcast %parallel_loop3A_307 : f32 to vector<16xf32>
      %parallel_loop3A_309 = arith.mulf %parallel_loop3A_306, %parallel_loop3A_308 : vector<16xf32>
      %parallel_loop3A_310 = arith.constant 61440 : i32
      %parallel_loop3A_311 = vector.broadcast %parallel_loop3A_310 : i32 to vector<16xi32>
      %parallel_loop3A_312 = arith.addi %parallel_loop3A_311, %parallel_loop3A_97 : vector<16xi32>
      tpu.vector_store_idx %arg6[%parallel_loop3A_312], %parallel_loop3A_301 masked %parallel_loop3A_88 : memref<71680xf32, #tpu.memory_space<vmem>>[vector<16xi32>], vector<16xf32>, vector<16xi1>
      %parallel_loop3A_313 = arith.constant 66560 : i32
      %parallel_loop3A_314 = vector.broadcast %parallel_loop3A_313 : i32 to vector<16xi32>
      %parallel_loop3A_315 = arith.addi %parallel_loop3A_314, %parallel_loop3A_97 : vector<16xi32>
      tpu.vector_store_idx %arg6[%parallel_loop3A_315], %parallel_loop3A_309 masked %parallel_loop3A_88 : memref<71680xf32, #tpu.memory_space<vmem>>[vector<16xi32>], vector<16xf32>, vector<16xi1>
    } {sc.loop_unroll_factor = 1 : i64, sc.parallel_access}
    %scan3A_62 = arith.constant 0 : i32
    %scan3A_63 = arith.constant 0 : i32
    %scan3A_64 = arith.constant 8 : i32
    %scan3A_65 = arith.addi %scan3A_63, %scan3A_64 : i32
    %scan3A_66 = arith.constant 1 : i32
    scf.for %scan3A_81 = %scan3A_63 to %scan3A_65 step %scan3A_66  : i32 {
      %mul3A_82 = arith.constant 16 : i32
      %mul3A_83 = arith.muli %scan3A_81, %mul3A_82 : i32
      %add3A_84 = arith.constant 4992 : i32
      %add3A_85 = arith.addi %add3A_84, %mul3A_83 : i32
      %add3A_86 = vector.broadcast %add3A_85 : i32 to vector<16xi32>
      %add3A_87 = arith.addi %add3A_86, %iota3A : vector<16xi32>
      %ge3A = arith.constant 5000 : i32
      %ge3A_88 = vector.broadcast %ge3A : i32 to vector<16xi32>
      %ge3A_89 = arith.cmpi sge, %add3A_87, %ge3A_88 : vector<16xi32>
      %broadcast_in_dim3A_90 = arith.constant -1.000000e+00 : f32
      %broadcast_in_dim3A_91 = vector.broadcast %broadcast_in_dim3A_90 : f32 to vector<16xf32>
      tpu.vector_store_idx %arg6[%add3A_87], %broadcast_in_dim3A_91 masked %ge3A_89 : memref<71680xf32, #tpu.memory_space<vmem>>[vector<16xi32>], vector<16xf32>, vector<16xi1>
      %add3A_92 = arith.constant 5120 : i32
      %add3A_93 = vector.broadcast %add3A_92 : i32 to vector<16xi32>
      %add3A_94 = arith.addi %add3A_93, %add3A_87 : vector<16xi32>
      %broadcast_in_dim3A_95 = arith.constant 0.000000e+00 : f32
      %broadcast_in_dim3A_96 = vector.broadcast %broadcast_in_dim3A_95 : f32 to vector<16xf32>
      tpu.vector_store_idx %arg6[%add3A_94], %broadcast_in_dim3A_96 masked %ge3A_89 : memref<71680xf32, #tpu.memory_space<vmem>>[vector<16xi32>], vector<16xf32>, vector<16xi1>
      %add3A_97 = arith.constant 10240 : i32
      %add3A_98 = vector.broadcast %add3A_97 : i32 to vector<16xi32>
      %add3A_99 = arith.addi %add3A_98, %add3A_87 : vector<16xi32>
      %broadcast_in_dim3A_100 = arith.constant 0.000000e+00 : f32
      %broadcast_in_dim3A_101 = vector.broadcast %broadcast_in_dim3A_100 : f32 to vector<16xf32>
      tpu.vector_store_idx %arg6[%add3A_99], %broadcast_in_dim3A_101 masked %ge3A_89 : memref<71680xf32, #tpu.memory_space<vmem>>[vector<16xi32>], vector<16xf32>, vector<16xi1>
      %add3A_102 = arith.constant 15360 : i32
      %add3A_103 = vector.broadcast %add3A_102 : i32 to vector<16xi32>
      %add3A_104 = arith.addi %add3A_103, %add3A_87 : vector<16xi32>
      %broadcast_in_dim3A_105 = arith.constant 0.000000e+00 : f32
      %broadcast_in_dim3A_106 = vector.broadcast %broadcast_in_dim3A_105 : f32 to vector<16xf32>
      tpu.vector_store_idx %arg6[%add3A_104], %broadcast_in_dim3A_106 masked %ge3A_89 : memref<71680xf32, #tpu.memory_space<vmem>>[vector<16xi32>], vector<16xf32>, vector<16xi1>
      %add3A_107 = arith.constant 20480 : i32
      %add3A_108 = vector.broadcast %add3A_107 : i32 to vector<16xi32>
      %add3A_109 = arith.addi %add3A_108, %add3A_87 : vector<16xi32>
      %broadcast_in_dim3A_110 = arith.constant 0.000000e+00 : f32
      %broadcast_in_dim3A_111 = vector.broadcast %broadcast_in_dim3A_110 : f32 to vector<16xf32>
      tpu.vector_store_idx %arg6[%add3A_109], %broadcast_in_dim3A_111 masked %ge3A_89 : memref<71680xf32, #tpu.memory_space<vmem>>[vector<16xi32>], vector<16xf32>, vector<16xi1>
      %add3A_112 = arith.constant 25600 : i32
      %add3A_113 = vector.broadcast %add3A_112 : i32 to vector<16xi32>
      %add3A_114 = arith.addi %add3A_113, %add3A_87 : vector<16xi32>
      %broadcast_in_dim3A_115 = arith.constant 0.000000e+00 : f32
      %broadcast_in_dim3A_116 = vector.broadcast %broadcast_in_dim3A_115 : f32 to vector<16xf32>
      tpu.vector_store_idx %arg6[%add3A_114], %broadcast_in_dim3A_116 masked %ge3A_89 : memref<71680xf32, #tpu.memory_space<vmem>>[vector<16xi32>], vector<16xf32>, vector<16xi1>
    }
    %scan3A_67 = arith.constant 8 : i32
    %scan3A_68 = arith.constant 0 : i32
    %scan3A_69 = arith.constant 0 : i32
    %scan3A_70 = arith.constant 320 : i32
    %scan3A_71 = arith.addi %scan3A_69, %scan3A_70 : i32
    %scan3A_72 = arith.constant 1 : i32
    scf.for %scan3A_81 = %scan3A_69 to %scan3A_71 step %scan3A_72  : i32 {
      %mul3A_82 = arith.constant 16 : i32
      %mul3A_83 = arith.muli %scan3A_81, %mul3A_82 : i32
      %get3A = arith.index_cast %mul3A_83 : i32 to index
      %get3A_84 = tpu.vector_load %arg6[%get3A] {strides = array<i32>} : memref<71680xf32, #tpu.memory_space<vmem>>, vector<16xf32>,
      %broadcast_in_dim3A_85 = arith.constant 0 : i32
      %broadcast_in_dim3A_86 = vector.broadcast %broadcast_in_dim3A_85 : i32 to vector<16xi32>
      %add3A_87 = vector.broadcast %scan3A_81 : i32 to vector<16xi32>
      %add3A_88 = arith.addi %broadcast_in_dim3A_86, %add3A_87 : vector<16xi32>
      %broadcast_in_dim3A_89 = arith.constant 0.000000e+00 : f32
      %broadcast_in_dim3A_90 = vector.broadcast %broadcast_in_dim3A_89 : f32 to vector<16xf32>
      %reduce_max3A = arith.constant true
      %reduce_max3A_91 = vector.broadcast %reduce_max3A : i1 to vector<16xi1>
      %reduce_max3A_92 = tpu.scan <max>, %get3A_84 masked %reduce_max3A_91 : vector<16xf32>, vector<16xi1> -> vector<16xf32>
      %reduce_max3A_93 = vector.extract %reduce_max3A_92[15] : f32 from vector<16xf32>
      %add3A_94 = vector.broadcast %reduce_max3A_93 : f32 to vector<16xf32>
      %add3A_95 = arith.addf %broadcast_in_dim3A_90, %add3A_94 : vector<16xf32>
      %eq3A_96 = arith.constant 0 : i32
      %eq3A_97 = vector.broadcast %eq3A_96 : i32 to vector<16xi32>
      %eq3A_98 = arith.cmpi eq, %iota3A, %eq3A_97 : vector<16xi32>
      tpu.vector_store_idx %arg7[%add3A_88], %add3A_95 masked %eq3A_98 : memref<320xf32, #tpu.memory_space<vmem>>[vector<16xi32>], vector<16xf32>, vector<16xi1>
    }
    %scan3A_73 = arith.constant 320 : i32
    %broadcast_in_dim3A = arith.constant 0.000000e+00 : f32
    %broadcast_in_dim3A_74 = vector.broadcast %broadcast_in_dim3A : f32 to vector<16xf32>
    %scan3A_75 = arith.constant 0 : i32
    %scan3A_76 = arith.constant 10 : i32
    %scan3A_77 = arith.addi %scan3A_75, %scan3A_76 : i32
    %scan3A_78 = arith.constant 1 : i32
    %scan3A_79:5 = scf.for %scan3A_81 = %scan3A_75 to %scan3A_77 step %scan3A_78 iter_args(%scan3A_82 = %broadcast_in_dim3A_74, %scan3A_83 = %broadcast_in_dim3A_74, %scan3A_84 = %broadcast_in_dim3A_74, %scan3A_85 = %broadcast_in_dim3A_74, %scan3A_86 = %broadcast_in_dim3A_74) -> (vector<16xf32>, vector<16xf32>, vector<16xf32>, vector<16xf32>, vector<16xf32>)  : i32 {
      %while3A = arith.constant 0 : i32
      %while3A_87 = arith.constant 0 : i32
      %while3A_88 = arith.constant -2.000000e+00 : f32
      %while3A_89:3 = scf.while (%while3A_289 = %while3A, %while3A_290 = %while3A_87, %while3A_291 = %while3A_88) : (i32, i32, f32) -> (i32, i32, f32) {
        %eq3A_292 = arith.constant 0 : i32
        %eq3A_293 = arith.cmpi eq, %while3A_289, %eq3A_292 : i32
        scf.condition(%eq3A_293) %while3A_289, %while3A_290, %while3A_291 : i32, i32, f32
      } do {
      ^bb0(%while3A_289: i32, %while3A_290: i32, %while3A_291: f32):
        %broadcast_in_dim3A_292 = arith.constant -2.000000e+00 : f32
        %broadcast_in_dim3A_293 = vector.broadcast %broadcast_in_dim3A_292 : f32 to vector<16xf32>
        %broadcast_in_dim3A_294 = arith.constant 1073741824 : i32
        %broadcast_in_dim3A_295 = vector.broadcast %broadcast_in_dim3A_294 : i32 to vector<16xi32>
        %scan3A_296 = arith.constant 0 : i32
        %scan3A_297 = arith.constant 20 : i32
        %scan3A_298 = arith.addi %scan3A_296, %scan3A_297 : i32
        %scan3A_299 = arith.constant 1 : i32
        %scan3A_300:2 = scf.for %scan3A_414 = %scan3A_296 to %scan3A_298 step %scan3A_299 iter_args(%scan3A_415 = %broadcast_in_dim3A_293, %scan3A_416 = %broadcast_in_dim3A_295) -> (vector<16xf32>, vector<16xi32>)  : i32 {
          %mul3A_417 = arith.constant 16 : i32
          %mul3A_418 = arith.muli %scan3A_414, %mul3A_417 : i32
          %get3A_419 = arith.index_cast %mul3A_418 : i32 to index
          %get3A_420 = tpu.vector_load %arg7[%get3A_419] {strides = array<i32>} : memref<320xf32, #tpu.memory_space<vmem>>, vector<16xf32>,
          %mul3A_421 = arith.constant 16 : i32
          %mul3A_422 = arith.muli %scan3A_414, %mul3A_421 : i32
          %add3A_423 = vector.broadcast %mul3A_422 : i32 to vector<16xi32>
          %add3A_424 = arith.addi %add3A_423, %iota3A : vector<16xi32>
          %gt3A_425 = arith.cmpf ogt, %get3A_420, %scan3A_415 : vector<16xf32>
          %eq3A_426 = arith.cmpf oeq, %get3A_420, %scan3A_415 : vector<16xf32>
          %lt3A_427 = arith.cmpi slt, %add3A_424, %scan3A_416 : vector<16xi32>
          %and3A_428 = arith.andi %eq3A_426, %lt3A_427 : vector<16xi1>
          %or3A_429 = arith.ori %gt3A_425, %and3A_428 : vector<16xi1>
          %select_n3A_430 = arith.select %or3A_429, %get3A_420, %scan3A_415 : vector<16xi1>, vector<16xf32>
          %select_n3A_431 = arith.select %or3A_429, %add3A_424, %scan3A_416 : vector<16xi1>, vector<16xi32>
          scf.yield %select_n3A_430, %select_n3A_431 : vector<16xf32>, vector<16xi32>
        }
        %scan3A_301 = arith.constant 20 : i32
        %reduce_max3A_302 = arith.constant true
        %reduce_max3A_303 = vector.broadcast %reduce_max3A_302 : i1 to vector<16xi1>
        %reduce_max3A_304 = tpu.scan <max>, %scan3A_300#0 masked %reduce_max3A_303 : vector<16xf32>, vector<16xi1> -> vector<16xf32>
        %reduce_max3A_305 = vector.extract %reduce_max3A_304[15] : f32 from vector<16xf32>
        %eq3A_306 = vector.broadcast %reduce_max3A_305 : f32 to vector<16xf32>
        %eq3A_307 = arith.cmpf oeq, %scan3A_300#0, %eq3A_306 : vector<16xf32>
        %jit3A_308 = arith.constant 1073741824 : i32
        %broadcast_in_dim3A_309 = vector.broadcast %jit3A_308 : i32 to vector<16xi32>
        %select_n3A_310 = arith.select %eq3A_307, %scan3A_300#1, %broadcast_in_dim3A_309 : vector<16xi1>, vector<16xi32>
        %reduce_min3A_311 = arith.constant true
        %reduce_min3A_312 = vector.broadcast %reduce_min3A_311 : i1 to vector<16xi1>
        %reduce_min3A_313 = arith.constant -2147483648 : i32
        %reduce_min3A_314 = vector.broadcast %reduce_min3A_313 : i32 to vector<16xi32>
        %reduce_min3A_315 = arith.xori %select_n3A_310, %reduce_min3A_314 : vector<16xi32>
        %reduce_min3A_316 = tpu.scan <min>, %reduce_min3A_315 masked %reduce_min3A_312 : vector<16xi32>, vector<16xi1> -> vector<16xi32>
        %reduce_min3A_317 = arith.xori %reduce_min3A_316, %reduce_min3A_314 : vector<16xi32>
        %reduce_min3A_318 = vector.extract %reduce_min3A_317[15] : i32 from vector<16xi32>
        %mul3A_319 = arith.constant 16 : i32
        %mul3A_320 = arith.muli %reduce_min3A_318, %mul3A_319 : i32
        %get3A_321 = arith.index_cast %mul3A_320 : i32 to index
        %get3A_322 = tpu.vector_load %arg6[%get3A_321] {strides = array<i32>} : memref<71680xf32, #tpu.memory_space<vmem>>, vector<16xf32>,
        %eq3A_323 = vector.broadcast %reduce_max3A_305 : f32 to vector<16xf32>
        %eq3A_324 = arith.cmpf oeq, %get3A_322, %eq3A_323 : vector<16xf32>
        %jit3A_325 = arith.constant 99 : i32
        %broadcast_in_dim3A_326 = vector.broadcast %jit3A_325 : i32 to vector<16xi32>
        %select_n3A_327 = arith.select %eq3A_324, %iota3A, %broadcast_in_dim3A_326 : vector<16xi1>, vector<16xi32>
        %reduce_min3A_328 = arith.constant true
        %reduce_min3A_329 = vector.broadcast %reduce_min3A_328 : i1 to vector<16xi1>
        %reduce_min3A_330 = arith.constant -2147483648 : i32
        %reduce_min3A_331 = vector.broadcast %reduce_min3A_330 : i32 to vector<16xi32>
        %reduce_min3A_332 = arith.xori %select_n3A_327, %reduce_min3A_331 : vector<16xi32>
        %reduce_min3A_333 = tpu.scan <min>, %reduce_min3A_332 masked %reduce_min3A_329 : vector<16xi32>, vector<16xi1> -> vector<16xi32>
        %reduce_min3A_334 = arith.xori %reduce_min3A_333, %reduce_min3A_331 : vector<16xi32>
        %reduce_min3A_335 = vector.extract %reduce_min3A_334[15] : i32 from vector<16xi32>
        %mul3A_336 = arith.constant 16 : i32
        %mul3A_337 = arith.muli %reduce_min3A_318, %mul3A_336 : i32
        %add3A_338 = arith.addi %mul3A_337, %reduce_min3A_335 : i32
        %broadcast_in_dim3A_339 = arith.constant 0 : i32
        %broadcast_in_dim3A_340 = vector.broadcast %broadcast_in_dim3A_339 : i32 to vector<16xi32>
        %add3A_341 = arith.constant 5120 : i32
        %add3A_342 = vector.broadcast %add3A_341 : i32 to vector<16xi32>
        %add3A_343 = arith.addi %broadcast_in_dim3A_340, %add3A_342 : vector<16xi32>
        %add3A_344 = vector.broadcast %add3A_338 : i32 to vector<16xi32>
        %add3A_345 = arith.addi %add3A_343, %add3A_344 : vector<16xi32>
        %gather3A_346 = tpu.vector_load_idx %arg6[%add3A_345] : memref<71680xf32, #tpu.memory_space<vmem>>[vector<16xi32>], vector<16xf32>,
        %broadcast_in_dim3A_347 = arith.constant 0 : i32
        %broadcast_in_dim3A_348 = vector.broadcast %broadcast_in_dim3A_347 : i32 to vector<16xi32>
        %add3A_349 = arith.constant 10240 : i32
        %add3A_350 = vector.broadcast %add3A_349 : i32 to vector<16xi32>
        %add3A_351 = arith.addi %broadcast_in_dim3A_348, %add3A_350 : vector<16xi32>
        %add3A_352 = vector.broadcast %add3A_338 : i32 to vector<16xi32>
        %add3A_353 = arith.addi %add3A_351, %add3A_352 : vector<16xi32>
        %gather3A_354 = tpu.vector_load_idx %arg6[%add3A_353] : memref<71680xf32, #tpu.memory_space<vmem>>[vector<16xi32>], vector<16xf32>,
        %broadcast_in_dim3A_355 = arith.constant 0 : i32
        %broadcast_in_dim3A_356 = vector.broadcast %broadcast_in_dim3A_355 : i32 to vector<16xi32>
        %add3A_357 = arith.constant 15360 : i32
        %add3A_358 = vector.broadcast %add3A_357 : i32 to vector<16xi32>
        %add3A_359 = arith.addi %broadcast_in_dim3A_356, %add3A_358 : vector<16xi32>
        %add3A_360 = vector.broadcast %add3A_338 : i32 to vector<16xi32>
        %add3A_361 = arith.addi %add3A_359, %add3A_360 : vector<16xi32>
        %gather3A_362 = tpu.vector_load_idx %arg6[%add3A_361] : memref<71680xf32, #tpu.memory_space<vmem>>[vector<16xi32>], vector<16xf32>,
        %broadcast_in_dim3A_363 = arith.constant 0 : i32
        %broadcast_in_dim3A_364 = vector.broadcast %broadcast_in_dim3A_363 : i32 to vector<16xi32>
        %add3A_365 = arith.constant 20480 : i32
        %add3A_366 = vector.broadcast %add3A_365 : i32 to vector<16xi32>
        %add3A_367 = arith.addi %broadcast_in_dim3A_364, %add3A_366 : vector<16xi32>
        %add3A_368 = vector.broadcast %add3A_338 : i32 to vector<16xi32>
        %add3A_369 = arith.addi %add3A_367, %add3A_368 : vector<16xi32>
        %gather3A_370 = tpu.vector_load_idx %arg6[%add3A_369] : memref<71680xf32, #tpu.memory_space<vmem>>[vector<16xi32>], vector<16xf32>,
        %broadcast_in_dim3A_371 = arith.constant 0 : i32
        %broadcast_in_dim3A_372 = vector.broadcast %broadcast_in_dim3A_371 : i32 to vector<16xi32>
        %add3A_373 = arith.constant 25600 : i32
        %add3A_374 = vector.broadcast %add3A_373 : i32 to vector<16xi32>
        %add3A_375 = arith.addi %broadcast_in_dim3A_372, %add3A_374 : vector<16xi32>
        %add3A_376 = vector.broadcast %add3A_338 : i32 to vector<16xi32>
        %add3A_377 = arith.addi %add3A_375, %add3A_376 : vector<16xi32>
        %gather3A_378 = tpu.vector_load_idx %arg6[%add3A_377] : memref<71680xf32, #tpu.memory_space<vmem>>[vector<16xi32>], vector<16xf32>,
        %min3A_379 = arith.minimumf %scan3A_84, %gather3A_362 : vector<16xf32>
        %max3A_380 = arith.maximumf %scan3A_82, %gather3A_346 : vector<16xf32>
        %sub3A_381 = arith.subf %min3A_379, %max3A_380 : vector<16xf32>
        %max3A_382 = arith.constant 0.000000e+00 : f32
        %max3A_383 = vector.broadcast %max3A_382 : f32 to vector<16xf32>
        %max3A_384 = arith.maximumf %sub3A_381, %max3A_383 : vector<16xf32>
        %min3A_385 = arith.minimumf %scan3A_85, %gather3A_370 : vector<16xf32>
        %max3A_386 = arith.maximumf %scan3A_83, %gather3A_354 : vector<16xf32>
        %sub3A_387 = arith.subf %min3A_385, %max3A_386 : vector<16xf32>
        %max3A_388 = arith.constant 0.000000e+00 : f32
        %max3A_389 = vector.broadcast %max3A_388 : f32 to vector<16xf32>
        %max3A_390 = arith.maximumf %sub3A_387, %max3A_389 : vector<16xf32>
        %mul3A_391 = arith.mulf %max3A_384, %max3A_390 : vector<16xf32>
        %add3A_392 = arith.addf %scan3A_86, %gather3A_378 : vector<16xf32>
        %sub3A_393 = arith.subf %add3A_392, %mul3A_391 : vector<16xf32>
        %add3A_394 = arith.constant 9.99999993E-9 : f32
        %add3A_395 = vector.broadcast %add3A_394 : f32 to vector<16xf32>
        %add3A_396 = arith.addf %sub3A_393, %add3A_395 : vector<16xf32>
        %div3A_397 = arith.divf %mul3A_391, %add3A_396 : vector<16xf32>
        %reduce_max3A_398 = arith.constant true
        %reduce_max3A_399 = vector.broadcast %reduce_max3A_398 : i1 to vector<16xi1>
        %reduce_max3A_400 = tpu.scan <max>, %div3A_397 masked %reduce_max3A_399 : vector<16xf32>, vector<16xi1> -> vector<16xf32>
        %reduce_max3A_401 = vector.extract %reduce_max3A_400[15] : f32 from vector<16xf32>
        %gt3A = arith.constant 4.500000e-01 : f32
        %gt3A_402 = arith.cmpf ogt, %reduce_max3A_401, %gt3A : f32
        %lt3A_403 = arith.constant 0.000000e+00 : f32
        %lt3A_404 = arith.cmpf olt, %reduce_max3A_305, %lt3A_403 : f32
        %not3A = arith.constant true
        %not3A_405 = arith.xori %gt3A_402, %not3A : i1
        %or3A = arith.ori %lt3A_404, %not3A_405 : i1
        %not3A_406 = arith.constant true
        %not3A_407 = arith.xori %or3A, %not3A_406 : i1
        %convert_element_type3A_408 = arith.extui %not3A_407 : i1 to i32
        %cond3A_409 = arith.constant 0 : i32
        %cond3A_410 = arith.cmpi ne, %convert_element_type3A_408, %cond3A_409 : i32
        scf.if %cond3A_410 {
          %broadcast_in_dim3A_414 = arith.constant 0 : i32
          %broadcast_in_dim3A_415 = vector.broadcast %broadcast_in_dim3A_414 : i32 to vector<16xi32>
          %add3A_416 = vector.broadcast %add3A_338 : i32 to vector<16xi32>
          %add3A_417 = arith.addi %broadcast_in_dim3A_415, %add3A_416 : vector<16xi32>
          %broadcast_in_dim3A_418 = arith.constant -1.000000e+00 : f32
          %broadcast_in_dim3A_419 = vector.broadcast %broadcast_in_dim3A_418 : f32 to vector<16xf32>
          %eq3A_420 = arith.constant 0 : i32
          %eq3A_421 = vector.broadcast %eq3A_420 : i32 to vector<16xi32>
          %eq3A_422 = arith.cmpi eq, %iota3A, %eq3A_421 : vector<16xi32>
          tpu.vector_store_idx %arg6[%add3A_417], %broadcast_in_dim3A_419 masked %eq3A_422 : memref<71680xf32, #tpu.memory_space<vmem>>[vector<16xi32>], vector<16xf32>, vector<16xi1>
          %eq3A_423 = vector.broadcast %reduce_min3A_335 : i32 to vector<16xi32>
          %eq3A_424 = arith.cmpi eq, %iota3A, %eq3A_423 : vector<16xi32>
          %jit3A_425 = arith.constant -1.000000e+00 : f32
          %broadcast_in_dim3A_426 = vector.broadcast %jit3A_425 : f32 to vector<16xf32>
          %select_n3A_427 = arith.select %eq3A_424, %broadcast_in_dim3A_426, %get3A_322 : vector<16xi1>, vector<16xf32>
          %broadcast_in_dim3A_428 = arith.constant 0 : i32
          %broadcast_in_dim3A_429 = vector.broadcast %broadcast_in_dim3A_428 : i32 to vector<16xi32>
          %add3A_430 = vector.broadcast %reduce_min3A_318 : i32 to vector<16xi32>
          %add3A_431 = arith.addi %broadcast_in_dim3A_429, %add3A_430 : vector<16xi32>
          %broadcast_in_dim3A_432 = arith.constant 0.000000e+00 : f32
          %broadcast_in_dim3A_433 = vector.broadcast %broadcast_in_dim3A_432 : f32 to vector<16xf32>
          %reduce_max3A_434 = arith.constant true
          %reduce_max3A_435 = vector.broadcast %reduce_max3A_434 : i1 to vector<16xi1>
          %reduce_max3A_436 = tpu.scan <max>, %select_n3A_427 masked %reduce_max3A_435 : vector<16xf32>, vector<16xi1> -> vector<16xf32>
          %reduce_max3A_437 = vector.extract %reduce_max3A_436[15] : f32 from vector<16xf32>
          %add3A_438 = vector.broadcast %reduce_max3A_437 : f32 to vector<16xf32>
          %add3A_439 = arith.addf %broadcast_in_dim3A_433, %add3A_438 : vector<16xf32>
          %eq3A_440 = arith.constant 0 : i32
          %eq3A_441 = vector.broadcast %eq3A_440 : i32 to vector<16xi32>
          %eq3A_442 = arith.cmpi eq, %iota3A, %eq3A_441 : vector<16xi32>
          tpu.vector_store_idx %arg7[%add3A_431], %add3A_439 masked %eq3A_442 : memref<320xf32, #tpu.memory_space<vmem>>[vector<16xi32>], vector<16xf32>, vector<16xi1>
        } else {
        }
        %jit3A_411 = arith.constant 1 : i32
        %jit3A_412 = arith.constant 0 : i32
        %select_n3A_413 = arith.select %or3A, %jit3A_411, %jit3A_412 : i32
        scf.yield %select_n3A_413, %add3A_338, %reduce_max3A_305 : i32, i32, f32
      }
      %add3A_90 = arith.addi %mul3A_32, %while3A_89#1 : i32
      %convert_element_type3A = arith.sitofp %add3A_90 : i32 to f32
      %ge3A = arith.constant 5 : i32
      %ge3A_91 = vector.broadcast %ge3A : i32 to vector<16xi32>
      %ge3A_92 = arith.cmpi sge, %iota3A, %ge3A_91 : vector<16xi32>
      %jit3A_93 = arith.constant 1 : i32
      %jit3A_94 = arith.constant 0 : i32
      %broadcast_in_dim3A_95 = vector.broadcast %jit3A_93 : i32 to vector<16xi32>
      %broadcast_in_dim3A_96 = vector.broadcast %jit3A_94 : i32 to vector<16xi32>
      %select_n3A_97 = arith.select %ge3A_92, %broadcast_in_dim3A_95, %broadcast_in_dim3A_96 : vector<16xi1>, vector<16xi32>
      %add3A_98 = arith.addi %iota3A, %select_n3A_97 : vector<16xi32>
      %min3A = arith.constant 13 : i32
      %min3A_99 = vector.broadcast %min3A : i32 to vector<16xi32>
      %min3A_100 = arith.minsi %add3A_98, %min3A_99 : vector<16xi32>
      %mul3A_101 = arith.constant 5120 : i32
      %mul3A_102 = vector.broadcast %mul3A_101 : i32 to vector<16xi32>
      %mul3A_103 = arith.muli %min3A_100, %mul3A_102 : vector<16xi32>
      %add3A_104 = vector.broadcast %while3A_89#1 : i32 to vector<16xi32>
      %add3A_105 = arith.addi %mul3A_103, %add3A_104 : vector<16xi32>
      %gather3A = tpu.vector_load_idx %arg6[%add3A_105] : memref<71680xf32, #tpu.memory_space<vmem>>[vector<16xi32>], vector<16xf32>,
      %eq3A_106 = arith.constant 13 : i32
      %eq3A_107 = vector.broadcast %eq3A_106 : i32 to vector<16xi32>
      %eq3A_108 = arith.cmpi eq, %iota3A, %eq3A_107 : vector<16xi32>
      %broadcast_in_dim3A_109 = vector.broadcast %convert_element_type3A : f32 to vector<16xf32>
      %select_n3A_110 = arith.select %eq3A_108, %broadcast_in_dim3A_109, %gather3A : vector<16xi1>, vector<16xf32>
      %ge3A_111 = arith.constant 14 : i32
      %ge3A_112 = vector.broadcast %ge3A_111 : i32 to vector<16xi32>
      %ge3A_113 = arith.cmpi sge, %iota3A, %ge3A_112 : vector<16xi32>
      %jit3A_114 = arith.constant 0.000000e+00 : f32
      %broadcast_in_dim3A_115 = vector.broadcast %jit3A_114 : f32 to vector<16xf32>
      %select_n3A_116 = arith.select %ge3A_113, %broadcast_in_dim3A_115, %select_n3A_110 : vector<16xi1>, vector<16xf32>
      %swap3A = arith.constant 0 : i32
      %swap3A_117 = arith.index_cast %swap3A : i32 to index
      %swap3A_118 = arith.constant 0 : index
      %swap3A_119 = tpu.vector_load %arg10[%swap3A_117, %swap3A_118] {strides = array<i32>} : memref<8x128xf32, #tpu.memory_space<vmem>>, vector<16xf32>,
      tpu.vector_store %arg10[%swap3A_117, %swap3A_118], %select_n3A_116 {strides = array<i32>} : memref<8x128xf32, #tpu.memory_space<vmem>>, vector<16xf32>,
      "tpu.region"() ({
        %run_scoped3A = tpu.sem_alloc : memref<!tpu.dma_semaphore, #tpu.memory_space<semaphore_mem>>
        %dma_start3A_289 = arith.constant 0 : i32
        %dma_start3A_290 = arith.constant 0 : i32
        %dma_start3A_291 = tpu.memref_slice %arg13[%arg1, %dma_start3A_289, %dma_start3A_290] : memref<16x8x128xf32, #tpu.memory_space<vmem_shared>> -> memref<1x8x128xf32, #tpu.memory_space<vmem_shared>>
        %dma_start3A_292 = tpu.memref_squeeze %dma_start3A_291 : memref<1x8x128xf32, #tpu.memory_space<vmem_shared>> -> memref<8x128xf32, #tpu.memory_space<vmem_shared>>
        %dma_start3A_293 = arith.constant 0 : i32
        %dma_start3A_294 = arith.constant 0 : i32
        %dma_start3A_295 = tpu.memref_slice %arg13[%arg1, %dma_start3A_293, %dma_start3A_294] : memref<16x8x128xf32, #tpu.memory_space<vmem_shared>> -> memref<1x8x128xf32, #tpu.memory_space<vmem_shared>>
        %dma_start3A_296 = tpu.memref_squeeze %dma_start3A_295 : memref<1x8x128xf32, #tpu.memory_space<vmem_shared>> -> memref<8x128xf32, #tpu.memory_space<vmem_shared>>
        tpu.enqueue_dma source(%arg10 : memref<8x128xf32, #tpu.memory_space<vmem>>) target(%dma_start3A_296 : memref<8x128xf32, #tpu.memory_space<vmem_shared>>) target_semaphore(%run_scoped3A : memref<!tpu.dma_semaphore, #tpu.memory_space<semaphore_mem>>)
        %dma_wait3A_297 = arith.constant 0 : i32
        %dma_wait3A_298 = arith.constant 0 : i32
        %dma_wait3A_299 = tpu.memref_slice %arg13[%arg1, %dma_wait3A_297, %dma_wait3A_298] : memref<16x8x128xf32, #tpu.memory_space<vmem_shared>> -> memref<1x8x128xf32, #tpu.memory_space<vmem_shared>>
        %dma_wait3A_300 = tpu.memref_squeeze %dma_wait3A_299 : memref<1x8x128xf32, #tpu.memory_space<vmem_shared>> -> memref<8x128xf32, #tpu.memory_space<vmem_shared>>
        %dma_wait3A_301 = arith.constant 0 : i32
        %dma_wait3A_302 = arith.constant 0 : i32
        %dma_wait3A_303 = tpu.memref_slice %arg13[%arg1, %dma_wait3A_301, %dma_wait3A_302] : memref<16x8x128xf32, #tpu.memory_space<vmem_shared>> -> memref<1x8x128xf32, #tpu.memory_space<vmem_shared>>
        %dma_wait3A_304 = tpu.memref_squeeze %dma_wait3A_303 : memref<1x8x128xf32, #tpu.memory_space<vmem_shared>> -> memref<8x128xf32, #tpu.memory_space<vmem_shared>>
        tpu.wait_dma2 semaphore(%run_scoped3A : memref<!tpu.dma_semaphore, #tpu.memory_space<semaphore_mem>>) src(%arg10 : memref<8x128xf32, #tpu.memory_space<vmem>>) dst(%dma_wait3A_304 : memref<8x128xf32, #tpu.memory_space<vmem_shared>>)
        tpu.yield
      }) : () -> ()
      %barrier3A = arith.constant 0 : index
      tpu.barrier barrier_id(%barrier3A)
      %jit3A_120 = arith.constant 4 : i32
      %div3A_121 = arith.divsi %arg1, %jit3A_120 : i32
      %sign3A_122 = arith.constant 0 : i32
      %sign3A_123 = arith.cmpi sgt, %arg1, %sign3A_122 : i32
      %sign3A_124 = arith.extui %sign3A_123 : i1 to i32
      %sign3A_125 = arith.constant 0 : i32
      %sign3A_126 = arith.cmpi slt, %arg1, %sign3A_125 : i32
      %sign3A_127 = arith.extui %sign3A_126 : i1 to i32
      %sign3A_128 = arith.subi %sign3A_124, %sign3A_127 : i32
      %sign3A_129 = arith.constant 0 : i32
      %sign3A_130 = arith.cmpi sgt, %jit3A_120, %sign3A_129 : i32
      %sign3A_131 = arith.extui %sign3A_130 : i1 to i32
      %sign3A_132 = arith.constant 0 : i32
      %sign3A_133 = arith.cmpi slt, %jit3A_120, %sign3A_132 : i32
      %sign3A_134 = arith.extui %sign3A_133 : i1 to i32
      %sign3A_135 = arith.subi %sign3A_131, %sign3A_134 : i32
      %ne3A_136 = arith.cmpi ne, %sign3A_128, %sign3A_135 : i32
      %rem3A_137 = arith.remsi %arg1, %jit3A_120 : i32
      %ne3A_138 = arith.constant 0 : i32
      %ne3A_139 = arith.cmpi ne, %rem3A_137, %ne3A_138 : i32
      %and3A_140 = arith.andi %ne3A_136, %ne3A_139 : i1
      %sub3A_141 = arith.constant 1 : i32
      %sub3A_142 = arith.subi %div3A_121, %sub3A_141 : i32
      %select_n3A_143 = arith.select %and3A_140, %sub3A_142, %div3A_121 : i32
      %mul3A_144 = arith.constant 4 : i32
      %mul3A_145 = arith.muli %select_n3A_143, %mul3A_144 : i32
      "tpu.region"() ({
        %run_scoped3A = tpu.sem_alloc : memref<!tpu.dma_semaphore, #tpu.memory_space<semaphore_mem>>
        %dma_start3A_289 = arith.constant 0 : i32
        %dma_start3A_290 = arith.constant 0 : i32
        %dma_start3A_291 = tpu.memref_slice %arg13[%mul3A_145, %dma_start3A_289, %dma_start3A_290] : memref<16x8x128xf32, #tpu.memory_space<vmem_shared>> -> memref<4x8x128xf32, #tpu.memory_space<vmem_shared>>
        %dma_start3A_292 = arith.constant 0 : i32
        %dma_start3A_293 = arith.constant 0 : i32
        %dma_start3A_294 = tpu.memref_slice %arg13[%mul3A_145, %dma_start3A_292, %dma_start3A_293] : memref<16x8x128xf32, #tpu.memory_space<vmem_shared>> -> memref<4x8x128xf32, #tpu.memory_space<vmem_shared>>
        tpu.enqueue_dma source(%dma_start3A_294 : memref<4x8x128xf32, #tpu.memory_space<vmem_shared>>) target(%arg12 : memref<4x8x128xf32, #tpu.memory_space<vmem>>) target_semaphore(%run_scoped3A : memref<!tpu.dma_semaphore, #tpu.memory_space<semaphore_mem>>)
        %dma_wait3A_295 = arith.constant 0 : i32
        %dma_wait3A_296 = arith.constant 0 : i32
        %dma_wait3A_297 = tpu.memref_slice %arg13[%mul3A_145, %dma_wait3A_295, %dma_wait3A_296] : memref<16x8x128xf32, #tpu.memory_space<vmem_shared>> -> memref<4x8x128xf32, #tpu.memory_space<vmem_shared>>
        %dma_wait3A_298 = arith.constant 0 : i32
        %dma_wait3A_299 = arith.constant 0 : i32
        %dma_wait3A_300 = tpu.memref_slice %arg13[%mul3A_145, %dma_wait3A_298, %dma_wait3A_299] : memref<16x8x128xf32, #tpu.memory_space<vmem_shared>> -> memref<4x8x128xf32, #tpu.memory_space<vmem_shared>>
        tpu.wait_dma2 semaphore(%run_scoped3A : memref<!tpu.dma_semaphore, #tpu.memory_space<semaphore_mem>>) src(%dma_wait3A_300 : memref<4x8x128xf32, #tpu.memory_space<vmem_shared>>) dst(%arg12 : memref<4x8x128xf32, #tpu.memory_space<vmem>>)
        tpu.yield
      }) : () -> ()
      %get3A = arith.constant 0 : i32
      %get3A_146 = arith.constant 0 : i32
      %get3A_147 = arith.index_cast %get3A : i32 to index
      %get3A_148 = arith.index_cast %get3A_146 : i32 to index
      %get3A_149 = arith.constant 0 : index
      %get3A_150 = tpu.vector_load %arg12[%get3A_147, %get3A_148, %get3A_149] {strides = array<i32>} : memref<4x8x128xf32, #tpu.memory_space<vmem>>, vector<16xf32>,
      %swap3A_151 = arith.constant 0 : index
      %swap3A_152 = tpu.vector_load %arg8[%swap3A_151] {strides = array<i32>} : memref<64xf32, #tpu.memory_space<vmem>>, vector<16xf32>,
      tpu.vector_store %arg8[%swap3A_151], %get3A_150 {strides = array<i32>} : memref<64xf32, #tpu.memory_space<vmem>>, vector<16xf32>,
      %get3A_153 = arith.constant 1 : i32
      %get3A_154 = arith.constant 0 : i32
      %get3A_155 = arith.index_cast %get3A_153 : i32 to index
      %get3A_156 = arith.index_cast %get3A_154 : i32 to index
      %get3A_157 = arith.constant 0 : index
      %get3A_158 = tpu.vector_load %arg12[%get3A_155, %get3A_156, %get3A_157] {strides = array<i32>} : memref<4x8x128xf32, #tpu.memory_space<vmem>>, vector<16xf32>,
      %swap3A_159 = arith.constant 16 : index
      %swap3A_160 = tpu.vector_load %arg8[%swap3A_159] {strides = array<i32>} : memref<64xf32, #tpu.memory_space<vmem>>, vector<16xf32>,
      tpu.vector_store %arg8[%swap3A_159], %get3A_158 {strides = array<i32>} : memref<64xf32, #tpu.memory_space<vmem>>, vector<16xf32>,
      %get3A_161 = arith.constant 2 : i32
      %get3A_162 = arith.constant 0 : i32
      %get3A_163 = arith.index_cast %get3A_161 : i32 to index
      %get3A_164 = arith.index_cast %get3A_162 : i32 to index
      %get3A_165 = arith.constant 0 : index
      %get3A_166 = tpu.vector_load %arg12[%get3A_163, %get3A_164, %get3A_165] {strides = array<i32>} : memref<4x8x128xf32, #tpu.memory_space<vmem>>, vector<16xf32>,
      %swap3A_167 = arith.constant 32 : index
      %swap3A_168 = tpu.vector_load %arg8[%swap3A_167] {strides = array<i32>} : memref<64xf32, #tpu.memory_space<vmem>>, vector<16xf32>,
      tpu.vector_store %arg8[%swap3A_167], %get3A_166 {strides = array<i32>} : memref<64xf32, #tpu.memory_space<vmem>>, vector<16xf32>,
      %get3A_169 = arith.constant 3 : i32
      %get3A_170 = arith.constant 0 : i32
      %get3A_171 = arith.index_cast %get3A_169 : i32 to index
      %get3A_172 = arith.index_cast %get3A_170 : i32 to index
      %get3A_173 = arith.constant 0 : index
      %get3A_174 = tpu.vector_load %arg12[%get3A_171, %get3A_172, %get3A_173] {strides = array<i32>} : memref<4x8x128xf32, #tpu.memory_space<vmem>>, vector<16xf32>,
      %swap3A_175 = arith.constant 48 : index
      %swap3A_176 = tpu.vector_load %arg8[%swap3A_175] {strides = array<i32>} : memref<64xf32, #tpu.memory_space<vmem>>, vector<16xf32>,
      tpu.vector_store %arg8[%swap3A_175], %get3A_174 {strides = array<i32>} : memref<64xf32, #tpu.memory_space<vmem>>, vector<16xf32>,
      %min3A_177 = arith.constant 3 : i32
      %min3A_178 = vector.broadcast %min3A_177 : i32 to vector<16xi32>
      %min3A_179 = arith.minsi %iota3A, %min3A_178 : vector<16xi32>
      %mul3A_180 = arith.constant 16 : i32
      %mul3A_181 = vector.broadcast %mul3A_180 : i32 to vector<16xi32>
      %mul3A_182 = arith.muli %min3A_179, %mul3A_181 : vector<16xi32>
      %gather3A_183 = tpu.vector_load_idx %arg8[%mul3A_182] : memref<64xf32, #tpu.memory_space<vmem>>[vector<16xi32>], vector<16xf32>,
      %mul3A_184 = arith.constant 16 : i32
      %mul3A_185 = vector.broadcast %mul3A_184 : i32 to vector<16xi32>
      %mul3A_186 = arith.muli %min3A_179, %mul3A_185 : vector<16xi32>
      %add3A_187 = arith.constant 13 : i32
      %add3A_188 = vector.broadcast %add3A_187 : i32 to vector<16xi32>
      %add3A_189 = arith.addi %mul3A_186, %add3A_188 : vector<16xi32>
      %gather3A_190 = tpu.vector_load_idx %arg8[%add3A_189] : memref<64xf32, #tpu.memory_space<vmem>>[vector<16xi32>], vector<16xf32>,
      %lt3A_191 = arith.constant 4 : i32
      %lt3A_192 = vector.broadcast %lt3A_191 : i32 to vector<16xi32>
      %lt3A_193 = arith.cmpi slt, %iota3A, %lt3A_192 : vector<16xi32>
      %jit3A_194 = arith.constant -3.000000e+00 : f32
      %broadcast_in_dim3A_195 = vector.broadcast %jit3A_194 : f32 to vector<16xf32>
      %select_n3A_196 = arith.select %lt3A_193, %gather3A_183, %broadcast_in_dim3A_195 : vector<16xi1>, vector<16xf32>
      %reduce_max3A = arith.constant true
      %reduce_max3A_197 = vector.broadcast %reduce_max3A : i1 to vector<16xi1>
      %reduce_max3A_198 = tpu.scan <max>, %select_n3A_196 masked %reduce_max3A_197 : vector<16xf32>, vector<16xi1> -> vector<16xf32>
      %reduce_max3A_199 = vector.extract %reduce_max3A_198[15] : f32 from vector<16xf32>
      %eq3A_200 = vector.broadcast %reduce_max3A_199 : f32 to vector<16xf32>
      %eq3A_201 = arith.cmpf oeq, %select_n3A_196, %eq3A_200 : vector<16xf32>
      %and3A_202 = arith.andi %eq3A_201, %lt3A_193 : vector<16xi1>
      %jit3A_203 = arith.constant 3.000000e+09 : f32
      %broadcast_in_dim3A_204 = vector.broadcast %jit3A_203 : f32 to vector<16xf32>
      %select_n3A_205 = arith.select %and3A_202, %gather3A_190, %broadcast_in_dim3A_204 : vector<16xi1>, vector<16xf32>
      %reduce_min3A = arith.constant true
      %reduce_min3A_206 = vector.broadcast %reduce_min3A : i1 to vector<16xi1>
      %reduce_min3A_207 = tpu.scan <min>, %select_n3A_205 masked %reduce_min3A_206 : vector<16xf32>, vector<16xi1> -> vector<16xf32>
      %reduce_min3A_208 = vector.extract %reduce_min3A_207[15] : f32 from vector<16xf32>
      %eq3A_209 = vector.broadcast %reduce_min3A_208 : f32 to vector<16xf32>
      %eq3A_210 = arith.cmpf oeq, %gather3A_190, %eq3A_209 : vector<16xf32>
      %and3A_211 = arith.andi %and3A_202, %eq3A_210 : vector<16xi1>
      %jit3A_212 = arith.constant 99 : i32
      %broadcast_in_dim3A_213 = vector.broadcast %jit3A_212 : i32 to vector<16xi32>
      %select_n3A_214 = arith.select %and3A_211, %iota3A, %broadcast_in_dim3A_213 : vector<16xi1>, vector<16xi32>
      %reduce_min3A_215 = arith.constant true
      %reduce_min3A_216 = vector.broadcast %reduce_min3A_215 : i1 to vector<16xi1>
      %reduce_min3A_217 = arith.constant -2147483648 : i32
      %reduce_min3A_218 = vector.broadcast %reduce_min3A_217 : i32 to vector<16xi32>
      %reduce_min3A_219 = arith.xori %select_n3A_214, %reduce_min3A_218 : vector<16xi32>
      %reduce_min3A_220 = tpu.scan <min>, %reduce_min3A_219 masked %reduce_min3A_216 : vector<16xi32>, vector<16xi1> -> vector<16xi32>
      %reduce_min3A_221 = arith.xori %reduce_min3A_220, %reduce_min3A_218 : vector<16xi32>
      %reduce_min3A_222 = vector.extract %reduce_min3A_221[15] : i32 from vector<16xi32>
      %broadcast_in_dim3A_223 = arith.constant 0 : i32
      %broadcast_in_dim3A_224 = vector.broadcast %broadcast_in_dim3A_223 : i32 to vector<16xi32>
      %mul3A_225 = arith.constant 16 : i32
      %mul3A_226 = arith.muli %reduce_min3A_222, %mul3A_225 : i32
      %add3A_227 = vector.broadcast %mul3A_226 : i32 to vector<16xi32>
      %add3A_228 = arith.addi %broadcast_in_dim3A_224, %add3A_227 : vector<16xi32>
      %add3A_229 = arith.addi %add3A_228, %iota3A : vector<16xi32>
      %gather3A_230 = tpu.vector_load_idx %arg8[%add3A_229] : memref<64xf32, #tpu.memory_space<vmem>>[vector<16xi32>], vector<16xf32>,
      %swap3A_231 = arith.constant 0 : index
      %swap3A_232 = tpu.vector_load %arg9[%swap3A_231] {strides = array<i32>} : memref<16xf32, #tpu.memory_space<vmem>>, vector<16xf32>,
      tpu.vector_store %arg9[%swap3A_231], %gather3A_230 {strides = array<i32>} : memref<16xf32, #tpu.memory_space<vmem>>, vector<16xf32>,
      %swap3A_233 = arith.constant 0 : i32
      %swap3A_234 = arith.index_cast %swap3A_233 : i32 to index
      %swap3A_235 = arith.constant 0 : index
      %swap3A_236 = tpu.vector_load %arg11[%swap3A_234, %swap3A_235] {strides = array<i32>} : memref<8x128xf32, #tpu.memory_space<vmem>>, vector<16xf32>,
      tpu.vector_store %arg11[%swap3A_234, %swap3A_235], %gather3A_230 {strides = array<i32>} : memref<8x128xf32, #tpu.memory_space<vmem>>, vector<16xf32>,
      %convert_element_type3A_237 = arith.extui %eq3A_34 : i1 to i32
      %cond3A = arith.constant 0 : i32
      %cond3A_238 = arith.cmpi ne, %convert_element_type3A_237, %cond3A : i32
      scf.if %cond3A_238 {
        "tpu.region"() ({
          %run_scoped3A = tpu.sem_alloc : memref<!tpu.dma_semaphore, #tpu.memory_space<semaphore_mem>>
          %dma_start3A_289 = arith.constant 0 : i32
          %dma_start3A_290 = arith.constant 0 : i32
          %dma_start3A_291 = tpu.memref_slice %arg3[%add3A, %scan3A_81, %dma_start3A_289, %dma_start3A_290] : memref<8x10x8x128xf32, #tpu.memory_space<hbm>> -> memref<1x1x8x128xf32, #tpu.memory_space<hbm>>
          %dma_start3A_292 = tpu.memref_squeeze %dma_start3A_291 : memref<1x1x8x128xf32, #tpu.memory_space<hbm>> -> memref<8x128xf32, #tpu.memory_space<hbm>>
          %dma_start3A_293 = arith.constant 0 : i32
          %dma_start3A_294 = arith.constant 0 : i32
          %dma_start3A_295 = tpu.memref_slice %arg3[%add3A, %scan3A_81, %dma_start3A_293, %dma_start3A_294] : memref<8x10x8x128xf32, #tpu.memory_space<hbm>> -> memref<1x1x8x128xf32, #tpu.memory_space<hbm>>
          %dma_start3A_296 = tpu.memref_squeeze %dma_start3A_295 : memref<1x1x8x128xf32, #tpu.memory_space<hbm>> -> memref<8x128xf32, #tpu.memory_space<hbm>>
          tpu.enqueue_dma source(%arg11 : memref<8x128xf32, #tpu.memory_space<vmem>>) target(%dma_start3A_296 : memref<8x128xf32, #tpu.memory_space<hbm>>) target_semaphore(%run_scoped3A : memref<!tpu.dma_semaphore, #tpu.memory_space<semaphore_mem>>)
          %dma_wait3A_297 = arith.constant 0 : i32
          %dma_wait3A_298 = arith.constant 0 : i32
          %dma_wait3A_299 = tpu.memref_slice %arg3[%add3A, %scan3A_81, %dma_wait3A_297, %dma_wait3A_298] : memref<8x10x8x128xf32, #tpu.memory_space<hbm>> -> memref<1x1x8x128xf32, #tpu.memory_space<hbm>>
          %dma_wait3A_300 = tpu.memref_squeeze %dma_wait3A_299 : memref<1x1x8x128xf32, #tpu.memory_space<hbm>> -> memref<8x128xf32, #tpu.memory_space<hbm>>
          %dma_wait3A_301 = arith.constant 0 : i32
          %dma_wait3A_302 = arith.constant 0 : i32
          %dma_wait3A_303 = tpu.memref_slice %arg3[%add3A, %scan3A_81, %dma_wait3A_301, %dma_wait3A_302] : memref<8x10x8x128xf32, #tpu.memory_space<hbm>> -> memref<1x1x8x128xf32, #tpu.memory_space<hbm>>
          %dma_wait3A_304 = tpu.memref_squeeze %dma_wait3A_303 : memref<1x1x8x128xf32, #tpu.memory_space<hbm>> -> memref<8x128xf32, #tpu.memory_space<hbm>>
          tpu.wait_dma2 semaphore(%run_scoped3A : memref<!tpu.dma_semaphore, #tpu.memory_space<semaphore_mem>>) src(%arg11 : memref<8x128xf32, #tpu.memory_space<vmem>>) dst(%dma_wait3A_304 : memref<8x128xf32, #tpu.memory_space<hbm>>)
          tpu.yield
        }) : () -> ()
      } else {
      }
      %broadcast_in_dim3A_239 = arith.constant 1 : i32
      %broadcast_in_dim3A_240 = vector.broadcast %broadcast_in_dim3A_239 : i32 to vector<16xi32>
      %gather3A_241 = tpu.vector_load_idx %arg9[%broadcast_in_dim3A_240] : memref<16xf32, #tpu.memory_space<vmem>>[vector<16xi32>], vector<16xf32>,
      %broadcast_in_dim3A_242 = arith.constant 2 : i32
      %broadcast_in_dim3A_243 = vector.broadcast %broadcast_in_dim3A_242 : i32 to vector<16xi32>
      %gather3A_244 = tpu.vector_load_idx %arg9[%broadcast_in_dim3A_243] : memref<16xf32, #tpu.memory_space<vmem>>[vector<16xi32>], vector<16xf32>,
      %broadcast_in_dim3A_245 = arith.constant 3 : i32
      %broadcast_in_dim3A_246 = vector.broadcast %broadcast_in_dim3A_245 : i32 to vector<16xi32>
      %gather3A_247 = tpu.vector_load_idx %arg9[%broadcast_in_dim3A_246] : memref<16xf32, #tpu.memory_space<vmem>>[vector<16xi32>], vector<16xf32>,
      %broadcast_in_dim3A_248 = arith.constant 4 : i32
      %broadcast_in_dim3A_249 = vector.broadcast %broadcast_in_dim3A_248 : i32 to vector<16xi32>
      %gather3A_250 = tpu.vector_load_idx %arg9[%broadcast_in_dim3A_249] : memref<16xf32, #tpu.memory_space<vmem>>[vector<16xi32>], vector<16xf32>,
      %broadcast_in_dim3A_251 = arith.constant 13 : i32
      %broadcast_in_dim3A_252 = vector.broadcast %broadcast_in_dim3A_251 : i32 to vector<16xi32>
      %gather3A_253 = tpu.vector_load_idx %arg9[%broadcast_in_dim3A_252] : memref<16xf32, #tpu.memory_space<vmem>>[vector<16xi32>], vector<16xf32>,
      %sub3A_254 = arith.subf %gather3A_247, %gather3A_241 : vector<16xf32>
      %max3A = arith.constant 0.000000e+00 : f32
      %max3A_255 = vector.broadcast %max3A : f32 to vector<16xf32>
      %max3A_256 = arith.maximumf %sub3A_254, %max3A_255 : vector<16xf32>
      %sub3A_257 = arith.subf %gather3A_250, %gather3A_244 : vector<16xf32>
      %max3A_258 = arith.constant 0.000000e+00 : f32
      %max3A_259 = vector.broadcast %max3A_258 : f32 to vector<16xf32>
      %max3A_260 = arith.maximumf %sub3A_257, %max3A_259 : vector<16xf32>
      %mul3A_261 = arith.mulf %max3A_256, %max3A_260 : vector<16xf32>
      %eq3A_262 = vector.broadcast %scan3A_81 : i32 to vector<16xi32>
      %eq3A_263 = arith.cmpi eq, %iota3A, %eq3A_262 : vector<16xi32>
      %select_n3A_264 = arith.select %eq3A_263, %gather3A_241, %scan3A_82 : vector<16xi1>, vector<16xf32>
      %select_n3A_265 = arith.select %eq3A_263, %gather3A_244, %scan3A_83 : vector<16xi1>, vector<16xf32>
      %select_n3A_266 = arith.select %eq3A_263, %gather3A_247, %scan3A_84 : vector<16xi1>, vector<16xf32>
      %select_n3A_267 = arith.select %eq3A_263, %gather3A_250, %scan3A_85 : vector<16xi1>, vector<16xf32>
      %select_n3A_268 = arith.select %eq3A_263, %mul3A_261, %scan3A_86 : vector<16xi1>, vector<16xf32>
      %convert_element_type3A_269 = arith.sitofp %mul3A_32 : i32 to f32
      %sub3A_270 = vector.broadcast %convert_element_type3A_269 : f32 to vector<16xf32>
      %sub3A_271 = arith.subf %gather3A_253, %sub3A_270 : vector<16xf32>
      %convert_element_type3A_272 = arith.fptosi %sub3A_271 : vector<16xf32> to vector<16xi32>
      %reduce_max3A_273 = arith.constant true
      %reduce_max3A_274 = vector.broadcast %reduce_max3A_273 : i1 to vector<16xi1>
      %reduce_max3A_275 = arith.constant -2147483648 : i32
      %reduce_max3A_276 = vector.broadcast %reduce_max3A_275 : i32 to vector<16xi32>
      %reduce_max3A_277 = arith.xori %convert_element_type3A_272, %reduce_max3A_276 : vector<16xi32>
      %reduce_max3A_278 = tpu.scan <max>, %reduce_max3A_277 masked %reduce_max3A_274 : vector<16xi32>, vector<16xi1> -> vector<16xi32>
      %reduce_max3A_279 = arith.xori %reduce_max3A_278, %reduce_max3A_276 : vector<16xi32>
      %reduce_max3A_280 = vector.extract %reduce_max3A_279[15] : i32 from vector<16xi32>
      %ge3A_281 = arith.constant 0 : i32
      %ge3A_282 = arith.cmpi sge, %reduce_max3A_280, %ge3A_281 : i32
      %lt3A_283 = arith.constant 5000 : i32
      %lt3A_284 = arith.cmpi slt, %reduce_max3A_280, %lt3A_283 : i32
      %and3A_285 = arith.andi %ge3A_282, %lt3A_284 : i1
      %convert_element_type3A_286 = arith.extui %and3A_285 : i1 to i32
      %cond3A_287 = arith.constant 0 : i32
      %cond3A_288 = arith.cmpi ne, %convert_element_type3A_286, %cond3A_287 : i32
      scf.if %cond3A_288 {
        %jit3A_289 = arith.constant 16 : i32
        %div3A_290 = arith.divsi %reduce_max3A_280, %jit3A_289 : i32
        %sign3A_291 = arith.constant 0 : i32
        %sign3A_292 = arith.cmpi sgt, %reduce_max3A_280, %sign3A_291 : i32
        %sign3A_293 = arith.extui %sign3A_292 : i1 to i32
        %sign3A_294 = arith.constant 0 : i32
        %sign3A_295 = arith.cmpi slt, %reduce_max3A_280, %sign3A_294 : i32
        %sign3A_296 = arith.extui %sign3A_295 : i1 to i32
        %sign3A_297 = arith.subi %sign3A_293, %sign3A_296 : i32
        %sign3A_298 = arith.constant 0 : i32
        %sign3A_299 = arith.cmpi sgt, %jit3A_289, %sign3A_298 : i32
        %sign3A_300 = arith.extui %sign3A_299 : i1 to i32
        %sign3A_301 = arith.constant 0 : i32
        %sign3A_302 = arith.cmpi slt, %jit3A_289, %sign3A_301 : i32
        %sign3A_303 = arith.extui %sign3A_302 : i1 to i32
        %sign3A_304 = arith.subi %sign3A_300, %sign3A_303 : i32
        %ne3A_305 = arith.cmpi ne, %sign3A_297, %sign3A_304 : i32
        %rem3A_306 = arith.remsi %reduce_max3A_280, %jit3A_289 : i32
        %ne3A_307 = arith.constant 0 : i32
        %ne3A_308 = arith.cmpi ne, %rem3A_306, %ne3A_307 : i32
        %and3A_309 = arith.andi %ne3A_305, %ne3A_308 : i1
        %sub3A_310 = arith.constant 1 : i32
        %sub3A_311 = arith.subi %div3A_290, %sub3A_310 : i32
        %select_n3A_312 = arith.select %and3A_309, %sub3A_311, %div3A_290 : i32
        %mul3A_313 = arith.constant 16 : i32
        %mul3A_314 = arith.muli %select_n3A_312, %mul3A_313 : i32
        %sub3A_315 = arith.subi %reduce_max3A_280, %mul3A_314 : i32
        %mul3A_316 = arith.constant 16 : i32
        %mul3A_317 = arith.muli %select_n3A_312, %mul3A_316 : i32
        %get3A_318 = arith.index_cast %mul3A_317 : i32 to index
        %get3A_319 = tpu.vector_load %arg6[%get3A_318] {strides = array<i32>} : memref<71680xf32, #tpu.memory_space<vmem>>, vector<16xf32>,
        %broadcast_in_dim3A_320 = arith.constant 0 : i32
        %broadcast_in_dim3A_321 = vector.broadcast %broadcast_in_dim3A_320 : i32 to vector<16xi32>
        %add3A_322 = vector.broadcast %reduce_max3A_280 : i32 to vector<16xi32>
        %add3A_323 = arith.addi %broadcast_in_dim3A_321, %add3A_322 : vector<16xi32>
        %broadcast_in_dim3A_324 = arith.constant -1.000000e+00 : f32
        %broadcast_in_dim3A_325 = vector.broadcast %broadcast_in_dim3A_324 : f32 to vector<16xf32>
        %eq3A_326 = arith.constant 0 : i32
        %eq3A_327 = vector.broadcast %eq3A_326 : i32 to vector<16xi32>
        %eq3A_328 = arith.cmpi eq, %iota3A, %eq3A_327 : vector<16xi32>
        tpu.vector_store_idx %arg6[%add3A_323], %broadcast_in_dim3A_325 masked %eq3A_328 : memref<71680xf32, #tpu.memory_space<vmem>>[vector<16xi32>], vector<16xf32>, vector<16xi1>
        %eq3A_329 = vector.broadcast %sub3A_315 : i32 to vector<16xi32>
        %eq3A_330 = arith.cmpi eq, %iota3A, %eq3A_329 : vector<16xi32>
        %jit3A_331 = arith.constant -1.000000e+00 : f32
        %broadcast_in_dim3A_332 = vector.broadcast %jit3A_331 : f32 to vector<16xf32>
        %select_n3A_333 = arith.select %eq3A_330, %broadcast_in_dim3A_332, %get3A_319 : vector<16xi1>, vector<16xf32>
        %broadcast_in_dim3A_334 = arith.constant 0 : i32
        %broadcast_in_dim3A_335 = vector.broadcast %broadcast_in_dim3A_334 : i32 to vector<16xi32>
        %add3A_336 = vector.broadcast %select_n3A_312 : i32 to vector<16xi32>
        %add3A_337 = arith.addi %broadcast_in_dim3A_335, %add3A_336 : vector<16xi32>
        %broadcast_in_dim3A_338 = arith.constant 0.000000e+00 : f32
        %broadcast_in_dim3A_339 = vector.broadcast %broadcast_in_dim3A_338 : f32 to vector<16xf32>
        %reduce_max3A_340 = arith.constant true
        %reduce_max3A_341 = vector.broadcast %reduce_max3A_340 : i1 to vector<16xi1>
        %reduce_max3A_342 = tpu.scan <max>, %select_n3A_333 masked %reduce_max3A_341 : vector<16xf32>, vector<16xi1> -> vector<16xf32>
        %reduce_max3A_343 = vector.extract %reduce_max3A_342[15] : f32 from vector<16xf32>
        %add3A_344 = vector.broadcast %reduce_max3A_343 : f32 to vector<16xf32>
        %add3A_345 = arith.addf %broadcast_in_dim3A_339, %add3A_344 : vector<16xf32>
        %eq3A_346 = arith.constant 0 : i32
        %eq3A_347 = vector.broadcast %eq3A_346 : i32 to vector<16xi32>
        %eq3A_348 = arith.cmpi eq, %iota3A, %eq3A_347 : vector<16xi32>
        tpu.vector_store_idx %arg7[%add3A_337], %add3A_345 masked %eq3A_348 : memref<320xf32, #tpu.memory_space<vmem>>[vector<16xi32>], vector<16xf32>, vector<16xi1>
      } else {
      }
      scf.yield %select_n3A_264, %select_n3A_265, %select_n3A_266, %select_n3A_267, %select_n3A_268 : vector<16xf32>, vector<16xf32>, vector<16xf32>, vector<16xf32>, vector<16xf32>
    }
    %scan3A_80 = arith.constant 10 : i32
    return
  }
}

</mosaic_0001>

<sc_bundles>
// kernel: kernel.3.cloned.1.call-start
scs
__scs_entry_jumppad:
0x0: {  	(pc) =	sbr.rel $0x88, $3  }
0x1: {  	(tag) =	ssettag $0x0;
	lr =	simm.s32 $0x1  }
0x2: {  	[smem:$0x3FA0] =	sst lr;
	_ =	strace $0xD0000000  }
0x3: {  	_ = 	snop  }
0x4: {  	_ = 	snop  }
0x5: {  	_ = 	snop  }
0x6: {  	_ = 	snop  }
0x7: {  	_ = 	snop  }
__scs_overlays_trampoline_lowered:
0x8: {  	[smem:$0x3FAF] =	sst s0  }
0x9: {  	[smem:$0x3FB0] =	sst s1  }
0xa: {  	[smem:$0x3FB1] =	sst s2  }
0xb: {  	[smem:$0x3FB2] =	sst s3  }
0xc: {  	[smem:$0x3FB3] =	sst s4  }
0xd: {  	[smem:$0x3FB4] =	sst s5  }
0xe: {  	[smem:$0x3FB5] =	sst s6  }
0xf: {  	[smem:$0x3FB6] =	sst s7  }
0x10: {  	[smem:$0x3FB7] =	sst s8  }
0x11: {  	[smem:$0x3FB8] =	sst s9;
	s0 =	simm.s32 @!p0 $0x0  }
0x12: {  	s1 =	sld [smem:$0x3F9E];
	s0 =	simm.s32 @p0 $0x1  }
0x13: {  	[smem:$0x3FB9] =	sst s0;
	s0 =	simm.s32 @!p1 $0x0  }
0x14: {  	s2 =	sld [smem:$0x3F9D];
	s0 =	simm.s32 @p1 $0x1  }
0x15: {  	[smem:$0x3FBA] =	sst s0;
	s0 =	simm.s32 @!p2 $0x0  }
0x16: {  	s3 =	sld [smem:$0x3FDB];
	s0 =	simm.s32 @p2 $0x1  }
0x17: {  	s4 =	simm.s32 $0x1BF5;
	[smem:$0x3FBC] =	sst s0  }
0x18: {  	s0 =	sld [smem:$0x3F9F];
	_ =	swait.ge [sflag:s4], $0x0  }
0x19: {  	s7 =	sld [smem:$0x3FA0]  }
0x1a: {  	s8 =	sadd.s32 $0xFFFFE003, lr  }
0x1b: {  	s9 =	sadd.s32 $0xFFFFFEF7, lr;
	s5 =	simm.s32 $0xFFFFFFFF;
	p2 =	slt.u32 s8, $0xFFFFF086  }
0x1c: {  	p1 =	slt.u32 s9, $0xF7A;
	s5 =	simm.s32 @!p2 $0x0  }
0x1d: {  	s5 =	simm.s32 @p1 $0x1;
	p0 =	seq.s32 s7, s2  }
0x1e: {  	s7 =	smul.u32 @!p0 $0xF7A, s2;
	p2 =	seq.s32 @!p0 s5, $0x0  }
0x1f: {  	s9 =	smul.u32 $0xF7A, s1;
	s8 =	simm.s32 @!p0 $0x1BF5;
	p2 =	por !p2, p0  }
0x20: {  	[sflag:s8] =	ssyncset.s32 @!p0 $0xFFFFF086;
	s6 =	sadd.s32 @!p0 s3, s7;
	s7 =	simm.s32 @!p0 $0x108  }
0x21: {  	s3 =	sadd.s32 s3, s9;
	s6 =	sadd.s32 @!p0 $0x88, s6;
	s7 =	simm.s32 @p2 $0x1082  }
0x22: {  	[simem:s7], [sflag:s8] =	dma.local @!p0 [hbm:s6], $0xF7A  }
0x23: {  	s9 =	sor.u32 $0xD0000000, s2;
	s6 =	simm.s32 $0x108;
	_ =	swait.ge @!p0 [sflag:s8], $0x0  }
0x24: {  	s3 =	sadd.s32 $0x88, s3;
	s6 =	simm.s32 @!p1 $0x1082;
	[sflag:s4] =	ssyncset.s32 $0xFFFFF086  }
0x25: {  	[simem:s6], [sflag:s4] =	dma.local [hbm:s3], $0xF7A  }
0x26: {  	[smem:$0x3FA0] =	sst s1;
	(tag) =	ssettag s2;
	_ =	strace s9  }
0x27: {  	s1 =	sld [smem:$0x3FB0]  }
0x28: {  	s2 =	sld [smem:$0x3FB1]  }
0x29: {  	s4 =	sld [smem:$0x3FB3]  }
0x2a: {  	p0 =	seq.s32 s5, $0x0;
	s5 =	sld [smem:$0x3FB4]  }
0x2b: {  	s6 =	sld [smem:$0x3FB5]  }
0x2c: {  	s7 =	sld [smem:$0x3FB6]  }
0x2d: {  	s3 =	simm.s32 $0x108;
	s8 =	sld [smem:$0x3FB7]  }
0x2e: {  	s3 =	simm.s32 @!p0 $0x1082;
	s9 =	sld [smem:$0x3FB8]  }
0x2f: {  	lr =	sadd.s32 s0, s3;
	s0 =	sld [smem:$0x3FAF]  }
0x30: {  	s3 =	sld [smem:$0x3FB2]  }
0x31: {  	[smem:$0x3FBB] =	sst s10  }
0x32: {  	s10 =	sld [smem:$0x3FB9];
	_ =	sdelay $0x3  }
0x33: {  	p0 =	seq.s32 s10, $0x1;
	s10 =	sld [smem:$0x3FBB];
	_ =	sdelay $0x3  }
0x34: {  	[smem:$0x3FBB] =	sst s10  }
0x35: {  	s10 =	sld [smem:$0x3FBA];
	_ =	sdelay $0x3  }
0x36: {  	p1 =	seq.s32 s10, $0x1;
	s10 =	sld [smem:$0x3FBB];
	_ =	sdelay $0x3  }
0x37: {  	[smem:$0x3FBB] =	sst s10  }
0x38: {  	s10 =	sld [smem:$0x3FBC]  }
0x39: {  	_ = 	snop;
	(pc) =	sbr.ind lr, $3  }
0x3a: {  	_ = 	snop  }
0x3b: {  	_ = 	snop  }
0x3c: {  	p2 =	seq.s32 s10, $0x1;
	s10 =	sld [smem:$0x3FBB]  }
0x3d: {  	_ =	shalt  }
0x3e: {  	_ =	shalt  }
0x3f: {  	_ =	shalt  }
0x40: {  	_ =	shalt  }
0x41: {  	_ =	shalt  }
0x42: {  	_ =	shalt  }
0x43: {  	_ =	shalt  }
0x44: {  	_ =	shalt  }
0x45: {  	_ =	shalt  }
0x46: {  	_ =	shalt  }
0x47: {  	_ =	shalt  }
0x48: {  	_ =	shalt  }
0x49: {  	_ =	shalt  }
0x4a: {  	_ =	shalt  }
0x4b: {  	_ =	shalt  }
0x4c: {  	_ =	shalt  }
0x4d: {  	_ =	shalt  }
0x4e: {  	_ =	shalt  }
0x4f: {  	_ =	shalt  }
0x50: {  	_ =	shalt  }
0x51: {  	_ =	shalt  }
0x52: {  	_ =	shalt  }
0x53: {  	_ =	shalt  }
0x54: {  	_ =	shalt  }
0x55: {  	_ =	shalt  }
0x56: {  	_ =	shalt  }
0x57: {  	_ =	shalt  }
0x58: {  	_ =	shalt  }
0x59: {  	_ =	shalt  }
0x5a: {  	_ =	shalt  }
0x5b: {  	_ =	shalt  }
0x5c: {  	_ =	shalt  }
0x5d: {  	_ =	shalt  }
0x5e: {  	_ =	shalt  }
0x5f: {  	_ =	shalt  }
0x60: {  	_ =	shalt  }
0x61: {  	_ =	shalt  }
0x62: {  	_ =	shalt  }
0x63: {  	_ =	shalt  }
0x64: {  	_ =	shalt  }
0x65: {  	_ =	shalt  }
0x66: {  	_ =	shalt  }
0x67: {  	_ =	shalt  }
0x68: {  	_ =	shalt  }
0x69: {  	_ =	shalt  }
0x6a: {  	_ =	shalt  }
0x6b: {  	_ =	shalt  }
0x6c: {  	_ =	shalt  }
0x6d: {  	_ =	shalt  }
0x6e: {  	_ =	shalt  }
0x6f: {  	_ =	shalt  }
0x70: {  	_ =	shalt  }
0x71: {  	_ =	shalt  }
0x72: {  	_ =	shalt  }
0x73: {  	_ =	shalt  }
0x74: {  	_ =	shalt  }
0x75: {  	_ =	shalt  }
0x76: {  	_ =	shalt  }
0x77: {  	_ =	shalt  }
0x78: {  	_ =	shalt  }
0x79: {  	_ =	shalt  }
0x7a: {  	_ =	shalt  }
0x7b: {  	_ =	shalt  }
0x7c: {  	_ =	shalt  }
0x7d: {  	_ =	shalt  }
0x7e: {  	_ =	shalt  }
0x7f: {  	_ =	shalt  }
0x80: {  	_ =	shalt  }
0x81: {  	_ =	shalt  }
0x82: {  	_ =	shalt  }
0x83: {  	_ =	shalt  }
0x84: {  	_ =	shalt  }
0x85: {  	_ =	shalt  }
0x86: {  	_ =	shalt  }
0x87: {  	_ =	shalt  }
.Lfunc_end0:
.L_simem_size_0:
called_computation_lowered:
.L_overlay_start_0:
0x88: {  	s2 =	sld [smem:$0x3FD9]  }
0x89: {  	s3 =	sld [smem:$0x3FFE];
	_ =	sdelay $0x1  }
0x8a: {  	s1 =	srdreg.scid  }
0x8b: {  	s0 =	sand.u32 $0x1, s1  }
0x8c: {  	s16 =	sshll.u32 s0, $0xA;
	s2 =	sadd.s32 s3, s2  }
0x8d: {  	s2 =	sadd.s32 s2, s16  }
0x8e: {  	[smem:$0x3FC7] =	sst s2  }
0x8f: {  	_ = 	snop  }
0x90: {  	(tm) =	ssettm $0x1  }
0x91: {  	s17 =	sld [smem:$0x3FFB];
	_ =	sdelay $0x3  }
0x92: {  	_ =	strace s17  }
0x93: {  	s2 =	sld [smem:$0x3FFC];
	_ =	sdelay $0x3  }
0x94: {  	_ =	strace s2  }
0x95: {  	s2 =	sld [smem:$0x3FFD];
	_ =	sdelay $0x3  }
0x96: {  	_ =	strace s2  }
0x97: {  	_ =	strace $0x8FFFFFFF  }
0x98: {  	s18 =	sld [smem:$0x3FDB];
	_ =	sdelay $0x1  }
0x99: {  	s19 =	simm.s32 $_scs_section_size  }
0x9a: {  	s4 =	simm.s32 $_size__tile_overlayer_lowered;
	s5 =	simm.s32 $_tile_overlayer_lowered  }
0x9b: {  	s22 =	simm.s32 $0x1BFF;
	s21 =	sshll.u32 s5, $0x1;
	s2 =	sadd.s32 s19, s18  }
0x9c: {  	s6 =	simm.s32 $0x0;
	s20 =	sshll.u32 s4, $0x1;
	s4 =	sadd.s32 s21, s2  }
0x9d: {  	[timem:s6], [sflag:s22] =	dma.local [hbm:s4], s20  }
0x9e: {  	_ =	swait.ge [sflag:s22], s20  }
0x9f: {  	s3 =	ssub.s32 $0x0, s20;
	[sflag:s22] =	ssyncset.done $0x0  }
0xa0: {  	[sflag:s22] =	ssyncadd.s32 s3;
	_ =	sdelay $0x1  }
0xa1: {  	s23 =	simm.s32 $0x1B8B  }
0xa2: {  	_ =	swait.ge [sflag:s23], $0x1  }
0xa3: {  	[sflag:s23] =	ssyncset.done $0x0  }
0xa4: {  	s25 =	simm.s32 $0x1B8E;
	s24 =	sld [smem:$0x3FFE];
	[sflag:s23] =	ssyncadd.s32 $0xFFFFFFFF  }
0xa5: {  	s26 =	simm.s32 $execute0_lowered;
	[smem:$0x3FD2] =	sst s25  }
0xa6: {  	s4 =	sshll.u32 s26, $0x1;
	_ =	strace $0x80000046;
	[dreg:$0x1] =	wrdreg $0xFFFFFFFF  }
0xa7: {  	s28 =	simm.s32 $_size_execute0_lowered;
	s2 =	sadd.s32 s2, s4;
	[dreg:$0x0] =	wrdreg $0x0  }
0xa8: {  	s4 =	sshll.u32 s28, $0x1;
	[dreg:$0x2] =	wrdreg s2  }
0xa9: {  	[dreg:$0x3] =	wrdreg s4  }
0xaa: {  	[dreg:$0x4] =	wrdreg $0xC0  }
0xab: {  	_ =	task [dreg:s6], $0x5FFFF  }
0xac: {  	[dreg:$0x1] =	wrdreg $0xFFFFFFFF  }
0xad: {  	[dreg:$0x0] =	wrdreg $0x60  }
0xae: {  	[dreg:$0x2] =	wrdreg s24  }
0xaf: {  	[dreg:$0x3] =	wrdreg $0x1FA800  }
0xb0: {  	[dreg:$0x4] =	wrdreg $0x9  }
0xb1: {  	_ =	task.clear_ibuf [dreg:s6], $0x5FFFF;
	_ =	strace $0x90000046  }
0xb2: {  	s29 =	simm.s32 $0x9;
	_ =	strace $0x80000048  }
0xb3: {  	_ =	swait.ge [sflag:s29], $0x1  }
0xb4: {  	[sflag:s29] =	ssyncadd.s32 $0xFFFFFFFF  }
0xb5: {  	_ =	strace $0x90000048  }
0xb6: {  	_ =	sfence  }
0xb7: {  	s30 =	sld [smem:$0x0];
	_ =	sdelay $0x2  }
0xb8: {  	s31 =	sshll.u32 s1, $0xD;
	s1 =	sshrl.u32 s1, $0x2  }
0xb9: {  	s3 =	sand.u32 $0x4000, s31;
	s1 =	sadd.s32 s1, s30  }
0xba: {  	s0 =	sor.u32 s3, s0;
	s1 =	sshll.u32 s1, $0x11  }
0xbb: {  	s0 =	sor.u32 s1, s0  }
0xbc: {  	s0 =	sadd.s32 $0x8F2B, s0  }
0xbd: {  	[sflag:s0] =	ssyncadd.remote.s32 $0x1  }
0xbe: {  	_ =	sfence.sel $0xFFFF  }
0xbf: {  	[dreg:$0x0] =	wrdreg $0xFFFFFFFF;
	(pc) =	sbr.abs _section_cstart, $3  }
0xc0: {  	[dreg:$0x1] =	wrdreg $0xFFFFFFFF  }
0xc1: {  	_ =	task.clear_ibuf [dreg:s6], $0x2FFFF;
	_ =	strace $0x9FFFFFFF  }
0xc2: {  	(tm) =	ssettm $0x7FFFFFFF  }
0xc3: {  	_ =	shalt  }
tec
execute0_lowered:
.L_overlay_start_1:
0x0: {  	(tag) =	ssettag $0x1  }
0x1: {  	v0 =	vlaneseq.u32  }
0x2: {  	v9 =	vimm.s32 $0x10400;
	vm0 =	vcmask $0x300;
	v18 =	vimm.s32 $0x30201000  }
0x3: {  	v19 =	vimm.s32 $0x3D2D1D0D;
	vm1 =	vcmask $0xF00;
	v20 =	vimm.s32 $0x1  }
0x4: {  	s10 =	stileid.u32;
	s6 =	rddreg [dreg:$0x0];
	v21 =	vimm.s32 $0x2;
	v22 =	vimm.s32 $0x3;
	v23 =	vimm.s32 $0x4  }
0x5: {  	s30 =	srdreg.scid;
	s12 =	rddreg [dreg:$0x1];
	v24 =	vimm.s32 $0xD;
	s0 =	sand.u32 $0x3, s10;
	v2 =	vor.u32 $0x1400, v0;
	v3 =	vor.u32 $0x2800, v0  }
0x6: {  	s4 =	simm.s32 $0x0;
	s15 =	simm.s32 $0x6400;
	v4 =	vor.u32 $0x3C00, v0;
	v5 =	vor.u32 $0x5000, v0;
	v6 =	vor.u32 $0x6400, v0;
	s1 =	smul.u32 $0x1388, s0  }
0x7: {  	s16 =	simm.s32 $0x1;
	s17 =	simm.s32 $0xC800;
	s18 =	simm.s32 $0x2;
	v7 =	vor.u32 $0x7800, v0;
	v8 =	vor.u32 $0x8C00, v0;
	v10 =	vsel vm0, $0x0, v9  }
0x8: {  	s19 =	simm.s32 $0x1E000;
	s20 =	simm.s32 $0x1E280;
	vm0 =	vcmask $0x704;
	v9 =	vor.u32 $0xA000, v0;
	v18 =	vunpack.c.0.s8.s32 v18;
	s2 =	scvt.s32.f32 s1  }
0x9: {  	s21 =	simm.s32 $0x3;
	s22 =	simm.s32 $0x1EA80;
	s23 =	simm.s32 $0x1E180;
	v19 =	vunpack.c.0.s8.s32 v19;
	v11 =	vsel vm0, $0x1400, v10;
	vm0 =	vcmask $0xB08  }
0xa: {  	s24 =	simm.s32 $0x1E200;
	s25 =	simm.s32 $0x0;
	v12 =	vsel vm0, $0x2800, v11;
	vm0 =	vcmask $0xF0C;
	v1 =	vmov s2;
	s2 =	sand.u32 $0x1, s30  }
0xb: {  	s8 =	sshrl.u32 s10, $0x2;
	[smem:$0x7FF] =	sst s4;
	v10 =	vor.u32 $0xB400, v0;
	v13 =	vsel vm0, $0x3C00, v12;
	vm0 =	vcmask $0x1310;
	s3 =	sshll.u32 s2, $0x2  }
0xc: {  	s11 =	sshll.u32 s10, $0xA;
	s5 =	smul.u32 $0x9C400, s0;
	v11 =	vor.u32 $0xC800, v0;
	v14 =	vsel vm0, $0x5000, v13;
	vm0 =	vcmask $0x1714;
	s13 =	sor.u32 s8, s3  }
0xd: {  	_ =	strace $0x80000047;
	s11 =	sadd.s32 s11, s12;
	v18 =	vnsel vm1, $0x30, v18;
	v15 =	vsel vm0, $0x7800, v14;
	vm0 =	vcmask $0x1B18;
	s3 =	smul.u32 $0x271000, s13  }
0xe: {  	p0 =	sne.s32 s0, $0x0;
	v19 =	vnsel vm1, $0x3D, v19;
	s10 =	sadd.s32 $0x258, s1;
	s2 =	ssub.s32 $0x2, s2;
	v16 =	vsel vm0, $0x8C00, v15;
	vm0 =	vcmask $0x1F1C  }
.Ltmp0:
0xf: {  	v12 =	vor.u32 $0xDC00, v0;
	s9 =	sshrl.u32 s2, $0x1;
	v17 =	vsel vm0, $0xA000, v16;
	vm0 =	vcmask $0x2320;
	s7 =	sadd.s32 s5, s3;
	(pc) =	sbr.rel .LBB2_1-.Ltmp0, $4  }
0x10: {  	v13 =	vor.u32 $0xF000, v0;
	s8 =	sshll.u32 s8, $0xC;
	v17 =	vsel vm0, $0xB400, v17;
	vm0 =	vcmask $0x2724;
	s5 =	sadd.s32 $0x400, s6;
	s7 =	sshrl.u32 s7, $0x3  }
0x11: {  	v14 =	vor.u32 $0x10400, v0;
	s2 =	ssub.s32 s2, s9;
	s9 =	sadd.s32 $0x190, s1;
	v17 =	vsel vm0, $0xC800, v17;
	vm0 =	vcmask $0x2B28;
	s7 =	sadd.s32 s5, s7  }
0x12: {  	v15 =	vimm.f32 $-1.000000000e+00;
	s12 =	sadd.s32 s8, s12;
	s13 =	smul.u32 $0x2800, s13;
	v17 =	vsel vm0, $0xDC00, v17;
	vm0 =	vcmask $0x2F2C;
	s31 =	sadd.s32 $0xC80, s7  }
0x13: {  	v16 =	vimm.f32 $0.0e+00;
	s14 =	smax.u32 s2, $0x1;
	s6 =	sadd.s32 $0x271400, s6;
	v17 =	vsel vm0, $0xF000, v17;
	vm0 =	vmmov $0x3fff;
	[dreg:$0x3] =	wrdreg s31  }
.LBB2_20:
0x14: {  	s25 =	sadd.s32 $0x1, s25  }
0x15: {  	p1 =	sne.s32 s25, s14  }
.Ltmp1:
0x16: {  	_ = 	snop;
	(pc) =	sbr.rel @!p1 .LBB2_21-.Ltmp1, $1  }
0x17: {  	_ =	sdelay $0x3  }
.LBB2_1:
0x18: {  	[tilespmem:s4], [sflag:$0x1] =	stream.linear.gather [hbm4b:s7+s4], $0x6400, $0x38;
	[tilespmem:$0x1FE80] =	vst v63  }
0x19: {  	s0 =	rddreg [dreg:$0x3]  }
0x1a: {  	s26 =	simm.s32 $0xC8;
	s28 =	simm.s32 $0x0;
	s29 =	simm.s32 $0x0  }
0x1b: {  	[tilespmem:s15], [sflag:$0x2] =	stream.linear.gather [hbm4b:s0+s4], $0x6400, $0x38;
	[tilespmem:$0x1FE80] =	vst v63  }
.LBB2_2:
0x1c: {  	s0 =	simm.s32 $0x0  }
0x1d: {  	v31 =	vor.u32 s0, v0  }
0x1e: {  	vm1 =	vlt.s32 v31, $0xC7  }
0x1f: {  	v25 =	vnsel vm1, $0xC7, v31  }
0x20: {  	v25 =	vshll.u32 v25, $0x7  }
0x21: {  	v26 =	vor.u32 $0x4, v25  }
0x22: {  	v27 =	vor.u32 $0x14, v25  }
0x23: {  	_ =	swait.ge [sflag:s16], $0x6400;
	v28 =	vor.u32 $0x5, v25  }
0x24: {  	[sflag:s16] =	ssyncset.done $0x0;
	v29 =	vor.u32 $0x15, v25  }
0x25: {  	[sflag:s16] =	ssyncadd.s32 $0xFFFF9C00  }
0x26: {  	v26 =	vld.idx.msk [tilespmem:v26+s4+$0x0], $0xffff  }
0x27: {  	v27 =	vld.idx.msk [tilespmem:v27+s4+$0x0], $0xffff  }
0x28: {  	v28 =	vld.idx.msk [tilespmem:v28+s4+$0x0], $0xffff  }
0x29: {  	v29 =	vld.idx.msk [tilespmem:v29+s4+$0x0], $0xffff;
	_ =	sdelay $0x3  }
0x2a: {  	v26 =	vmul.f32 v27, v26  }
0x2b: {  	v27 =	vmul.f32 v29, v28  }
0x2c: {  	v28 =	vor.u32 $0x10, v25;
	v26 =	vmax.f32 v26, $-1.000000000e+01  }
0x2d: {  	v29 =	vor.u32 $0x11, v25;
	v27 =	vmax.f32 v27, $-1.000000000e+01;
	v26 =	vmin.f32 v26, $1.000000000e+01  }
0x2e: {  	v30 =	vor.u32 $0x12, v25;
	v27 =	vmin.f32 v27, $1.000000000e+01;
	v26 =	vmul.f32 $1.442695020e+00, v26  }
0x2f: {  	v32 =	vor.u32 $0x13, v25;
	v27 =	vmul.f32 $1.442695020e+00, v27  }
0x30: {  	v33 =	vor.u32 $0x2, v25;
	(erf) = vpow2.f32 v26  }
0x31: {  	v26 =	vld.idx.msk [tilespmem:v28+s4+$0x0], $0xffff;
	v28 =	vor.u32 $0x3, v25;
	(erf) = vpow2.f32 v27  }
0x32: {  	v29 =	vld.idx.msk [tilespmem:v29+s4+$0x0], $0xffff;
	v27 =	vor.u32 $0xE, v25  }
0x33: {  	v34 =	vor.u32 $0xF, v25;
	v30 =	vld.idx.msk [tilespmem:v30+s4+$0x0], $0xffff  }
0x34: {  	v32 =	vld.idx.msk [tilespmem:v32+s4+$0x0], $0xffff  }
0x35: {  	s8 =	simm.s32 $0x10;
	v33 =	vld.idx.msk [tilespmem:v33+s4+$0x0], $0xffff  }
0x36: {  	s31 =	sadd.s32 $0x0, s28;
	v42 =	vor.u32 s8, v0;
	v35 =	vld.idx.msk [tilespmem:v28+s4+$0x0], $0xffff;
	v36 =	vadd.f32 $1.000000050e-03, v26  }
0x37: {  	v38 =	vor.u32 s31, v0;
	v56 =	vor.u32 $0x1, v25;
	v37 =	vadd.f32 $1.000000050e-03, v29;
	v26 =	vld.idx.msk [tilespmem:v27+s4+$0x0], $0xffff  }
0x38: {  	v40 =	vadd.s32 s31, v2;
	v41 =	vadd.s32 s31, v3;
	v29 =	vld.idx.msk [tilespmem:v34+s4+$0x0], $0xffff;
	v27 =	vmul.f32 v30, v36  }
0x39: {  	v63 =	vadd.s32 s31, v4;
	vm1 =	vlt.s32 v42, $0xC7;
	v28 =	vmul.f32 v32, v37;
	v30 =	vpop (erf)  }
0x3a: {  	v57 =	vnsel vm1, $0xC7, v42;
	v33 =	vmul.f32 v33, v27;
	v36 =	vmul.f32 v30, v36;
	v39 =	vpop (erf)  }
0x3b: {  	vm1 =	vlt.u32 v31, $0xC8;
	v58 =	vmul.f32 v35, v28;
	v59 =	vmul.f32 v39, v37  }
0x3c: {  	v34 =	vld.idx.msk [tilespmem:v56+s4+$0x0], $0xffff;
	v30 =	vshll.u32 v57, $0x7;
	v33 =	vadd.f32 v33, v26;
	v36 =	vmul.f32 $5.000000000e-01, v36  }
0x3d: {  	v60 =	vor.u32 $0x4, v30;
	v32 =	vadd.f32 v58, v29;
	v35 =	vmul.f32 $5.000000000e-01, v59  }
0x3e: {  	v61 =	vor.u32 $0x14, v30;
	v43 =	vsub.f32 v33, v36;
	v33 =	vadd.f32 v36, v33  }
0x3f: {  	v31 =	vor.u32 $0x5, v30;
	v44 =	vsub.f32 v32, v35;
	v32 =	vadd.f32 v35, v32  }
0x40: {  	v62 =	vor.u32 $0x15, v30;
	v43 =	vmul.f32 $7.680000000e+02, v43;
	v33 =	vmul.f32 $7.680000000e+02, v33  }
0x41: {  	vm2 =	vlt.f32 v34, $9.999999770e-03;
	v44 =	vmul.f32 $7.680000000e+02, v44;
	v32 =	vmul.f32 $7.680000000e+02, v32  }
0x42: {  	v45 =	vadd.s32 s31, v5;
	v46 =	vadd.s32 s31, v6;
	v34 =	vsel vm2, $0xBF800000, v34;
	v37 =	vld.idx.msk [tilespmem:v60+s4+$0x0], $0xffff  }
0x43: {  	[tilespmem:v38+s17+$0x0] =	vst.idx.msk vm1, v34;
	v39 =	vld.idx.msk [tilespmem:v61+s4+$0x0], $0xffff;
	v47 =	vsub.f32 v33, v43;
	v48 =	vsub.f32 v32, v44  }
0x44: {  	v50 =	vor.u32 $0x6, v25;
	v31 =	vld.idx.msk [tilespmem:v31+s4+$0x0], $0xffff;
	[tilespmem:v40+s17+$0x0] =	vst.idx.msk vm1, v43  }
0x45: {  	v53 =	vor.u32 $0x7, v25;
	v35 =	vld.idx.msk [tilespmem:v62+s4+$0x0], $0xffff;
	[tilespmem:v41+s17+$0x0] =	vst.idx.msk vm1, v44;
	v51 =	vmax.f32 v47, $0.0e+00;
	v52 =	vmax.f32 v48, $0.0e+00  }
0x46: {  	[tilespmem:v63+s17+$0x0] =	vst.idx.msk vm1, v33;
	v38 =	vmul.f32 v52, v51  }
0x47: {  	[tilespmem:v45+s17+$0x0] =	vst.idx.msk vm1, v32  }
0x48: {  	[tilespmem:v46+s17+$0x0] =	vst.idx.msk vm1, v38  }
0x49: {  	v55 =	vor.u32 $0x12, v30;
	v59 =	vor.u32 $0x2, v30;
	v54 =	vmul.f32 v39, v37;
	v34 =	vld.idx.msk [tilespmem:v50+s4+$0x0], $0xffff  }
0x4a: {  	v56 =	vor.u32 $0x10, v30;
	v57 =	vor.u32 $0x11, v30;
	v31 =	vmul.f32 v35, v31;
	v36 =	vld.idx.msk [tilespmem:v53+s4+$0x0], $0xffff  }
0x4b: {  	v58 =	vor.u32 $0x13, v30;
	v43 =	vadd.s32 s31, v8;
	v32 =	vmax.f32 v54, $-1.000000000e+01  }
0x4c: {  	v41 =	vor.u32 $0x3, v30;
	v31 =	vmax.f32 v31, $-1.000000000e+01;
	v32 =	vmin.f32 v32, $1.000000000e+01  }
0x4d: {  	v44 =	vor.u32 $0xF, v30;
	v31 =	vmin.f32 v31, $1.000000000e+01;
	v32 =	vmul.f32 $1.442695020e+00, v32  }
0x4e: {  	v61 =	vld.idx.msk [tilespmem:v59+s4+$0x0], $0xffff;
	vm1 =	vmmov vm1;
	v31 =	vmul.f32 $1.442695020e+00, v31;
	v34 =	vmul.f32 v34, v27  }
0x4f: {  	v39 =	vadd.s32 s31, v7;
	(erf) = vpow2.f32 v32;
	v32 =	vld.idx.msk [tilespmem:v56+s4+$0x0], $0xffff;
	v36 =	vmul.f32 v36, v28  }
0x50: {  	v35 =	vor.u32 $0xE, v30;
	v37 =	vld.idx.msk [tilespmem:v57+s4+$0x0], $0xffff;
	(erf) = vpow2.f32 v31;
	v31 =	vadd.f32 v34, v26  }
0x51: {  	s2 =	sadd.s32 $0x10, s28;
	v60 =	vor.u32 $0x8, v25;
	v33 =	vld.idx.msk [tilespmem:v55+s4+$0x0], $0xffff;
	v38 =	vadd.f32 v36, v29  }
0x52: {  	v40 =	vadd.s32 s2, v2;
	v63 =	vor.u32 $0x9, v25;
	v49 =	vld.idx.msk [tilespmem:v41+s4+$0x0], $0xffff;
	v62 =	vmul.f32 $7.680000000e+02, v31  }
0x53: {  	s0 =	simm.s32 $0x20;
	v52 =	vadd.s32 s31, v9;
	v41 =	vor.u32 s2, v0;
	v34 =	vld.idx.msk [tilespmem:v58+s4+$0x0], $0xffff;
	v50 =	vmul.f32 $7.680000000e+02, v38  }
0x54: {  	v36 =	vor.u32 s0, v0;
	v51 =	vadd.f32 $1.000000050e-03, v32;
	v32 =	vld.idx.msk [tilespmem:v44+s4+$0x0], $0xffff;
	v58 =	vor.u32 $0x1, v30;
	[tilespmem:v39+s17+$0x0] =	vst.idx.msk vm1, v62  }
0x55: {  	v55 =	vadd.f32 $1.000000050e-03, v37;
	v37 =	vor.u32 $0xA, v25;
	vm2 =	vlt.s32 v36, $0xC7;
	v31 =	vld.idx.msk [tilespmem:v35+s4+$0x0], $0xffff;
	[tilespmem:v43+s17+$0x0] =	vst.idx.msk vm1, v50  }
0x56: {  	v56 =	vadd.s32 s31, v10;
	v57 =	vnsel vm2, $0xC7, v36;
	v33 =	vmul.f32 v33, v51;
	v43 =	vld.idx.msk [tilespmem:v60+s4+$0x0], $0xffff  }
0x57: {  	v38 =	vadd.s32 s2, v3;
	vm2 =	vlt.u32 v42, $0xC8;
	v35 =	vshll.u32 v57, $0x7;
	v59 =	vld.idx.msk [tilespmem:v63+s4+$0x0], $0xffff  }
0x58: {  	v46 =	vmul.f32 v61, v33;
	v48 =	vor.u32 $0x4, v35;
	v34 =	vmul.f32 v34, v55  }
0x59: {  	v39 =	vadd.s32 s2, v4;
	v53 =	vor.u32 $0x14, v35;
	v54 =	vor.u32 $0x5, v35;
	v42 =	vld.idx.msk [tilespmem:v58+s4+$0x0], $0xffff;
	v60 =	vpop (erf)  }
0x5a: {  	v61 =	vmul.f32 v60, v51;
	v62 =	vpop (erf);
	v49 =	vmul.f32 v49, v34;
	v46 =	vadd.f32 v46, v31  }
0x5b: {  	v44 =	vmul.f32 v62, v55;
	v55 =	vor.u32 $0x15, v35;
	v43 =	vmul.f32 v43, v27  }
0x5c: {  	v47 =	vmul.f32 $5.000000000e-01, v61;
	v49 =	vadd.f32 v49, v32;
	v61 =	vmul.f32 v59, v28  }
0x5d: {  	v45 =	vld.idx.msk [tilespmem:v48+s4+$0x0], $0xffff;
	v48 =	vadd.s32 s2, v6;
	v63 =	vmul.f32 $5.000000000e-01, v44;
	v43 =	vadd.f32 v43, v26  }
0x5e: {  	v44 =	vor.u32 $0xB, v25;
	vm3 =	vlt.f32 v42, $9.999999770e-03;
	v62 =	vadd.f32 v61, v29  }
0x5f: {  	v60 =	vsub.f32 v46, v47;
	v47 =	vadd.f32 v47, v46;
	v43 =	vmul.f32 $7.680000000e+02, v43  }
0x60: {  	v46 =	vld.idx.msk [tilespmem:v53+s4+$0x0], $0xffff;
	v57 =	vsub.f32 v49, v63;
	v58 =	vadd.f32 v63, v49;
	v63 =	vmul.f32 $7.680000000e+02, v62  }
0x61: {  	v53 =	vld.idx.msk [tilespmem:v54+s4+$0x0], $0xffff;
	v54 =	vsel vm3, $0xBF800000, v42;
	v51 =	vmul.f32 $7.680000000e+02, v60;
	v50 =	vmul.f32 $7.680000000e+02, v47;
	[tilespmem:v52+s17+$0x0] =	vst.idx.msk vm1, v43  }
0x62: {  	s30 =	smul.u32 $0x190, s29;
	s8 =	simm.s32 $0x30;
	v49 =	vmul.f32 $7.680000000e+02, v57;
	v47 =	vmul.f32 $7.680000000e+02, v58;
	v52 =	vadd.s32 s2, v5;
	[tilespmem:v56+s17+$0x0] =	vst.idx.msk vm1, v63  }
.LBB2_3:
0x63: {  	v42 =	vsub.f32 v50, v51  }
0x64: {  	p1 =	sne.s32 s8, $0xC0;
	v56 =	vsub.f32 v47, v49;
	[tilespmem:v41+s17+$0x0] =	vst.idx.msk vm2, v54;
	v37 =	vld.idx.msk [tilespmem:v37+s4+$0x0], $0xffff;
	vm3 =	vmmov vm1;
	vm1 =	vmmov vm2  }
0x65: {  	v54 =	vor.u32 s8, v0;
	v43 =	vadd.s32 s31, v13;
	[tilespmem:v40+s17+$0x0] =	vst.idx.msk vm2, v51;
	v40 =	vor.u32 $0x6, v30;
	v41 =	vld.idx.msk [tilespmem:v44+s4+$0x0], $0xffff  }
0x66: {  	v51 =	vld.idx.msk [tilespmem:v55+s4+$0x0], $0xffff;
	v42 =	vmax.f32 v42, $0.0e+00;
	v44 =	vmax.f32 v56, $0.0e+00;
	[tilespmem:v38+s17+$0x0] =	vst.idx.msk vm2, v49;
	v38 =	vor.u32 $0x7, v30  }
0x67: {  	v49 =	vmul.f32 v44, v42;
	[tilespmem:v39+s17+$0x0] =	vst.idx.msk vm2, v50;
	v39 =	vadd.s32 s31, v11;
	v44 =	vadd.s32 s31, v14  }
0x68: {  	v42 =	vadd.s32 s2, v9;
	v50 =	vadd.s32 s31, v12;
	s31 =	smov.u32 s2;
	[tilespmem:v52+s17+$0x0] =	vst.idx.msk vm2, v47;
	v47 =	vadd.s32 s2, v7  }
0x69: {  	v52 =	vor.u32 $0x12, v35;
	[tilespmem:v48+s17+$0x0] =	vst.idx.msk vm2, v49;
	v48 =	vadd.s32 s31, v8;
	v49 =	vor.u32 $0xC, v25  }
0x6a: {  	v55 =	vor.u32 $0x13, v35;
	v56 =	vor.u32 $0xD, v25;
	v37 =	vmul.f32 v37, v27;
	v25 =	vmovc v30;
	v30 =	vmovc v35;
	v40 =	vld.idx.msk [tilespmem:v40+s4+$0x0], $0xffff  }
0x6b: {  	v45 =	vmul.f32 v46, v45;
	v35 =	vor.u32 $0x10, v30;
	v41 =	vmul.f32 v41, v28;
	v38 =	vld.idx.msk [tilespmem:v38+s4+$0x0], $0xffff  }
0x6c: {  	v46 =	vor.u32 $0x11, v30;
	v51 =	vmul.f32 v51, v53;
	v37 =	vadd.f32 v37, v26  }
0x6d: {  	v45 =	vmax.f32 v45, $-1.000000000e+01;
	v53 =	vor.u32 $0x2, v30;
	v41 =	vadd.f32 v41, v29  }
0x6e: {  	v45 =	vmin.f32 v45, $1.000000000e+01;
	v51 =	vmax.f32 v51, $-1.000000000e+01;
	v37 =	vmul.f32 $7.680000000e+02, v37;
	v52 =	vld.idx.msk [tilespmem:v52+s4+$0x0], $0xffff  }
0x6f: {  	v45 =	vmul.f32 $1.442695020e+00, v45;
	v51 =	vmin.f32 v51, $1.000000000e+01;
	v41 =	vmul.f32 $7.680000000e+02, v41;
	v55 =	vld.idx.msk [tilespmem:v55+s4+$0x0], $0xffff  }
0x70: {  	v57 =	vor.u32 $0x3, v30;
	v51 =	vmul.f32 $1.442695020e+00, v51;
	v40 =	vmul.f32 v40, v33;
	v35 =	vld.idx.msk [tilespmem:v35+s4+$0x0], $0xffff;
	[tilespmem:v39+s17+$0x0] =	vst.idx.msk vm3, v37  }
0x71: {  	v37 =	vor.u32 $0xE, v30;
	v38 =	vmul.f32 v38, v34;
	v46 =	vld.idx.msk [tilespmem:v46+s4+$0x0], $0xffff;
	(erf) = vpow2.f32 v45;
	[tilespmem:v50+s17+$0x0] =	vst.idx.msk vm3, v41  }
0x72: {  	v45 =	vor.u32 $0xF, v30;
	v39 =	vadd.f32 v40, v31;
	(erf) = vpow2.f32 v51;
	v49 =	vld.idx.msk [tilespmem:v49+s4+$0x0], $0xffff  }
0x73: {  	s2 =	sadd.s32 s0, s28;
	v58 =	vadd.s32 s31, v10;
	s0 =	smov.u32 s8;
	v50 =	vadd.f32 v38, v32;
	v51 =	vor.u32 $0x8, v25;
	v56 =	vld.idx.msk [tilespmem:v56+s4+$0x0], $0xffff  }
0x74: {  	v60 =	vor.u32 $0x9, v25;
	v41 =	vor.u32 s2, v0;
	v59 =	vmul.f32 $7.680000000e+02, v39;
	v53 =	vld.idx.msk [tilespmem:v53+s4+$0x0], $0xffff  }
0x75: {  	v40 =	vadd.s32 s2, v2;
	v38 =	vadd.s32 s2, v3;
	v50 =	vmul.f32 $7.680000000e+02, v50;
	v57 =	vld.idx.msk [tilespmem:v57+s4+$0x0], $0xffff  }
0x76: {  	vm2 =	vlt.s32 v54, $0xC7;
	v39 =	vadd.s32 s2, v4;
	v62 =	vadd.f32 $1.000000050e-03, v35;
	v61 =	vld.idx.msk [tilespmem:v37+s4+$0x0], $0xffff;
	[tilespmem:v47+s17+$0x0] =	vst.idx.msk vm1, v59  }
0x77: {  	v35 =	vnsel vm2, $0xC7, v54;
	vm2 =	vlt.u32 v36, $0xC8;
	v36 =	vmovc v54;
	v46 =	vadd.f32 $1.000000050e-03, v46;
	v45 =	vld.idx.msk [tilespmem:v45+s4+$0x0], $0xffff;
	[tilespmem:v48+s17+$0x0] =	vst.idx.msk vm1, v50  }
0x78: {  	v47 =	vor.u32 $0x1, v30;
	v49 =	vmul.f32 v49, v27;
	v27 =	vmovc v33;
	v33 =	vmul.f32 v52, v62;
	v48 =	vld.idx.msk [tilespmem:v51+s4+$0x0], $0xffff  }
0x79: {  	v35 =	vshll.u32 v35, $0x7;
	v51 =	vmul.f32 v56, v28;
	v28 =	vmovc v34;
	v34 =	vmul.f32 v55, v46;
	v50 =	vld.idx.msk [tilespmem:v60+s4+$0x0], $0xffff  }
0x7a: {  	v37 =	vor.u32 $0xA, v25;
	v52 =	vmul.f32 v53, v33;
	v56 =	vadd.f32 v49, v26;
	v53 =	vpop (erf)  }
0x7b: {  	v49 =	vmul.f32 v57, v34;
	v57 =	vadd.f32 v51, v29;
	v53 =	vmul.f32 v53, v62;
	v54 =	vpop (erf)  }
0x7c: {  	v55 =	vor.u32 $0x4, v35;
	v26 =	vmovc v31;
	v51 =	vmul.f32 $7.680000000e+02, v56;
	v31 =	vmovc v61;
	v46 =	vmul.f32 v54, v46  }
0x7d: {  	v29 =	vmovc v32;
	v32 =	vmovc v45;
	v54 =	vld.idx.msk [tilespmem:v47+s4+$0x0], $0xffff;
	v47 =	vadd.f32 v52, v31;
	v52 =	vmul.f32 $5.000000000e-01, v53;
	v53 =	vmul.f32 $7.680000000e+02, v57  }
0x7e: {  	v45 =	vadd.f32 v49, v32;
	v48 =	vmul.f32 v48, v27;
	v46 =	vmul.f32 $5.000000000e-01, v46;
	[tilespmem:v43+s17+$0x0] =	vst.idx.msk vm3, v51  }
0x7f: {  	v43 =	vor.u32 $0x14, v35;
	v50 =	vmul.f32 v50, v28;
	v49 =	vsub.f32 v47, v52;
	[tilespmem:v44+s17+$0x0] =	vst.idx.msk vm3, v53  }
0x80: {  	v53 =	vor.u32 $0x5, v35;
	v48 =	vadd.f32 v48, v26;
	v56 =	vsub.f32 v45, v46  }
.Ltmp2:
0x81: {  	v47 =	vadd.f32 v52, v47;
	v44 =	vor.u32 $0xB, v25;
	v50 =	vadd.f32 v50, v29;
	(pc) =	sbr.rel @p1 .LBB2_3-.Ltmp2, $4  }
0x82: {  	v52 =	vadd.f32 v46, v45;
	v51 =	vmul.f32 $7.680000000e+02, v49;
	v48 =	vmul.f32 $7.680000000e+02, v48  }
0x83: {  	v49 =	vmul.f32 $7.680000000e+02, v56;
	v56 =	vmul.f32 $7.680000000e+02, v50;
	v45 =	vld.idx.msk [tilespmem:v55+s4+$0x0], $0xffff;
	v55 =	vor.u32 $0x15, v35  }
0x84: {  	vm3 =	vlt.f32 v54, $9.999999770e-03;
	v50 =	vmul.f32 $7.680000000e+02, v47;
	v47 =	vmul.f32 $7.680000000e+02, v52;
	v46 =	vld.idx.msk [tilespmem:v43+s4+$0x0], $0xffff;
	[tilespmem:v42+s17+$0x0] =	vst.idx.msk vm1, v48  }
0x85: {  	s8 =	sadd.s32 $0x10, s8;
	v52 =	vadd.s32 s2, v5;
	v54 =	vsel vm3, $0xBF800000, v54;
	v48 =	vadd.s32 s2, v6;
	v53 =	vld.idx.msk [tilespmem:v53+s4+$0x0], $0xffff;
	[tilespmem:v58+s17+$0x0] =	vst.idx.msk vm1, v56  }
0x86: {  	_ =	sdelay $0x3  }
0x87: {  	v42 =	vld.idx.msk [tilespmem:v55+s4+$0x0], $0xffff;
	_ =	sdelay $0x3  }
0x88: {  	v43 =	vmul.f32 v46, v45  }
0x89: {  	v62 =	vor.u32 $0x10, v35;
	v42 =	vmul.f32 v42, v53  }
0x8a: {  	v63 =	vor.u32 $0x13, v35;
	v43 =	vmax.f32 v43, $-1.000000000e+01  }
0x8b: {  	v46 =	vor.u32 $0x11, v35;
	v43 =	vmin.f32 v43, $1.000000000e+01;
	v42 =	vmax.f32 v42, $-1.000000000e+01  }
0x8c: {  	v53 =	vor.u32 $0x12, v35;
	v43 =	vmul.f32 $1.442695020e+00, v43;
	v42 =	vmin.f32 v42, $1.000000000e+01  }
0x8d: {  	v56 =	vor.u32 $0x2, v35;
	v42 =	vmul.f32 $1.442695020e+00, v42  }
0x8e: {  	v61 =	vor.u32 $0x3, v35;
	v60 =	vld.idx.msk [tilespmem:v62+s4+$0x0], $0xffff;
	(erf) = vpow2.f32 v43  }
0x8f: {  	v62 =	vor.u32 $0xE, v35;
	v55 =	vld.idx.msk [tilespmem:v63+s4+$0x0], $0xffff;
	(erf) = vpow2.f32 v42  }
0x90: {  	v57 =	vor.u32 $0xF, v35;
	v46 =	vld.idx.msk [tilespmem:v46+s4+$0x0], $0xffff  }
0x91: {  	v53 =	vld.idx.msk [tilespmem:v53+s4+$0x0], $0xffff  }
0x92: {  	v56 =	vld.idx.msk [tilespmem:v56+s4+$0x0], $0xffff  }
0x93: {  	v58 =	vld.idx.msk [tilespmem:v61+s4+$0x0], $0xffff  }
0x94: {  	[tilespmem:v41+s17+$0x0] =	vst.idx.msk vm2, v54;
	v59 =	vadd.f32 $1.000000050e-03, v60;
	v43 =	vld.idx.msk [tilespmem:v62+s4+$0x0], $0xffff  }
0x95: {  	s0 =	sadd.s32 s0, s28;
	[tilespmem:v40+s17+$0x0] =	vst.idx.msk vm2, v51;
	v42 =	vld.idx.msk [tilespmem:v57+s4+$0x0], $0xffff;
	v57 =	vor.u32 $0x1, v35;
	v60 =	vadd.f32 $1.000000050e-03, v46  }
0x96: {  	vm4 =	vlt.u32 v36, $0xC8;
	v36 =	vadd.s32 s0, v2;
	[tilespmem:v38+s17+$0x0] =	vst.idx.msk vm2, v49;
	v45 =	vmul.f32 v53, v59  }
0x97: {  	[tilespmem:v39+s17+$0x0] =	vst.idx.msk vm2, v50;
	v39 =	vadd.s32 s0, v4;
	v53 =	vsub.f32 v50, v51;
	v46 =	vmul.f32 v55, v60;
	v55 =	vpop (erf)  }
0x98: {  	v61 =	vsub.f32 v47, v49;
	v56 =	vmul.f32 v56, v45;
	v55 =	vmul.f32 v55, v59;
	v63 =	vpop (erf)  }
0x99: {  	v53 =	vmax.f32 v53, $0.0e+00;
	v58 =	vmul.f32 v58, v46;
	v59 =	vmul.f32 v63, v60  }
0x9a: {  	v57 =	vld.idx.msk [tilespmem:v57+s4+$0x0], $0xffff;
	v56 =	vadd.f32 v56, v43;
	v60 =	vmax.f32 v61, $0.0e+00;
	v55 =	vmul.f32 $5.000000000e-01, v55  }
0x9b: {  	v58 =	vadd.f32 v58, v42;
	v41 =	vmul.f32 v60, v53;
	v59 =	vmul.f32 $5.000000000e-01, v59  }
0x9c: {  	v53 =	vor.u32 s0, v0;
	v40 =	vsub.f32 v56, v55;
	v60 =	vadd.f32 v55, v56  }
0x9d: {  	v49 =	vadd.s32 s0, v3;
	v51 =	vsub.f32 v58, v59;
	v63 =	vadd.f32 v59, v58  }
0x9e: {  	v62 =	vor.u32 $0x6, v30;
	v40 =	vmul.f32 $7.680000000e+02, v40;
	v38 =	vmul.f32 $7.680000000e+02, v60  }
0x9f: {  	[tilespmem:v52+s17+$0x0] =	vst.idx.msk vm2, v47;
	vm3 =	vlt.f32 v57, $9.999999770e-03;
	v50 =	vmul.f32 $7.680000000e+02, v51;
	v47 =	vmul.f32 $7.680000000e+02, v63  }
0xa0: {  	v61 =	vor.u32 $0x7, v30;
	[tilespmem:v48+s17+$0x0] =	vst.idx.msk vm2, v41;
	v41 =	vadd.s32 s0, v5;
	v58 =	vsel vm3, $0xBF800000, v57  }
0xa1: {  	v48 =	vadd.s32 s0, v6;
	v59 =	vsub.f32 v38, v40;
	[tilespmem:v53+s17+$0x0] =	vst.idx.msk vm4, v58;
	v54 =	vsub.f32 v47, v50  }
0xa2: {  	v60 =	vor.u32 $0x6, v35;
	[tilespmem:v36+s17+$0x0] =	vst.idx.msk vm4, v40  }
0xa3: {  	v57 =	vor.u32 $0x7, v35;
	v63 =	vmax.f32 v59, $0.0e+00;
	[tilespmem:v49+s17+$0x0] =	vst.idx.msk vm4, v50;
	v56 =	vmax.f32 v54, $0.0e+00  }
0xa4: {  	[tilespmem:v39+s17+$0x0] =	vst.idx.msk vm4, v38;
	v51 =	vmul.f32 v56, v63  }
0xa5: {  	v62 =	vld.idx.msk [tilespmem:v62+s4+$0x0], $0xffff;
	[tilespmem:v41+s17+$0x0] =	vst.idx.msk vm4, v47  }
0xa6: {  	v58 =	vld.idx.msk [tilespmem:v61+s4+$0x0], $0xffff;
	[tilespmem:v48+s17+$0x0] =	vst.idx.msk vm4, v51  }
0xa7: {  	v36 =	vld.idx.msk [tilespmem:v60+s4+$0x0], $0xffff  }
0xa8: {  	v39 =	vld.idx.msk [tilespmem:v57+s4+$0x0], $0xffff;
	_ =	sdelay $0x1  }
0xa9: {  	v55 =	vadd.s32 s0, v7;
	vm3 =	vmmov vm2;
	v59 =	vmul.f32 v62, v33  }
0xaa: {  	v61 =	vadd.s32 s2, v7;
	v62 =	vadd.s32 s2, v8;
	v60 =	vmul.f32 v58, v34  }
0xab: {  	v54 =	vor.u32 $0x9, v30;
	v38 =	vadd.f32 v59, v31;
	v36 =	vmul.f32 v36, v45  }
0xac: {  	v63 =	vor.u32 $0x8, v30;
	v40 =	vadd.f32 v60, v32;
	v39 =	vmul.f32 v39, v46  }
0xad: {  	v56 =	vadd.s32 s0, v8;
	v38 =	vmul.f32 $7.680000000e+02, v38;
	v36 =	vadd.f32 v36, v43  }
0xae: {  	v58 =	vor.u32 $0x8, v35;
	v40 =	vmul.f32 $7.680000000e+02, v40;
	v57 =	vadd.f32 v39, v42  }
0xaf: {  	v59 =	vor.u32 $0x9, v35;
	[tilespmem:v61+s17+$0x0] =	vst.idx.msk vm3, v38;
	v36 =	vmul.f32 $7.680000000e+02, v36  }
0xb0: {  	[tilespmem:v62+s17+$0x0] =	vst.idx.msk vm3, v40;
	v38 =	vmul.f32 $7.680000000e+02, v57  }
0xb1: {  	v41 =	vld.idx.msk [tilespmem:v63+s4+$0x0], $0xffff;
	[tilespmem:v55+s17+$0x0] =	vst.idx.msk vm4, v36  }
0xb2: {  	v47 =	vld.idx.msk [tilespmem:v54+s4+$0x0], $0xffff;
	[tilespmem:v56+s17+$0x0] =	vst.idx.msk vm4, v38  }
0xb3: {  	v36 =	vld.idx.msk [tilespmem:v58+s4+$0x0], $0xffff  }
0xb4: {  	v38 =	vld.idx.msk [tilespmem:v59+s4+$0x0], $0xffff;
	_ =	sdelay $0x1  }
0xb5: {  	v62 =	vadd.s32 s2, v9;
	v60 =	vmul.f32 v41, v33  }
0xb6: {  	v37 =	vld.idx.msk [tilespmem:v37+s4+$0x0], $0xffff;
	v63 =	vadd.s32 s2, v10;
	v57 =	vor.u32 $0xB, v30;
	v61 =	vmul.f32 v47, v34  }
0xb7: {  	v56 =	vor.u32 $0xA, v30;
	v39 =	vadd.f32 v60, v31;
	v36 =	vmul.f32 v36, v45  }
0xb8: {  	v58 =	vadd.s32 s0, v9;
	v40 =	vadd.f32 v61, v32;
	v38 =	vmul.f32 v38, v46  }
0xb9: {  	v44 =	vld.idx.msk [tilespmem:v44+s4+$0x0], $0xffff;
	v59 =	vadd.s32 s0, v10;
	v39 =	vmul.f32 $7.680000000e+02, v39;
	v36 =	vadd.f32 v36, v43  }
0xba: {  	v60 =	vor.u32 $0xA, v35;
	v40 =	vmul.f32 $7.680000000e+02, v40;
	v38 =	vadd.f32 v38, v42  }
0xbb: {  	v37 =	vmul.f32 v37, v27;
	v61 =	vor.u32 $0xB, v35;
	[tilespmem:v62+s17+$0x0] =	vst.idx.msk vm3, v39;
	v36 =	vmul.f32 $7.680000000e+02, v36  }
0xbc: {  	[tilespmem:v63+s17+$0x0] =	vst.idx.msk vm3, v40;
	v38 =	vmul.f32 $7.680000000e+02, v38  }
0xbd: {  	v37 =	vadd.f32 v37, v26;
	v41 =	vld.idx.msk [tilespmem:v56+s4+$0x0], $0xffff;
	[tilespmem:v58+s17+$0x0] =	vst.idx.msk vm4, v36  }
0xbe: {  	vm1 =	vmmov vm1;
	v62 =	vmul.f32 v44, v28;
	v63 =	vld.idx.msk [tilespmem:v57+s4+$0x0], $0xffff;
	[tilespmem:v59+s17+$0x0] =	vst.idx.msk vm4, v38  }
0xbf: {  	v52 =	vadd.s32 s0, v12;
	v37 =	vmul.f32 $7.680000000e+02, v37;
	v54 =	vadd.s32 s31, v11;
	v55 =	vld.idx.msk [tilespmem:v60+s4+$0x0], $0xffff  }
0xc0: {  	vm2 =	vmmov vm4;
	v40 =	vadd.f32 v62, v29;
	v56 =	vadd.s32 s31, v12;
	v39 =	vld.idx.msk [tilespmem:v61+s4+$0x0], $0xffff  }
0xc1: {  	vm2 =	vmmov vm2;
	vm3 =	vmmov vm3;
	v57 =	vor.u32 $0xC, v25  }
0xc2: {  	v25 =	vor.u32 $0xD, v25;
	v40 =	vmul.f32 $7.680000000e+02, v40;
	v41 =	vmul.f32 v41, v33  }
0xc3: {  	v58 =	vadd.s32 s2, v11;
	v59 =	vadd.s32 s2, v12;
	v36 =	vmul.f32 v63, v34  }
0xc4: {  	[tilespmem:v54+s17+$0x0] =	vst.idx.msk vm1, v37;
	v63 =	vadd.s32 s0, v11;
	v61 =	vadd.f32 v41, v31;
	v62 =	vmul.f32 v55, v45  }
0xc5: {  	[tilespmem:v56+s17+$0x0] =	vst.idx.msk vm1, v40;
	v60 =	vor.u32 $0xC, v30;
	v36 =	vadd.f32 v36, v32;
	v39 =	vmul.f32 v39, v46  }
0xc6: {  	v30 =	vor.u32 $0xD, v30;
	v48 =	vld.idx.msk [tilespmem:v57+s4+$0x0], $0xffff;
	v37 =	vmul.f32 $7.680000000e+02, v61;
	v38 =	vadd.f32 v62, v43  }
0xc7: {  	v53 =	vor.u32 $0xC, v35;
	v25 =	vld.idx.msk [tilespmem:v25+s4+$0x0], $0xffff;
	v36 =	vmul.f32 $7.680000000e+02, v36;
	v39 =	vadd.f32 v39, v42  }
0xc8: {  	v54 =	vor.u32 $0xD, v35;
	[tilespmem:v58+s17+$0x0] =	vst.idx.msk vm3, v37;
	v55 =	vmul.f32 $7.680000000e+02, v38  }
0xc9: {  	[tilespmem:v59+s17+$0x0] =	vst.idx.msk vm3, v36;
	v56 =	vmul.f32 $7.680000000e+02, v39  }
0xca: {  	v57 =	vld.idx.msk [tilespmem:v60+s4+$0x0], $0xffff;
	[tilespmem:v63+s17+$0x0] =	vst.idx.msk vm2, v55  }
0xcb: {  	v27 =	vmul.f32 v48, v27;
	v30 =	vld.idx.msk [tilespmem:v30+s4+$0x0], $0xffff;
	[tilespmem:v52+s17+$0x0] =	vst.idx.msk vm2, v56  }
0xcc: {  	v25 =	vmul.f32 v25, v28;
	v28 =	vld.idx.msk [tilespmem:v53+s4+$0x0], $0xffff  }
0xcd: {  	v26 =	vadd.f32 v27, v26;
	v27 =	vld.idx.msk [tilespmem:v54+s4+$0x0], $0xffff  }
0xce: {  	v61 =	vadd.s32 s2, v14;
	v58 =	vadd.s32 s31, v13  }
0xcf: {  	v25 =	vadd.f32 v25, v29;
	v29 =	vadd.s32 s31, v14;
	v59 =	vmul.f32 v57, v33  }
0xd0: {  	v60 =	vadd.s32 s2, v13;
	v62 =	vadd.s32 s0, v13;
	v30 =	vmul.f32 v30, v34  }
0xd1: {  	v26 =	vmul.f32 $7.680000000e+02, v26;
	v31 =	vadd.f32 v59, v31;
	v28 =	vmul.f32 v28, v45  }
0xd2: {  	v25 =	vmul.f32 $7.680000000e+02, v25;
	v30 =	vadd.f32 v30, v32;
	v27 =	vmul.f32 v27, v46  }
0xd3: {  	[tilespmem:v58+s17+$0x0] =	vst.idx.msk vm1, v26;
	v26 =	vmul.f32 $7.680000000e+02, v31;
	v31 =	vadd.s32 s0, v14;
	s0 =	simm.s32 $0x0;
	v28 =	vadd.f32 v28, v43  }
0xd4: {  	s8 =	sadd.s32 s30, s9;
	[tilespmem:v29+s17+$0x0] =	vst.idx.msk vm1, v25;
	v25 =	vmul.f32 $7.680000000e+02, v30;
	v63 =	vor.u32 s0, v0;
	v27 =	vadd.f32 v27, v42  }
0xd5: {  	s2 =	sshll.u32 s8, $0x7;
	[tilespmem:v60+s17+$0x0] =	vst.idx.msk vm3, v26;
	vm1 =	vlt.s32 v63, $0xC7;
	v26 =	vmul.f32 $7.680000000e+02, v28  }
0xd6: {  	s2 =	sadd.s32 s3, s2;
	[tilespmem:v61+s17+$0x0] =	vst.idx.msk vm3, v25;
	v25 =	vnsel vm1, $0xC7, v63;
	v27 =	vmul.f32 $7.680000000e+02, v27  }
0xd7: {  	s2 =	sshrl.u32 s2, $0x3;
	v25 =	vshll.u32 v25, $0x7;
	[tilespmem:v62+s17+$0x0] =	vst.idx.msk vm2, v26  }
0xd8: {  	s2 =	sadd.s32 s5, s2;
	v26 =	vor.u32 $0x4, v25;
	[tilespmem:v31+s17+$0x0] =	vst.idx.msk vm2, v27  }
0xd9: {  	v27 =	vor.u32 $0x14, v25;
	[tilespmem:s0], [sflag:$0x1] =	stream.linear.gather [hbm4b:s2+s0], $0x6400, $0x38;
	[tilespmem:$0x1FE80] =	vst v63  }
0xda: {  	v28 =	vor.u32 $0x5, v25;
	_ =	swait.ge [sflag:s18], $0x6400  }
0xdb: {  	v29 =	vor.u32 $0x15, v25;
	[sflag:s18] =	ssyncset.done $0x0  }
0xdc: {  	[sflag:s18] =	ssyncadd.s32 $0xFFFF9C00  }
0xdd: {  	v26 =	vld.idx.msk [tilespmem:v26+s15+$0x0], $0xffff  }
0xde: {  	v27 =	vld.idx.msk [tilespmem:v27+s15+$0x0], $0xffff  }
0xdf: {  	v28 =	vld.idx.msk [tilespmem:v28+s15+$0x0], $0xffff  }
0xe0: {  	v29 =	vld.idx.msk [tilespmem:v29+s15+$0x0], $0xffff;
	_ =	sdelay $0x3  }
0xe1: {  	v26 =	vmul.f32 v27, v26  }
0xe2: {  	v27 =	vmul.f32 v29, v28  }
0xe3: {  	v28 =	vor.u32 $0x10, v25;
	v26 =	vmax.f32 v26, $-1.000000000e+01  }
0xe4: {  	v29 =	vor.u32 $0x11, v25;
	v27 =	vmax.f32 v27, $-1.000000000e+01;
	v26 =	vmin.f32 v26, $1.000000000e+01  }
0xe5: {  	v30 =	vor.u32 $0x12, v25;
	v27 =	vmin.f32 v27, $1.000000000e+01;
	v26 =	vmul.f32 $1.442695020e+00, v26  }
0xe6: {  	v31 =	vor.u32 $0x13, v25;
	v27 =	vmul.f32 $1.442695020e+00, v27  }
0xe7: {  	v44 =	vor.u32 $0x2, v25;
	(erf) = vpow2.f32 v26  }
0xe8: {  	v26 =	vld.idx.msk [tilespmem:v28+s15+$0x0], $0xffff;
	v28 =	vor.u32 $0x3, v25;
	(erf) = vpow2.f32 v27  }
0xe9: {  	v29 =	vld.idx.msk [tilespmem:v29+s15+$0x0], $0xffff;
	v27 =	vor.u32 $0xE, v25  }
0xea: {  	v45 =	vor.u32 $0xF, v25;
	v30 =	vld.idx.msk [tilespmem:v30+s15+$0x0], $0xffff  }
0xeb: {  	v31 =	vld.idx.msk [tilespmem:v31+s15+$0x0], $0xffff  }
0xec: {  	s31 =	sadd.s32 $0x0, s26;
	v32 =	vld.idx.msk [tilespmem:v44+s15+$0x0], $0xffff  }
0xed: {  	v38 =	vadd.s32 s31, v0;
	v46 =	vld.idx.msk [tilespmem:v28+s15+$0x0], $0xffff;
	v47 =	vadd.f32 $1.000000050e-03, v26  }
0xee: {  	s8 =	simm.s32 $0x10;
	v56 =	vadd.s32 s31, v3;
	v49 =	vor.u32 $0x1, v25;
	v48 =	vadd.f32 $1.000000050e-03, v29;
	v26 =	vld.idx.msk [tilespmem:v27+s15+$0x0], $0xffff  }
0xef: {  	v54 =	vadd.s32 s31, v2;
	v42 =	vor.u32 s8, v0;
	v29 =	vld.idx.msk [tilespmem:v45+s15+$0x0], $0xffff;
	v27 =	vmul.f32 v30, v47  }
0xf0: {  	v60 =	vadd.s32 s31, v4;
	vm1 =	vlt.s32 v42, $0xC7;
	v28 =	vmul.f32 v31, v48;
	v30 =	vpop (erf)  }
0xf1: {  	v31 =	vnsel vm1, $0xC7, v42;
	v32 =	vmul.f32 v32, v27;
	v36 =	vmul.f32 v30, v47;
	v50 =	vpop (erf)  }
0xf2: {  	v30 =	vshll.u32 v31, $0x7;
	v31 =	vmul.f32 v46, v28;
	v51 =	vmul.f32 v50, v48  }
0xf3: {  	v34 =	vld.idx.msk [tilespmem:v49+s15+$0x0], $0xffff;
	vm1 =	vlt.u32 v63, $0xC8;
	v32 =	vadd.f32 v32, v26;
	v36 =	vmul.f32 $5.000000000e-01, v36  }
0xf4: {  	v52 =	vor.u32 $0x4, v30;
	v31 =	vadd.f32 v31, v29;
	v35 =	vmul.f32 $5.000000000e-01, v51  }
0xf5: {  	v53 =	vor.u32 $0x14, v30;
	v57 =	vsub.f32 v32, v36;
	v32 =	vadd.f32 v36, v32  }
0xf6: {  	v55 =	vor.u32 $0x5, v30;
	v58 =	vsub.f32 v31, v35;
	v31 =	vadd.f32 v35, v31  }
0xf7: {  	v59 =	vor.u32 $0x15, v30;
	v43 =	vmul.f32 $7.680000000e+02, v57;
	v32 =	vmul.f32 $7.680000000e+02, v32  }
0xf8: {  	vm2 =	vlt.f32 v34, $9.999999770e-03;
	v44 =	vmul.f32 $7.680000000e+02, v58;
	v31 =	vmul.f32 $7.680000000e+02, v31  }
0xf9: {  	v61 =	vadd.s32 s31, v5;
	v62 =	vadd.s32 s31, v6;
	v34 =	vsel vm2, $0xBF800000, v34;
	v37 =	vld.idx.msk [tilespmem:v52+s15+$0x0], $0xffff  }
0xfa: {  	[tilespmem:v38+s17+$0x0] =	vst.idx.msk vm1, v34;
	v39 =	vld.idx.msk [tilespmem:v53+s15+$0x0], $0xffff;
	v63 =	vsub.f32 v32, v43;
	v52 =	vsub.f32 v31, v44  }
0xfb: {  	v33 =	vld.idx.msk [tilespmem:v55+s15+$0x0], $0xffff;
	v53 =	vor.u32 $0x6, v25;
	[tilespmem:v54+s17+$0x0] =	vst.idx.msk vm1, v43  }
0xfc: {  	v35 =	vld.idx.msk [tilespmem:v59+s15+$0x0], $0xffff;
	[tilespmem:v56+s17+$0x0] =	vst.idx.msk vm1, v44;
	v56 =	vor.u32 $0x7, v25;
	v54 =	vmax.f32 v63, $0.0e+00;
	v55 =	vmax.f32 v52, $0.0e+00  }
0xfd: {  	[tilespmem:v60+s17+$0x0] =	vst.idx.msk vm1, v32;
	v38 =	vmul.f32 v55, v54  }
0xfe: {  	[tilespmem:v61+s17+$0x0] =	vst.idx.msk vm1, v31  }
0xff: {  	v57 =	vor.u32 $0x12, v30;
	[tilespmem:v62+s17+$0x0] =	vst.idx.msk vm1, v38  }
0x100: {  	v59 =	vor.u32 $0x11, v30;
	v58 =	vor.u32 $0x10, v30;
	v31 =	vmul.f32 v39, v37;
	v34 =	vld.idx.msk [tilespmem:v53+s15+$0x0], $0xffff  }
0x101: {  	v60 =	vor.u32 $0x13, v30;
	v63 =	vor.u32 $0xF, v30;
	v33 =	vmul.f32 v35, v33;
	v36 =	vld.idx.msk [tilespmem:v56+s15+$0x0], $0xffff  }
0x102: {  	v39 =	vadd.s32 s31, v7;
	v61 =	vor.u32 $0x2, v30;
	v31 =	vmax.f32 v31, $-1.000000000e+01  }
0x103: {  	v55 =	vor.u32 $0x1, v30;
	v33 =	vmax.f32 v33, $-1.000000000e+01;
	v31 =	vmin.f32 v31, $1.000000000e+01  }
0x104: {  	v43 =	vld.idx.msk [tilespmem:v57+s15+$0x0], $0xffff;
	vm1 =	vmmov vm1;
	v33 =	vmin.f32 v33, $1.000000000e+01;
	v31 =	vmul.f32 $1.442695020e+00, v31  }
0x105: {  	v37 =	vld.idx.msk [tilespmem:v59+s15+$0x0], $0xffff;
	v62 =	vor.u32 $0x3, v30;
	v33 =	vmul.f32 $1.442695020e+00, v33;
	v34 =	vmul.f32 v34, v27  }
0x106: {  	v35 =	vld.idx.msk [tilespmem:v58+s15+$0x0], $0xffff;
	(erf) = vpow2.f32 v31;
	v31 =	vor.u32 $0xE, v30;
	v36 =	vmul.f32 v36, v28  }
0x107: {  	v45 =	vld.idx.msk [tilespmem:v60+s15+$0x0], $0xffff;
	(erf) = vpow2.f32 v33;
	v33 =	vadd.s32 s31, v8;
	v34 =	vadd.f32 v34, v26  }
0x108: {  	v46 =	vor.u32 $0x8, v25;
	v32 =	vld.idx.msk [tilespmem:v63+s15+$0x0], $0xffff;
	v41 =	vadd.f32 v36, v29  }
0x109: {  	s0 =	simm.s32 $0x20;
	s2 =	sadd.s32 $0x10, s26;
	v60 =	vor.u32 $0x9, v25;
	v47 =	vld.idx.msk [tilespmem:v61+s15+$0x0], $0xffff;
	v34 =	vmul.f32 $7.680000000e+02, v34  }
0x10a: {  	v40 =	vadd.s32 s2, v2;
	v49 =	vld.idx.msk [tilespmem:v62+s15+$0x0], $0xffff;
	v36 =	vor.u32 s0, v0;
	v61 =	vmul.f32 $7.680000000e+02, v41  }
0x10b: {  	v52 =	vadd.s32 s31, v9;
	v38 =	vadd.s32 s2, v3;
	v31 =	vld.idx.msk [tilespmem:v31+s15+$0x0], $0xffff;
	vm2 =	vlt.s32 v36, $0xC7;
	[tilespmem:v39+s17+$0x0] =	vst.idx.msk vm1, v34  }
0x10c: {  	v63 =	vadd.f32 $1.000000050e-03, v37;
	v53 =	vnsel vm2, $0xC7, v36;
	vm2 =	vlt.u32 v42, $0xC8;
	v42 =	vld.idx.msk [tilespmem:v55+s15+$0x0], $0xffff;
	[tilespmem:v33+s17+$0x0] =	vst.idx.msk vm1, v61  }
0x10d: {  	v56 =	vadd.s32 s31, v10;
	v37 =	vor.u32 $0xA, v25;
	v62 =	vadd.f32 $1.000000050e-03, v35;
	v54 =	vld.idx.msk [tilespmem:v46+s15+$0x0], $0xffff  }
0x10e: {  	v41 =	vadd.s32 s2, v0;
	v35 =	vshll.u32 v53, $0x7;
	v34 =	vmul.f32 v45, v63;
	v57 =	vld.idx.msk [tilespmem:v60+s15+$0x0], $0xffff  }
0x10f: {  	v39 =	vadd.s32 s2, v4;
	v58 =	vpop (erf);
	v48 =	vor.u32 $0x4, v35;
	v33 =	vmul.f32 v43, v62  }
0x110: {  	v53 =	vor.u32 $0x14, v35;
	v60 =	vmul.f32 v58, v62;
	v61 =	vpop (erf);
	v49 =	vmul.f32 v49, v34  }
0x111: {  	v55 =	vor.u32 $0x15, v35;
	v59 =	vmul.f32 v47, v33;
	v44 =	vmul.f32 v61, v63  }
0x112: {  	vm3 =	vlt.f32 v42, $9.999999770e-03;
	v47 =	vmul.f32 $5.000000000e-01, v60;
	v43 =	vmul.f32 v54, v27  }
0x113: {  	v49 =	vadd.f32 v49, v32;
	v46 =	vadd.f32 v59, v31;
	v63 =	vmul.f32 v57, v28  }
0x114: {  	v50 =	vmul.f32 $5.000000000e-01, v44;
	v54 =	vor.u32 $0x5, v35;
	v43 =	vadd.f32 v43, v26  }
0x115: {  	v44 =	vor.u32 $0xB, v25;
	v62 =	vsub.f32 v46, v47;
	v61 =	vadd.f32 v63, v29  }
0x116: {  	v60 =	vsub.f32 v49, v50;
	v47 =	vadd.f32 v47, v46;
	v43 =	vmul.f32 $7.680000000e+02, v43  }
0x117: {  	v45 =	vld.idx.msk [tilespmem:v48+s15+$0x0], $0xffff;
	v51 =	vmul.f32 $7.680000000e+02, v62;
	v62 =	vadd.f32 v50, v49;
	v63 =	vmul.f32 $7.680000000e+02, v61  }
0x118: {  	v48 =	vadd.s32 s2, v6;
	v46 =	vld.idx.msk [tilespmem:v53+s15+$0x0], $0xffff;
	v49 =	vmul.f32 $7.680000000e+02, v60;
	v50 =	vmul.f32 $7.680000000e+02, v47;
	[tilespmem:v52+s17+$0x0] =	vst.idx.msk vm1, v43  }
0x119: {  	s8 =	simm.s32 $0x30;
	v47 =	vmul.f32 $7.680000000e+02, v62;
	v53 =	vld.idx.msk [tilespmem:v54+s15+$0x0], $0xffff;
	v54 =	vsel vm3, $0xBF800000, v42;
	v52 =	vadd.s32 s2, v5;
	[tilespmem:v56+s17+$0x0] =	vst.idx.msk vm1, v63  }
.LBB2_5:
0x11a: {  	v42 =	vsub.f32 v50, v51  }
0x11b: {  	p1 =	sne.s32 s8, $0xC0;
	v56 =	vsub.f32 v47, v49;
	[tilespmem:v41+s17+$0x0] =	vst.idx.msk vm2, v54;
	v37 =	vld.idx.msk [tilespmem:v37+s15+$0x0], $0xffff;
	vm3 =	vmmov vm1;
	vm1 =	vmmov vm2  }
0x11c: {  	v54 =	vor.u32 s8, v0;
	v43 =	vadd.s32 s31, v13;
	[tilespmem:v40+s17+$0x0] =	vst.idx.msk vm2, v51;
	v40 =	vor.u32 $0x6, v30;
	v41 =	vld.idx.msk [tilespmem:v44+s15+$0x0], $0xffff  }
0x11d: {  	v51 =	vld.idx.msk [tilespmem:v55+s15+$0x0], $0xffff;
	v42 =	vmax.f32 v42, $0.0e+00;
	v44 =	vmax.f32 v56, $0.0e+00;
	[tilespmem:v38+s17+$0x0] =	vst.idx.msk vm2, v49;
	v38 =	vor.u32 $0x7, v30  }
0x11e: {  	v49 =	vmul.f32 v44, v42;
	[tilespmem:v39+s17+$0x0] =	vst.idx.msk vm2, v50;
	v39 =	vadd.s32 s31, v11;
	v44 =	vadd.s32 s31, v14  }
0x11f: {  	v42 =	vadd.s32 s2, v9;
	v50 =	vadd.s32 s31, v12;
	s31 =	smov.u32 s2;
	[tilespmem:v52+s17+$0x0] =	vst.idx.msk vm2, v47;
	v47 =	vadd.s32 s2, v7  }
0x120: {  	v52 =	vor.u32 $0x12, v35;
	[tilespmem:v48+s17+$0x0] =	vst.idx.msk vm2, v49;
	v48 =	vadd.s32 s31, v8;
	v49 =	vor.u32 $0xC, v25  }
0x121: {  	v55 =	vor.u32 $0x13, v35;
	v56 =	vor.u32 $0xD, v25;
	v37 =	vmul.f32 v37, v27;
	v25 =	vmovc v30;
	v30 =	vmovc v35;
	v40 =	vld.idx.msk [tilespmem:v40+s15+$0x0], $0xffff  }
0x122: {  	v45 =	vmul.f32 v46, v45;
	v35 =	vor.u32 $0x10, v30;
	v41 =	vmul.f32 v41, v28;
	v38 =	vld.idx.msk [tilespmem:v38+s15+$0x0], $0xffff  }
0x123: {  	v46 =	vor.u32 $0x11, v30;
	v51 =	vmul.f32 v51, v53;
	v37 =	vadd.f32 v37, v26  }
0x124: {  	v45 =	vmax.f32 v45, $-1.000000000e+01;
	v53 =	vor.u32 $0x2, v30;
	v41 =	vadd.f32 v41, v29  }
0x125: {  	v45 =	vmin.f32 v45, $1.000000000e+01;
	v51 =	vmax.f32 v51, $-1.000000000e+01;
	v37 =	vmul.f32 $7.680000000e+02, v37;
	v52 =	vld.idx.msk [tilespmem:v52+s15+$0x0], $0xffff  }
0x126: {  	v45 =	vmul.f32 $1.442695020e+00, v45;
	v51 =	vmin.f32 v51, $1.000000000e+01;
	v41 =	vmul.f32 $7.680000000e+02, v41;
	v55 =	vld.idx.msk [tilespmem:v55+s15+$0x0], $0xffff  }
0x127: {  	v57 =	vor.u32 $0x3, v30;
	v51 =	vmul.f32 $1.442695020e+00, v51;
	v40 =	vmul.f32 v40, v33;
	v35 =	vld.idx.msk [tilespmem:v35+s15+$0x0], $0xffff;
	[tilespmem:v39+s17+$0x0] =	vst.idx.msk vm3, v37  }
0x128: {  	v37 =	vor.u32 $0xE, v30;
	v38 =	vmul.f32 v38, v34;
	v46 =	vld.idx.msk [tilespmem:v46+s15+$0x0], $0xffff;
	(erf) = vpow2.f32 v45;
	[tilespmem:v50+s17+$0x0] =	vst.idx.msk vm3, v41  }
0x129: {  	v45 =	vor.u32 $0xF, v30;
	v39 =	vadd.f32 v40, v31;
	(erf) = vpow2.f32 v51;
	v49 =	vld.idx.msk [tilespmem:v49+s15+$0x0], $0xffff  }
0x12a: {  	s2 =	sadd.s32 s0, s26;
	v58 =	vadd.s32 s31, v10;
	s0 =	smov.u32 s8;
	v50 =	vadd.f32 v38, v32;
	v51 =	vor.u32 $0x8, v25;
	v56 =	vld.idx.msk [tilespmem:v56+s15+$0x0], $0xffff  }
0x12b: {  	v60 =	vor.u32 $0x9, v25;
	v41 =	vadd.s32 s2, v0;
	v59 =	vmul.f32 $7.680000000e+02, v39;
	v53 =	vld.idx.msk [tilespmem:v53+s15+$0x0], $0xffff  }
0x12c: {  	v40 =	vadd.s32 s2, v2;
	v38 =	vadd.s32 s2, v3;
	v50 =	vmul.f32 $7.680000000e+02, v50;
	v57 =	vld.idx.msk [tilespmem:v57+s15+$0x0], $0xffff  }
0x12d: {  	vm2 =	vlt.s32 v54, $0xC7;
	v39 =	vadd.s32 s2, v4;
	v62 =	vadd.f32 $1.000000050e-03, v35;
	v61 =	vld.idx.msk [tilespmem:v37+s15+$0x0], $0xffff;
	[tilespmem:v47+s17+$0x0] =	vst.idx.msk vm1, v59  }
0x12e: {  	v35 =	vnsel vm2, $0xC7, v54;
	vm2 =	vlt.u32 v36, $0xC8;
	v36 =	vmovc v54;
	v46 =	vadd.f32 $1.000000050e-03, v46;
	v45 =	vld.idx.msk [tilespmem:v45+s15+$0x0], $0xffff;
	[tilespmem:v48+s17+$0x0] =	vst.idx.msk vm1, v50  }
0x12f: {  	v47 =	vor.u32 $0x1, v30;
	v49 =	vmul.f32 v49, v27;
	v27 =	vmovc v33;
	v33 =	vmul.f32 v52, v62;
	v48 =	vld.idx.msk [tilespmem:v51+s15+$0x0], $0xffff  }
0x130: {  	v35 =	vshll.u32 v35, $0x7;
	v51 =	vmul.f32 v56, v28;
	v28 =	vmovc v34;
	v34 =	vmul.f32 v55, v46;
	v50 =	vld.idx.msk [tilespmem:v60+s15+$0x0], $0xffff  }
0x131: {  	v37 =	vor.u32 $0xA, v25;
	v52 =	vmul.f32 v53, v33;
	v56 =	vadd.f32 v49, v26;
	v53 =	vpop (erf)  }
0x132: {  	v49 =	vmul.f32 v57, v34;
	v57 =	vadd.f32 v51, v29;
	v53 =	vmul.f32 v53, v62;
	v54 =	vpop (erf)  }
0x133: {  	v55 =	vor.u32 $0x4, v35;
	v26 =	vmovc v31;
	v51 =	vmul.f32 $7.680000000e+02, v56;
	v31 =	vmovc v61;
	v46 =	vmul.f32 v54, v46  }
0x134: {  	v29 =	vmovc v32;
	v32 =	vmovc v45;
	v54 =	vld.idx.msk [tilespmem:v47+s15+$0x0], $0xffff;
	v47 =	vadd.f32 v52, v31;
	v52 =	vmul.f32 $5.000000000e-01, v53;
	v53 =	vmul.f32 $7.680000000e+02, v57  }
0x135: {  	v45 =	vadd.f32 v49, v32;
	v48 =	vmul.f32 v48, v27;
	v46 =	vmul.f32 $5.000000000e-01, v46;
	[tilespmem:v43+s17+$0x0] =	vst.idx.msk vm3, v51  }
0x136: {  	v43 =	vor.u32 $0x14, v35;
	v50 =	vmul.f32 v50, v28;
	v49 =	vsub.f32 v47, v52;
	[tilespmem:v44+s17+$0x0] =	vst.idx.msk vm3, v53  }
0x137: {  	v53 =	vor.u32 $0x5, v35;
	v48 =	vadd.f32 v48, v26;
	v56 =	vsub.f32 v45, v46  }
.Ltmp3:
0x138: {  	v47 =	vadd.f32 v52, v47;
	v44 =	vor.u32 $0xB, v25;
	v50 =	vadd.f32 v50, v29;
	(pc) =	sbr.rel @p1 .LBB2_5-.Ltmp3, $4  }
0x139: {  	v52 =	vadd.f32 v46, v45;
	v51 =	vmul.f32 $7.680000000e+02, v49;
	v48 =	vmul.f32 $7.680000000e+02, v48  }
0x13a: {  	v49 =	vmul.f32 $7.680000000e+02, v56;
	v56 =	vmul.f32 $7.680000000e+02, v50;
	v45 =	vld.idx.msk [tilespmem:v55+s15+$0x0], $0xffff;
	v55 =	vor.u32 $0x15, v35  }
0x13b: {  	vm3 =	vlt.f32 v54, $9.999999770e-03;
	v50 =	vmul.f32 $7.680000000e+02, v47;
	v47 =	vmul.f32 $7.680000000e+02, v52;
	v46 =	vld.idx.msk [tilespmem:v43+s15+$0x0], $0xffff;
	[tilespmem:v42+s17+$0x0] =	vst.idx.msk vm1, v48  }
0x13c: {  	s8 =	sadd.s32 $0x10, s8;
	v52 =	vadd.s32 s2, v5;
	v54 =	vsel vm3, $0xBF800000, v54;
	v48 =	vadd.s32 s2, v6;
	v53 =	vld.idx.msk [tilespmem:v53+s15+$0x0], $0xffff;
	[tilespmem:v58+s17+$0x0] =	vst.idx.msk vm1, v56  }
0x13d: {  	_ =	sdelay $0x3  }
0x13e: {  	v42 =	vld.idx.msk [tilespmem:v55+s15+$0x0], $0xffff;
	_ =	sdelay $0x3  }
0x13f: {  	v43 =	vmul.f32 v46, v45  }
0x140: {  	v62 =	vor.u32 $0x10, v35;
	v42 =	vmul.f32 v42, v53  }
0x141: {  	v63 =	vor.u32 $0x13, v35;
	v43 =	vmax.f32 v43, $-1.000000000e+01  }
0x142: {  	v46 =	vor.u32 $0x11, v35;
	v43 =	vmin.f32 v43, $1.000000000e+01;
	v42 =	vmax.f32 v42, $-1.000000000e+01  }
0x143: {  	v53 =	vor.u32 $0x12, v35;
	v43 =	vmul.f32 $1.442695020e+00, v43;
	v42 =	vmin.f32 v42, $1.000000000e+01  }
0x144: {  	v56 =	vor.u32 $0x2, v35;
	v42 =	vmul.f32 $1.442695020e+00, v42  }
0x145: {  	v61 =	vor.u32 $0x3, v35;
	v60 =	vld.idx.msk [tilespmem:v62+s15+$0x0], $0xffff;
	(erf) = vpow2.f32 v43  }
0x146: {  	v62 =	vor.u32 $0xE, v35;
	v55 =	vld.idx.msk [tilespmem:v63+s15+$0x0], $0xffff;
	(erf) = vpow2.f32 v42  }
0x147: {  	v57 =	vor.u32 $0xF, v35;
	v46 =	vld.idx.msk [tilespmem:v46+s15+$0x0], $0xffff  }
0x148: {  	v53 =	vld.idx.msk [tilespmem:v53+s15+$0x0], $0xffff  }
0x149: {  	v56 =	vld.idx.msk [tilespmem:v56+s15+$0x0], $0xffff  }
0x14a: {  	v58 =	vld.idx.msk [tilespmem:v61+s15+$0x0], $0xffff  }
0x14b: {  	[tilespmem:v41+s17+$0x0] =	vst.idx.msk vm2, v54;
	v59 =	vadd.f32 $1.000000050e-03, v60;
	v43 =	vld.idx.msk [tilespmem:v62+s15+$0x0], $0xffff  }
0x14c: {  	s0 =	sadd.s32 s0, s26;
	[tilespmem:v40+s17+$0x0] =	vst.idx.msk vm2, v51;
	v42 =	vld.idx.msk [tilespmem:v57+s15+$0x0], $0xffff;
	v57 =	vor.u32 $0x1, v35;
	v60 =	vadd.f32 $1.000000050e-03, v46  }
0x14d: {  	vm4 =	vlt.u32 v36, $0xC8;
	v36 =	vadd.s32 s0, v2;
	[tilespmem:v38+s17+$0x0] =	vst.idx.msk vm2, v49;
	v45 =	vmul.f32 v53, v59  }
0x14e: {  	[tilespmem:v39+s17+$0x0] =	vst.idx.msk vm2, v50;
	v39 =	vadd.s32 s0, v4;
	v53 =	vsub.f32 v50, v51;
	v46 =	vmul.f32 v55, v60;
	v55 =	vpop (erf)  }
0x14f: {  	v61 =	vsub.f32 v47, v49;
	v56 =	vmul.f32 v56, v45;
	v55 =	vmul.f32 v55, v59;
	v63 =	vpop (erf)  }
0x150: {  	v53 =	vmax.f32 v53, $0.0e+00;
	v58 =	vmul.f32 v58, v46;
	v59 =	vmul.f32 v63, v60  }
0x151: {  	v57 =	vld.idx.msk [tilespmem:v57+s15+$0x0], $0xffff;
	v56 =	vadd.f32 v56, v43;
	v60 =	vmax.f32 v61, $0.0e+00;
	v55 =	vmul.f32 $5.000000000e-01, v55  }
0x152: {  	v58 =	vadd.f32 v58, v42;
	v41 =	vmul.f32 v60, v53;
	v59 =	vmul.f32 $5.000000000e-01, v59  }
0x153: {  	v53 =	vadd.s32 s0, v0;
	v40 =	vsub.f32 v56, v55;
	v63 =	vadd.f32 v55, v56  }
0x154: {  	v49 =	vadd.s32 s0, v3;
	v51 =	vsub.f32 v58, v59;
	v60 =	vadd.f32 v59, v58  }
0x155: {  	v62 =	vor.u32 $0x6, v30;
	v40 =	vmul.f32 $7.680000000e+02, v40;
	v38 =	vmul.f32 $7.680000000e+02, v63  }
0x156: {  	[tilespmem:v52+s17+$0x0] =	vst.idx.msk vm2, v47;
	vm3 =	vlt.f32 v57, $9.999999770e-03;
	v50 =	vmul.f32 $7.680000000e+02, v51;
	v47 =	vmul.f32 $7.680000000e+02, v60  }
0x157: {  	v61 =	vor.u32 $0x7, v30;
	[tilespmem:v48+s17+$0x0] =	vst.idx.msk vm2, v41;
	v41 =	vadd.s32 s0, v5;
	v63 =	vsel vm3, $0xBF800000, v57  }
0x158: {  	v57 =	vadd.s32 s0, v6;
	v58 =	vsub.f32 v38, v40;
	[tilespmem:v53+s17+$0x0] =	vst.idx.msk vm4, v63;
	v54 =	vsub.f32 v47, v50  }
0x159: {  	v59 =	vor.u32 $0x6, v35;
	[tilespmem:v36+s17+$0x0] =	vst.idx.msk vm4, v40  }
0x15a: {  	v60 =	vld.idx.msk [tilespmem:v62+s15+$0x0], $0xffff;
	v62 =	vmax.f32 v58, $0.0e+00;
	[tilespmem:v49+s17+$0x0] =	vst.idx.msk vm4, v50;
	v63 =	vmax.f32 v54, $0.0e+00;
	v54 =	vor.u32 $0x7, v35  }
0x15b: {  	[tilespmem:v39+s17+$0x0] =	vst.idx.msk vm4, v38;
	v51 =	vmul.f32 v63, v62  }
0x15c: {  	[tilespmem:v41+s17+$0x0] =	vst.idx.msk vm4, v47  }
0x15d: {  	v55 =	vld.idx.msk [tilespmem:v61+s15+$0x0], $0xffff;
	[tilespmem:v57+s17+$0x0] =	vst.idx.msk vm4, v51  }
0x15e: {  	v36 =	vld.idx.msk [tilespmem:v59+s15+$0x0], $0xffff  }
0x15f: {  	v39 =	vld.idx.msk [tilespmem:v54+s15+$0x0], $0xffff;
	_ =	sdelay $0x1  }
0x160: {  	vm3 =	vmmov vm2;
	v61 =	vor.u32 $0x9, v30;
	v56 =	vmul.f32 v60, v33  }
0x161: {  	v58 =	vadd.s32 s2, v7;
	v60 =	vor.u32 $0x8, v30;
	v57 =	vmul.f32 v55, v34  }
0x162: {  	v38 =	vadd.f32 v56, v31;
	v59 =	vadd.s32 s2, v8;
	v36 =	vmul.f32 v36, v45  }
0x163: {  	v62 =	vadd.s32 s0, v7;
	v40 =	vadd.f32 v57, v32;
	v39 =	vmul.f32 v39, v46  }
0x164: {  	v63 =	vadd.s32 s0, v8;
	v38 =	vmul.f32 $7.680000000e+02, v38;
	v36 =	vadd.f32 v36, v43  }
0x165: {  	v55 =	vor.u32 $0x8, v35;
	v40 =	vmul.f32 $7.680000000e+02, v40;
	v54 =	vadd.f32 v39, v42  }
0x166: {  	v56 =	vor.u32 $0x9, v35;
	[tilespmem:v58+s17+$0x0] =	vst.idx.msk vm3, v38;
	v36 =	vmul.f32 $7.680000000e+02, v36  }
0x167: {  	[tilespmem:v59+s17+$0x0] =	vst.idx.msk vm3, v40;
	v38 =	vmul.f32 $7.680000000e+02, v54  }
0x168: {  	v41 =	vld.idx.msk [tilespmem:v60+s15+$0x0], $0xffff;
	[tilespmem:v62+s17+$0x0] =	vst.idx.msk vm4, v36  }
0x169: {  	v47 =	vld.idx.msk [tilespmem:v61+s15+$0x0], $0xffff;
	[tilespmem:v63+s17+$0x0] =	vst.idx.msk vm4, v38  }
0x16a: {  	v36 =	vld.idx.msk [tilespmem:v55+s15+$0x0], $0xffff  }
0x16b: {  	v38 =	vld.idx.msk [tilespmem:v56+s15+$0x0], $0xffff;
	_ =	sdelay $0x1  }
0x16c: {  	v59 =	vadd.s32 s2, v9;
	v57 =	vmul.f32 v41, v33  }
0x16d: {  	v37 =	vld.idx.msk [tilespmem:v37+s15+$0x0], $0xffff;
	v60 =	vadd.s32 s2, v10;
	v61 =	vor.u32 $0xA, v30;
	v58 =	vmul.f32 v47, v34  }
0x16e: {  	v62 =	vor.u32 $0xB, v30;
	v39 =	vadd.f32 v57, v31;
	v36 =	vmul.f32 v36, v45  }
0x16f: {  	v63 =	vadd.s32 s0, v9;
	v40 =	vadd.f32 v58, v32;
	v38 =	vmul.f32 v38, v46  }
0x170: {  	v44 =	vld.idx.msk [tilespmem:v44+s15+$0x0], $0xffff;
	v56 =	vadd.s32 s0, v10;
	v39 =	vmul.f32 $7.680000000e+02, v39;
	v36 =	vadd.f32 v36, v43  }
0x171: {  	v57 =	vor.u32 $0xA, v35;
	v40 =	vmul.f32 $7.680000000e+02, v40;
	v38 =	vadd.f32 v38, v42  }
0x172: {  	v37 =	vmul.f32 v37, v27;
	v58 =	vor.u32 $0xB, v35;
	[tilespmem:v59+s17+$0x0] =	vst.idx.msk vm3, v39;
	v36 =	vmul.f32 $7.680000000e+02, v36  }
0x173: {  	[tilespmem:v60+s17+$0x0] =	vst.idx.msk vm3, v40;
	v38 =	vmul.f32 $7.680000000e+02, v38  }
0x174: {  	vm1 =	vmmov vm1;
	v37 =	vadd.f32 v37, v26;
	v41 =	vld.idx.msk [tilespmem:v61+s15+$0x0], $0xffff;
	[tilespmem:v63+s17+$0x0] =	vst.idx.msk vm4, v36  }
0x175: {  	v59 =	vmul.f32 v44, v28;
	v60 =	vld.idx.msk [tilespmem:v62+s15+$0x0], $0xffff;
	v61 =	vadd.s32 s31, v11;
	[tilespmem:v56+s17+$0x0] =	vst.idx.msk vm4, v38  }
0x176: {  	v37 =	vmul.f32 $7.680000000e+02, v37;
	vm2 =	vmmov vm4;
	v62 =	vld.idx.msk [tilespmem:v57+s15+$0x0], $0xffff  }
0x177: {  	vm2 =	vmmov vm2;
	v40 =	vadd.f32 v59, v29;
	v63 =	vadd.s32 s31, v12;
	v39 =	vld.idx.msk [tilespmem:v58+s15+$0x0], $0xffff  }
0x178: {  	v54 =	vor.u32 $0xC, v25;
	v25 =	vor.u32 $0xD, v25;
	v55 =	vadd.s32 s2, v11  }
0x179: {  	vm3 =	vmmov vm3;
	v40 =	vmul.f32 $7.680000000e+02, v40;
	v41 =	vmul.f32 v41, v33  }
0x17a: {  	v36 =	vmul.f32 v60, v34;
	[tilespmem:v61+s17+$0x0] =	vst.idx.msk vm1, v37;
	v61 =	vadd.s32 s0, v11;
	v56 =	vadd.s32 s2, v12  }
0x17b: {  	v57 =	vor.u32 $0xC, v30;
	v59 =	vadd.f32 v41, v31;
	v60 =	vmul.f32 v62, v45  }
0x17c: {  	v58 =	vor.u32 $0xD, v30;
	v36 =	vadd.f32 v36, v32;
	[tilespmem:v63+s17+$0x0] =	vst.idx.msk vm1, v40;
	v39 =	vmul.f32 v39, v46  }
0x17d: {  	v37 =	vmul.f32 $7.680000000e+02, v59;
	v63 =	vadd.s32 s0, v12;
	v62 =	vld.idx.msk [tilespmem:v54+s15+$0x0], $0xffff;
	v38 =	vadd.f32 v60, v43  }
0x17e: {  	v48 =	vor.u32 $0xC, v35;
	v36 =	vmul.f32 $7.680000000e+02, v36;
	v39 =	vadd.f32 v39, v42  }
0x17f: {  	v49 =	vor.u32 $0xD, v35;
	[tilespmem:v55+s17+$0x0] =	vst.idx.msk vm3, v37;
	v52 =	vmul.f32 $7.680000000e+02, v38  }
0x180: {  	v25 =	vld.idx.msk [tilespmem:v25+s15+$0x0], $0xffff;
	[tilespmem:v56+s17+$0x0] =	vst.idx.msk vm3, v36;
	v53 =	vmul.f32 $7.680000000e+02, v39  }
0x181: {  	v54 =	vld.idx.msk [tilespmem:v57+s15+$0x0], $0xffff;
	[tilespmem:v61+s17+$0x0] =	vst.idx.msk vm2, v52  }
0x182: {  	v30 =	vld.idx.msk [tilespmem:v58+s15+$0x0], $0xffff;
	v27 =	vmul.f32 v62, v27;
	[tilespmem:v63+s17+$0x0] =	vst.idx.msk vm2, v53  }
0x183: {  	v55 =	vld.idx.msk [tilespmem:v48+s15+$0x0], $0xffff  }
0x184: {  	v26 =	vadd.f32 v27, v26;
	v27 =	vld.idx.msk [tilespmem:v49+s15+$0x0], $0xffff  }
0x185: {  	v59 =	vadd.s32 s2, v13;
	v56 =	vadd.s32 s31, v13;
	v25 =	vmul.f32 v25, v28  }
0x186: {  	v57 =	vadd.s32 s31, v14;
	v60 =	vadd.s32 s2, v14;
	v58 =	vmul.f32 v54, v33  }
0x187: {  	v62 =	vadd.s32 s0, v13;
	v25 =	vadd.f32 v25, v29;
	v30 =	vmul.f32 v30, v34  }
0x188: {  	v61 =	vadd.f32 v58, v31;
	v26 =	vmul.f32 $7.680000000e+02, v26;
	v28 =	vmul.f32 v55, v45  }
0x189: {  	v25 =	vmul.f32 $7.680000000e+02, v25;
	v30 =	vadd.f32 v30, v32;
	v27 =	vmul.f32 v27, v46  }
0x18a: {  	p1 =	seq.s32 s29, $0xB;
	v63 =	vadd.s32 s0, v14;
	[tilespmem:v56+s17+$0x0] =	vst.idx.msk vm1, v26;
	v26 =	vmul.f32 $7.680000000e+02, v61;
	v28 =	vadd.f32 v28, v43  }
.Ltmp4:
0x18b: {  	[tilespmem:v57+s17+$0x0] =	vst.idx.msk vm1, v25;
	v25 =	vmul.f32 $7.680000000e+02, v30;
	v27 =	vadd.f32 v27, v42;
	(pc) =	sbr.rel @p1 .LBB2_8-.Ltmp4, $4  }
0x18c: {  	[tilespmem:v59+s17+$0x0] =	vst.idx.msk vm3, v26;
	v26 =	vmul.f32 $7.680000000e+02, v28  }
0x18d: {  	[tilespmem:v60+s17+$0x0] =	vst.idx.msk vm3, v25;
	v25 =	vmul.f32 $7.680000000e+02, v27  }
0x18e: {  	[tilespmem:v62+s17+$0x0] =	vst.idx.msk vm2, v26  }
0x18f: {  	[tilespmem:v63+s17+$0x0] =	vst.idx.msk vm2, v25  }
0x190: {  	s0 =	sadd.s32 s30, s10  }
.Ltmp5:
0x191: {  	s0 =	sshll.u32 s0, $0x7;
	(pc) =	sbr.rel .LBB2_2-.Ltmp5, $4  }
0x192: {  	s0 =	sadd.s32 s3, s0  }
0x193: {  	s29 =	sadd.s32 $0x1, s29;
	s0 =	sshrl.u32 s0, $0x3  }
0x194: {  	s28 =	sadd.s32 $0x190, s28;
	s26 =	sadd.s32 $0x190, s26;
	s0 =	sadd.s32 s5, s0  }
0x195: {  	[tilespmem:s15], [sflag:$0x2] =	stream.linear.gather [hbm4b:s0+s4], $0x6400, $0x38;
	[tilespmem:$0x1FE80] =	vst v63  }
.LBB2_8:
0x196: {  	s0 =	simm.s32 $0x0  }
0x197: {  	v31 =	vor.u32 s0, v0  }
0x198: {  	vm1 =	vlt.s32 v31, $0xC7  }
0x199: {  	v25 =	vnsel vm1, $0xC7, v31  }
0x19a: {  	v25 =	vshll.u32 v25, $0x7  }
0x19b: {  	v26 =	vor.u32 $0x4, v25  }
0x19c: {  	v27 =	vor.u32 $0x14, v25  }
0x19d: {  	_ =	swait.ge [sflag:s16], $0x6400;
	v28 =	vor.u32 $0x5, v25  }
0x19e: {  	[sflag:s16] =	ssyncset.done $0x0;
	v29 =	vor.u32 $0x15, v25  }
0x19f: {  	[sflag:s16] =	ssyncadd.s32 $0xFFFF9C00  }
0x1a0: {  	v26 =	vld.idx.msk [tilespmem:v26+s4+$0x0], $0xffff  }
0x1a1: {  	v27 =	vld.idx.msk [tilespmem:v27+s4+$0x0], $0xffff  }
0x1a2: {  	v28 =	vld.idx.msk [tilespmem:v28+s4+$0x0], $0xffff  }
0x1a3: {  	v29 =	vld.idx.msk [tilespmem:v29+s4+$0x0], $0xffff;
	_ =	sdelay $0x3  }
0x1a4: {  	v26 =	vmul.f32 v27, v26  }
0x1a5: {  	v27 =	vmul.f32 v29, v28  }
0x1a6: {  	v28 =	vor.u32 $0x10, v25;
	v26 =	vmax.f32 v26, $-1.000000000e+01  }
0x1a7: {  	v29 =	vor.u32 $0x11, v25;
	v27 =	vmax.f32 v27, $-1.000000000e+01;
	v26 =	vmin.f32 v26, $1.000000000e+01  }
0x1a8: {  	v30 =	vor.u32 $0x12, v25;
	v27 =	vmin.f32 v27, $1.000000000e+01;
	v26 =	vmul.f32 $1.442695020e+00, v26  }
0x1a9: {  	v32 =	vor.u32 $0x13, v25;
	v27 =	vmul.f32 $1.442695020e+00, v27  }
0x1aa: {  	v33 =	vor.u32 $0x2, v25;
	(erf) = vpow2.f32 v26  }
0x1ab: {  	v26 =	vld.idx.msk [tilespmem:v28+s4+$0x0], $0xffff;
	v28 =	vor.u32 $0x3, v25;
	(erf) = vpow2.f32 v27  }
0x1ac: {  	v29 =	vld.idx.msk [tilespmem:v29+s4+$0x0], $0xffff;
	v27 =	vor.u32 $0xE, v25  }
0x1ad: {  	v34 =	vor.u32 $0xF, v25;
	v30 =	vld.idx.msk [tilespmem:v30+s4+$0x0], $0xffff  }
0x1ae: {  	v32 =	vld.idx.msk [tilespmem:v32+s4+$0x0], $0xffff  }
0x1af: {  	s31 =	simm.s32 $0x10;
	v33 =	vld.idx.msk [tilespmem:v33+s4+$0x0], $0xffff  }
0x1b0: {  	s26 =	simm.s32 $0x12C0;
	v42 =	vor.u32 s31, v0;
	v35 =	vld.idx.msk [tilespmem:v28+s4+$0x0], $0xffff;
	v36 =	vadd.f32 $1.000000050e-03, v26  }
0x1b1: {  	v38 =	vor.u32 s26, v0;
	v56 =	vor.u32 $0x1, v25;
	v37 =	vadd.f32 $1.000000050e-03, v29;
	v26 =	vld.idx.msk [tilespmem:v27+s4+$0x0], $0xffff  }
0x1b2: {  	v40 =	vadd.s32 s26, v2;
	v41 =	vor.u32 s26, v3;
	v28 =	vld.idx.msk [tilespmem:v34+s4+$0x0], $0xffff;
	v27 =	vmul.f32 v30, v36  }
0x1b3: {  	v63 =	vadd.s32 s26, v4;
	vm1 =	vlt.s32 v42, $0xC7;
	v29 =	vmul.f32 v32, v37;
	v30 =	vpop (erf)  }
0x1b4: {  	v57 =	vnsel vm1, $0xC7, v42;
	v33 =	vmul.f32 v33, v27;
	v36 =	vmul.f32 v30, v36;
	v39 =	vpop (erf)  }
0x1b5: {  	vm1 =	vlt.u32 v31, $0xC8;
	v58 =	vmul.f32 v35, v29;
	v59 =	vmul.f32 v39, v37  }
0x1b6: {  	v34 =	vld.idx.msk [tilespmem:v56+s4+$0x0], $0xffff;
	v30 =	vshll.u32 v57, $0x7;
	v33 =	vadd.f32 v33, v26;
	v36 =	vmul.f32 $5.000000000e-01, v36  }
0x1b7: {  	v60 =	vor.u32 $0x4, v30;
	v32 =	vadd.f32 v58, v28;
	v35 =	vmul.f32 $5.000000000e-01, v59  }
0x1b8: {  	v61 =	vor.u32 $0x14, v30;
	v43 =	vsub.f32 v33, v36;
	v33 =	vadd.f32 v36, v33  }
0x1b9: {  	v31 =	vor.u32 $0x5, v30;
	v44 =	vsub.f32 v32, v35;
	v32 =	vadd.f32 v35, v32  }
0x1ba: {  	v62 =	vor.u32 $0x15, v30;
	v43 =	vmul.f32 $7.680000000e+02, v43;
	v33 =	vmul.f32 $7.680000000e+02, v33  }
0x1bb: {  	vm2 =	vlt.f32 v34, $9.999999770e-03;
	v44 =	vmul.f32 $7.680000000e+02, v44;
	v32 =	vmul.f32 $7.680000000e+02, v32  }
0x1bc: {  	v45 =	vadd.s32 s26, v5;
	v46 =	vor.u32 s26, v6;
	v34 =	vsel vm2, $0xBF800000, v34;
	v37 =	vld.idx.msk [tilespmem:v60+s4+$0x0], $0xffff  }
0x1bd: {  	[tilespmem:v38+s17+$0x0] =	vst.idx.msk vm1, v34;
	v39 =	vld.idx.msk [tilespmem:v61+s4+$0x0], $0xffff;
	v47 =	vsub.f32 v33, v43;
	v48 =	vsub.f32 v32, v44  }
0x1be: {  	v50 =	vor.u32 $0x6, v25;
	v31 =	vld.idx.msk [tilespmem:v31+s4+$0x0], $0xffff;
	[tilespmem:v40+s17+$0x0] =	vst.idx.msk vm1, v43  }
0x1bf: {  	v53 =	vor.u32 $0x7, v25;
	v35 =	vld.idx.msk [tilespmem:v62+s4+$0x0], $0xffff;
	[tilespmem:v41+s17+$0x0] =	vst.idx.msk vm1, v44;
	v51 =	vmax.f32 v47, $0.0e+00;
	v52 =	vmax.f32 v48, $0.0e+00  }
0x1c0: {  	[tilespmem:v63+s17+$0x0] =	vst.idx.msk vm1, v33;
	v38 =	vmul.f32 v52, v51  }
0x1c1: {  	[tilespmem:v45+s17+$0x0] =	vst.idx.msk vm1, v32  }
0x1c2: {  	[tilespmem:v46+s17+$0x0] =	vst.idx.msk vm1, v38  }
0x1c3: {  	v55 =	vor.u32 $0x12, v30;
	v59 =	vor.u32 $0x2, v30;
	v54 =	vmul.f32 v39, v37;
	v34 =	vld.idx.msk [tilespmem:v50+s4+$0x0], $0xffff  }
0x1c4: {  	v56 =	vor.u32 $0x10, v30;
	v57 =	vor.u32 $0x11, v30;
	v31 =	vmul.f32 v35, v31;
	v36 =	vld.idx.msk [tilespmem:v53+s4+$0x0], $0xffff  }
0x1c5: {  	v58 =	vor.u32 $0x13, v30;
	v43 =	vor.u32 s26, v8;
	v32 =	vmax.f32 v54, $-1.000000000e+01  }
0x1c6: {  	v41 =	vor.u32 $0x3, v30;
	v31 =	vmax.f32 v31, $-1.000000000e+01;
	v32 =	vmin.f32 v32, $1.000000000e+01  }
0x1c7: {  	v44 =	vor.u32 $0xF, v30;
	v31 =	vmin.f32 v31, $1.000000000e+01;
	v32 =	vmul.f32 $1.442695020e+00, v32  }
0x1c8: {  	v61 =	vld.idx.msk [tilespmem:v59+s4+$0x0], $0xffff;
	vm1 =	vmmov vm1;
	v31 =	vmul.f32 $1.442695020e+00, v31;
	v34 =	vmul.f32 v34, v27  }
0x1c9: {  	v39 =	vadd.s32 s26, v7;
	(erf) = vpow2.f32 v32;
	v32 =	vld.idx.msk [tilespmem:v56+s4+$0x0], $0xffff;
	v36 =	vmul.f32 v36, v29  }
0x1ca: {  	v35 =	vor.u32 $0xE, v30;
	v37 =	vld.idx.msk [tilespmem:v57+s4+$0x0], $0xffff;
	(erf) = vpow2.f32 v31;
	v31 =	vadd.f32 v34, v26  }
0x1cb: {  	s2 =	simm.s32 $0x12D0;
	v60 =	vor.u32 $0x8, v25;
	v33 =	vld.idx.msk [tilespmem:v55+s4+$0x0], $0xffff;
	v34 =	vadd.f32 v36, v28  }
0x1cc: {  	v40 =	vadd.s32 s2, v2;
	v63 =	vor.u32 $0x9, v25;
	v45 =	vld.idx.msk [tilespmem:v58+s4+$0x0], $0xffff;
	v62 =	vmul.f32 $7.680000000e+02, v31  }
0x1cd: {  	v57 =	vor.u32 $0x1, v30;
	v48 =	vor.u32 s2, v6;
	v49 =	vld.idx.msk [tilespmem:v41+s4+$0x0], $0xffff;
	v34 =	vmul.f32 $7.680000000e+02, v34  }
0x1ce: {  	s0 =	simm.s32 $0x20;
	v52 =	vor.u32 s26, v9;
	v41 =	vor.u32 s2, v0;
	v50 =	vadd.f32 $1.000000050e-03, v32;
	v32 =	vld.idx.msk [tilespmem:v44+s4+$0x0], $0xffff;
	[tilespmem:v39+s17+$0x0] =	vst.idx.msk vm1, v62  }
0x1cf: {  	v38 =	vor.u32 s2, v3;
	v54 =	vadd.f32 $1.000000050e-03, v37;
	v36 =	vor.u32 s0, v0;
	v31 =	vld.idx.msk [tilespmem:v35+s4+$0x0], $0xffff;
	[tilespmem:v43+s17+$0x0] =	vst.idx.msk vm1, v34  }
0x1d0: {  	v37 =	vor.u32 $0xA, v25;
	v56 =	vadd.s32 s26, v10;
	vm2 =	vlt.s32 v36, $0xC7;
	v43 =	vld.idx.msk [tilespmem:v60+s4+$0x0], $0xffff  }
0x1d1: {  	v55 =	vnsel vm2, $0xC7, v36;
	vm2 =	vlt.u32 v42, $0xC8;
	v34 =	vmul.f32 v33, v50;
	v58 =	vld.idx.msk [tilespmem:v63+s4+$0x0], $0xffff  }
0x1d2: {  	v42 =	vld.idx.msk [tilespmem:v57+s4+$0x0], $0xffff;
	v35 =	vshll.u32 v55, $0x7;
	v39 =	vadd.s32 s2, v4;
	v33 =	vmul.f32 v45, v54  }
0x1d3: {  	v59 =	vpop (erf);
	v53 =	vor.u32 $0x14, v35;
	v55 =	vor.u32 $0x15, v35;
	v60 =	vmul.f32 v61, v34  }
0x1d4: {  	v62 =	vpop (erf);
	v63 =	vor.u32 $0x4, v35;
	v61 =	vmul.f32 v59, v50;
	v49 =	vmul.f32 v49, v33  }
0x1d5: {  	v44 =	vmul.f32 v62, v54;
	v54 =	vor.u32 $0x5, v35;
	v43 =	vmul.f32 v43, v27  }
0x1d6: {  	v46 =	vadd.f32 v60, v31;
	v47 =	vmul.f32 $5.000000000e-01, v61;
	v61 =	vmul.f32 v58, v29  }
0x1d7: {  	vm3 =	vlt.f32 v42, $9.999999770e-03;
	v49 =	vadd.f32 v49, v32;
	v43 =	vadd.f32 v43, v26  }
0x1d8: {  	v60 =	vmul.f32 $5.000000000e-01, v44;
	v44 =	vor.u32 $0xB, v25;
	v62 =	vadd.f32 v61, v28  }
0x1d9: {  	v51 =	vsub.f32 v46, v47;
	v47 =	vadd.f32 v47, v46;
	v45 =	vld.idx.msk [tilespmem:v63+s4+$0x0], $0xffff;
	v43 =	vmul.f32 $7.680000000e+02, v43  }
0x1da: {  	v57 =	vsub.f32 v49, v60;
	v58 =	vadd.f32 v60, v49;
	v46 =	vld.idx.msk [tilespmem:v53+s4+$0x0], $0xffff;
	v63 =	vmul.f32 $7.680000000e+02, v62  }
0x1db: {  	v53 =	vld.idx.msk [tilespmem:v54+s4+$0x0], $0xffff;
	v54 =	vsel vm3, $0xBF800000, v42;
	v51 =	vmul.f32 $7.680000000e+02, v51;
	v50 =	vmul.f32 $7.680000000e+02, v47;
	[tilespmem:v52+s17+$0x0] =	vst.idx.msk vm1, v43  }
0x1dc: {  	s8 =	simm.s32 $0x30;
	v49 =	vmul.f32 $7.680000000e+02, v57;
	v47 =	vmul.f32 $7.680000000e+02, v58;
	v52 =	vadd.s32 s2, v5;
	[tilespmem:v56+s17+$0x0] =	vst.idx.msk vm1, v63  }
.LBB2_9:
0x1dd: {  	v42 =	vsub.f32 v50, v51  }
0x1de: {  	p1 =	sne.s32 s8, $0xC0;
	v56 =	vsub.f32 v47, v49;
	[tilespmem:v41+s17+$0x0] =	vst.idx.msk vm2, v54;
	v37 =	vld.idx.msk [tilespmem:v37+s4+$0x0], $0xffff;
	vm3 =	vmmov vm1;
	vm1 =	vmmov vm2  }
0x1df: {  	v54 =	vor.u32 s8, v0;
	v43 =	vadd.s32 s26, v13;
	[tilespmem:v40+s17+$0x0] =	vst.idx.msk vm2, v51;
	v40 =	vor.u32 $0x6, v30;
	v41 =	vld.idx.msk [tilespmem:v44+s4+$0x0], $0xffff  }
0x1e0: {  	v51 =	vld.idx.msk [tilespmem:v55+s4+$0x0], $0xffff;
	v42 =	vmax.f32 v42, $0.0e+00;
	v44 =	vmax.f32 v56, $0.0e+00;
	[tilespmem:v38+s17+$0x0] =	vst.idx.msk vm2, v49;
	v38 =	vor.u32 $0x7, v30  }
0x1e1: {  	v49 =	vmul.f32 v44, v42;
	[tilespmem:v39+s17+$0x0] =	vst.idx.msk vm2, v50;
	v39 =	vor.u32 s26, v11;
	v44 =	vor.u32 s26, v14  }
0x1e2: {  	v42 =	vor.u32 s2, v9;
	v50 =	vadd.s32 s26, v12;
	s26 =	smov.u32 s2;
	[tilespmem:v52+s17+$0x0] =	vst.idx.msk vm2, v47;
	v47 =	vadd.s32 s2, v7  }
0x1e3: {  	v52 =	vor.u32 $0x12, v35;
	[tilespmem:v48+s17+$0x0] =	vst.idx.msk vm2, v49;
	v48 =	vor.u32 s26, v8;
	v49 =	vor.u32 $0xC, v25  }
0x1e4: {  	v55 =	vor.u32 $0x13, v35;
	v56 =	vor.u32 $0xD, v25;
	v37 =	vmul.f32 v37, v27;
	v25 =	vmovc v30;
	v30 =	vmovc v35;
	v40 =	vld.idx.msk [tilespmem:v40+s4+$0x0], $0xffff  }
0x1e5: {  	v45 =	vmul.f32 v46, v45;
	v35 =	vor.u32 $0x10, v30;
	v41 =	vmul.f32 v41, v29;
	v38 =	vld.idx.msk [tilespmem:v38+s4+$0x0], $0xffff  }
0x1e6: {  	v46 =	vor.u32 $0x11, v30;
	v51 =	vmul.f32 v51, v53;
	v37 =	vadd.f32 v37, v26  }
0x1e7: {  	v45 =	vmax.f32 v45, $-1.000000000e+01;
	v53 =	vor.u32 $0x2, v30;
	v41 =	vadd.f32 v41, v28  }
0x1e8: {  	v45 =	vmin.f32 v45, $1.000000000e+01;
	v51 =	vmax.f32 v51, $-1.000000000e+01;
	v37 =	vmul.f32 $7.680000000e+02, v37;
	v52 =	vld.idx.msk [tilespmem:v52+s4+$0x0], $0xffff  }
0x1e9: {  	v45 =	vmul.f32 $1.442695020e+00, v45;
	v51 =	vmin.f32 v51, $1.000000000e+01;
	v41 =	vmul.f32 $7.680000000e+02, v41;
	v55 =	vld.idx.msk [tilespmem:v55+s4+$0x0], $0xffff  }
0x1ea: {  	v57 =	vor.u32 $0x3, v30;
	v51 =	vmul.f32 $1.442695020e+00, v51;
	v40 =	vmul.f32 v40, v34;
	v35 =	vld.idx.msk [tilespmem:v35+s4+$0x0], $0xffff;
	[tilespmem:v39+s17+$0x0] =	vst.idx.msk vm3, v37  }
0x1eb: {  	v37 =	vor.u32 $0xE, v30;
	v38 =	vmul.f32 v38, v33;
	v46 =	vld.idx.msk [tilespmem:v46+s4+$0x0], $0xffff;
	(erf) = vpow2.f32 v45;
	[tilespmem:v50+s17+$0x0] =	vst.idx.msk vm3, v41  }
0x1ec: {  	v45 =	vor.u32 $0xF, v30;
	v39 =	vadd.f32 v40, v31;
	(erf) = vpow2.f32 v51;
	v49 =	vld.idx.msk [tilespmem:v49+s4+$0x0], $0xffff  }
0x1ed: {  	s2 =	sadd.s32 $0x12C0, s0;
	v58 =	vadd.s32 s26, v10;
	s0 =	smov.u32 s8;
	v50 =	vadd.f32 v38, v32;
	v51 =	vor.u32 $0x8, v25;
	v56 =	vld.idx.msk [tilespmem:v56+s4+$0x0], $0xffff  }
0x1ee: {  	v60 =	vor.u32 $0x9, v25;
	v41 =	vor.u32 s2, v0;
	v59 =	vmul.f32 $7.680000000e+02, v39;
	v53 =	vld.idx.msk [tilespmem:v53+s4+$0x0], $0xffff  }
0x1ef: {  	v40 =	vadd.s32 s2, v2;
	v38 =	vor.u32 s2, v3;
	v50 =	vmul.f32 $7.680000000e+02, v50;
	v57 =	vld.idx.msk [tilespmem:v57+s4+$0x0], $0xffff  }
0x1f0: {  	vm2 =	vlt.s32 v54, $0xC7;
	v39 =	vadd.s32 s2, v4;
	v62 =	vadd.f32 $1.000000050e-03, v35;
	v61 =	vld.idx.msk [tilespmem:v37+s4+$0x0], $0xffff;
	[tilespmem:v47+s17+$0x0] =	vst.idx.msk vm1, v59  }
0x1f1: {  	v35 =	vnsel vm2, $0xC7, v54;
	vm2 =	vlt.u32 v36, $0xC8;
	v36 =	vmovc v54;
	v46 =	vadd.f32 $1.000000050e-03, v46;
	v45 =	vld.idx.msk [tilespmem:v45+s4+$0x0], $0xffff;
	[tilespmem:v48+s17+$0x0] =	vst.idx.msk vm1, v50  }
0x1f2: {  	v47 =	vor.u32 $0x1, v30;
	v49 =	vmul.f32 v49, v27;
	v27 =	vmovc v34;
	v34 =	vmul.f32 v52, v62;
	v48 =	vld.idx.msk [tilespmem:v51+s4+$0x0], $0xffff  }
0x1f3: {  	v35 =	vshll.u32 v35, $0x7;
	v51 =	vmul.f32 v56, v29;
	v29 =	vmovc v33;
	v33 =	vmul.f32 v55, v46;
	v50 =	vld.idx.msk [tilespmem:v60+s4+$0x0], $0xffff  }
0x1f4: {  	v37 =	vor.u32 $0xA, v25;
	v52 =	vmul.f32 v53, v34;
	v56 =	vadd.f32 v49, v26;
	v53 =	vpop (erf)  }
0x1f5: {  	v49 =	vmul.f32 v57, v33;
	v57 =	vadd.f32 v51, v28;
	v53 =	vmul.f32 v53, v62;
	v54 =	vpop (erf)  }
0x1f6: {  	v55 =	vor.u32 $0x4, v35;
	v26 =	vmovc v31;
	v51 =	vmul.f32 $7.680000000e+02, v56;
	v31 =	vmovc v61;
	v46 =	vmul.f32 v54, v46  }
0x1f7: {  	v28 =	vmovc v32;
	v32 =	vmovc v45;
	v54 =	vld.idx.msk [tilespmem:v47+s4+$0x0], $0xffff;
	v47 =	vadd.f32 v52, v31;
	v52 =	vmul.f32 $5.000000000e-01, v53;
	v53 =	vmul.f32 $7.680000000e+02, v57  }
0x1f8: {  	v45 =	vadd.f32 v49, v32;
	v48 =	vmul.f32 v48, v27;
	v46 =	vmul.f32 $5.000000000e-01, v46;
	[tilespmem:v43+s17+$0x0] =	vst.idx.msk vm3, v51  }
0x1f9: {  	v43 =	vor.u32 $0x14, v35;
	v50 =	vmul.f32 v50, v29;
	v49 =	vsub.f32 v47, v52;
	[tilespmem:v44+s17+$0x0] =	vst.idx.msk vm3, v53  }
0x1fa: {  	v53 =	vor.u32 $0x5, v35;
	v48 =	vadd.f32 v48, v26;
	v56 =	vsub.f32 v45, v46  }
.Ltmp6:
0x1fb: {  	v47 =	vadd.f32 v52, v47;
	v44 =	vor.u32 $0xB, v25;
	v50 =	vadd.f32 v50, v28;
	(pc) =	sbr.rel @p1 .LBB2_9-.Ltmp6, $4  }
0x1fc: {  	v52 =	vadd.f32 v46, v45;
	v51 =	vmul.f32 $7.680000000e+02, v49;
	v48 =	vmul.f32 $7.680000000e+02, v48  }
0x1fd: {  	v49 =	vmul.f32 $7.680000000e+02, v56;
	v56 =	vmul.f32 $7.680000000e+02, v50;
	v45 =	vld.idx.msk [tilespmem:v55+s4+$0x0], $0xffff;
	v55 =	vor.u32 $0x15, v35  }
0x1fe: {  	vm3 =	vlt.f32 v54, $9.999999770e-03;
	v50 =	vmul.f32 $7.680000000e+02, v47;
	v47 =	vmul.f32 $7.680000000e+02, v52;
	v46 =	vld.idx.msk [tilespmem:v43+s4+$0x0], $0xffff;
	[tilespmem:v42+s17+$0x0] =	vst.idx.msk vm1, v48  }
0x1ff: {  	s8 =	sadd.s32 $0x10, s8;
	v52 =	vadd.s32 s2, v5;
	v54 =	vsel vm3, $0xBF800000, v54;
	v48 =	vor.u32 s2, v6;
	v53 =	vld.idx.msk [tilespmem:v53+s4+$0x0], $0xffff;
	[tilespmem:v58+s17+$0x0] =	vst.idx.msk vm1, v56  }
0x200: {  	_ =	sdelay $0x3  }
0x201: {  	v42 =	vld.idx.msk [tilespmem:v55+s4+$0x0], $0xffff;
	_ =	sdelay $0x3  }
0x202: {  	v43 =	vmul.f32 v46, v45  }
0x203: {  	v62 =	vor.u32 $0x10, v35;
	v42 =	vmul.f32 v42, v53  }
0x204: {  	v63 =	vor.u32 $0x13, v35;
	v43 =	vmax.f32 v43, $-1.000000000e+01  }
0x205: {  	v46 =	vor.u32 $0x11, v35;
	v43 =	vmin.f32 v43, $1.000000000e+01;
	v42 =	vmax.f32 v42, $-1.000000000e+01  }
0x206: {  	v53 =	vor.u32 $0x12, v35;
	v43 =	vmul.f32 $1.442695020e+00, v43;
	v42 =	vmin.f32 v42, $1.000000000e+01  }
0x207: {  	v56 =	vor.u32 $0x2, v35;
	v42 =	vmul.f32 $1.442695020e+00, v42  }
0x208: {  	v61 =	vor.u32 $0x3, v35;
	v60 =	vld.idx.msk [tilespmem:v62+s4+$0x0], $0xffff;
	(erf) = vpow2.f32 v43  }
0x209: {  	v62 =	vor.u32 $0xE, v35;
	v55 =	vld.idx.msk [tilespmem:v63+s4+$0x0], $0xffff;
	(erf) = vpow2.f32 v42  }
0x20a: {  	v57 =	vor.u32 $0xF, v35;
	v46 =	vld.idx.msk [tilespmem:v46+s4+$0x0], $0xffff  }
0x20b: {  	v53 =	vld.idx.msk [tilespmem:v53+s4+$0x0], $0xffff  }
0x20c: {  	v56 =	vld.idx.msk [tilespmem:v56+s4+$0x0], $0xffff  }
0x20d: {  	v58 =	vld.idx.msk [tilespmem:v61+s4+$0x0], $0xffff  }
0x20e: {  	[tilespmem:v41+s17+$0x0] =	vst.idx.msk vm2, v54;
	v59 =	vadd.f32 $1.000000050e-03, v60;
	v43 =	vld.idx.msk [tilespmem:v62+s4+$0x0], $0xffff  }
0x20f: {  	s0 =	sadd.s32 $0x12C0, s0;
	[tilespmem:v40+s17+$0x0] =	vst.idx.msk vm2, v51;
	v42 =	vld.idx.msk [tilespmem:v57+s4+$0x0], $0xffff;
	v57 =	vor.u32 $0x1, v35;
	v60 =	vadd.f32 $1.000000050e-03, v46  }
0x210: {  	vm4 =	vlt.u32 v36, $0xC8;
	v36 =	vadd.s32 s0, v2;
	[tilespmem:v38+s17+$0x0] =	vst.idx.msk vm2, v49;
	v45 =	vmul.f32 v53, v59  }
0x211: {  	[tilespmem:v39+s17+$0x0] =	vst.idx.msk vm2, v50;
	v39 =	vadd.s32 s0, v4;
	v53 =	vsub.f32 v50, v51;
	v46 =	vmul.f32 v55, v60;
	v55 =	vpop (erf)  }
0x212: {  	v61 =	vsub.f32 v47, v49;
	v56 =	vmul.f32 v56, v45;
	v55 =	vmul.f32 v55, v59;
	v63 =	vpop (erf)  }
0x213: {  	v53 =	vmax.f32 v53, $0.0e+00;
	v58 =	vmul.f32 v58, v46;
	v59 =	vmul.f32 v63, v60  }
0x214: {  	v57 =	vld.idx.msk [tilespmem:v57+s4+$0x0], $0xffff;
	v56 =	vadd.f32 v56, v43;
	v60 =	vmax.f32 v61, $0.0e+00;
	v55 =	vmul.f32 $5.000000000e-01, v55  }
0x215: {  	v58 =	vadd.f32 v58, v42;
	v41 =	vmul.f32 v60, v53;
	v59 =	vmul.f32 $5.000000000e-01, v59  }
0x216: {  	v53 =	vor.u32 s0, v0;
	v40 =	vsub.f32 v56, v55;
	v63 =	vadd.f32 v55, v56  }
0x217: {  	v49 =	vor.u32 s0, v3;
	v51 =	vsub.f32 v58, v59;
	v60 =	vadd.f32 v59, v58  }
0x218: {  	v62 =	vor.u32 $0x6, v30;
	v40 =	vmul.f32 $7.680000000e+02, v40;
	v38 =	vmul.f32 $7.680000000e+02, v63  }
0x219: {  	[tilespmem:v52+s17+$0x0] =	vst.idx.msk vm2, v47;
	vm3 =	vlt.f32 v57, $9.999999770e-03;
	v50 =	vmul.f32 $7.680000000e+02, v51;
	v47 =	vmul.f32 $7.680000000e+02, v60  }
0x21a: {  	v61 =	vor.u32 $0x7, v30;
	[tilespmem:v48+s17+$0x0] =	vst.idx.msk vm2, v41;
	v48 =	vadd.s32 s0, v5;
	v63 =	vsel vm3, $0xBF800000, v57  }
0x21b: {  	v57 =	vor.u32 s0, v6;
	v58 =	vsub.f32 v38, v40;
	[tilespmem:v53+s17+$0x0] =	vst.idx.msk vm4, v63;
	v54 =	vsub.f32 v47, v50  }
0x21c: {  	v60 =	vor.u32 $0x6, v35;
	[tilespmem:v36+s17+$0x0] =	vst.idx.msk vm4, v40  }
0x21d: {  	v59 =	vld.idx.msk [tilespmem:v62+s4+$0x0], $0xffff;
	v62 =	vmax.f32 v58, $0.0e+00;
	[tilespmem:v49+s17+$0x0] =	vst.idx.msk vm4, v50;
	v63 =	vmax.f32 v54, $0.0e+00;
	v54 =	vor.u32 $0x7, v35  }
0x21e: {  	[tilespmem:v39+s17+$0x0] =	vst.idx.msk vm4, v38;
	v40 =	vmul.f32 v63, v62  }
0x21f: {  	[tilespmem:v48+s17+$0x0] =	vst.idx.msk vm4, v47  }
0x220: {  	v55 =	vld.idx.msk [tilespmem:v61+s4+$0x0], $0xffff;
	[tilespmem:v57+s17+$0x0] =	vst.idx.msk vm4, v40  }
0x221: {  	v36 =	vld.idx.msk [tilespmem:v60+s4+$0x0], $0xffff  }
0x222: {  	v39 =	vld.idx.msk [tilespmem:v54+s4+$0x0], $0xffff;
	_ =	sdelay $0x1  }
0x223: {  	vm3 =	vmmov vm2;
	v61 =	vor.u32 $0x9, v30;
	v56 =	vmul.f32 v59, v34  }
0x224: {  	v59 =	vor.u32 s2, v8;
	v58 =	vmul.f32 v55, v33;
	v57 =	vadd.s32 s2, v7  }
0x225: {  	v38 =	vadd.f32 v56, v31;
	v62 =	vadd.s32 s0, v7;
	v36 =	vmul.f32 v36, v45  }
0x226: {  	v41 =	vadd.f32 v58, v32;
	v60 =	vor.u32 $0x8, v30;
	v39 =	vmul.f32 v39, v46  }
0x227: {  	v63 =	vor.u32 s0, v8;
	v38 =	vmul.f32 $7.680000000e+02, v38;
	v36 =	vadd.f32 v36, v43  }
0x228: {  	v52 =	vor.u32 $0x8, v35;
	v41 =	vmul.f32 $7.680000000e+02, v41;
	v39 =	vadd.f32 v39, v42  }
0x229: {  	v53 =	vor.u32 $0x9, v35;
	[tilespmem:v57+s17+$0x0] =	vst.idx.msk vm3, v38;
	v36 =	vmul.f32 $7.680000000e+02, v36  }
0x22a: {  	[tilespmem:v59+s17+$0x0] =	vst.idx.msk vm3, v41;
	v39 =	vmul.f32 $7.680000000e+02, v39  }
0x22b: {  	v41 =	vld.idx.msk [tilespmem:v60+s4+$0x0], $0xffff;
	[tilespmem:v62+s17+$0x0] =	vst.idx.msk vm4, v36  }
0x22c: {  	v54 =	vld.idx.msk [tilespmem:v61+s4+$0x0], $0xffff;
	[tilespmem:v63+s17+$0x0] =	vst.idx.msk vm4, v39  }
0x22d: {  	v36 =	vld.idx.msk [tilespmem:v52+s4+$0x0], $0xffff  }
0x22e: {  	v39 =	vld.idx.msk [tilespmem:v53+s4+$0x0], $0xffff;
	_ =	sdelay $0x1  }
0x22f: {  	vm2 =	vmmov vm4;
	v56 =	vor.u32 s2, v9;
	v55 =	vmul.f32 v41, v34  }
0x230: {  	v58 =	vadd.s32 s2, v10;
	v59 =	vor.u32 $0xA, v30;
	v57 =	vmul.f32 v54, v33  }
0x231: {  	v37 =	vld.idx.msk [tilespmem:v37+s4+$0x0], $0xffff;
	v60 =	vor.u32 $0xB, v30;
	v38 =	vadd.f32 v55, v31;
	v36 =	vmul.f32 v36, v45  }
0x232: {  	v44 =	vld.idx.msk [tilespmem:v44+s4+$0x0], $0xffff;
	v61 =	vor.u32 s0, v9;
	v41 =	vadd.f32 v57, v32;
	v39 =	vmul.f32 v39, v46  }
0x233: {  	v62 =	vadd.s32 s0, v10;
	v38 =	vmul.f32 $7.680000000e+02, v38;
	v36 =	vadd.f32 v36, v43  }
0x234: {  	v63 =	vor.u32 $0xA, v35;
	v41 =	vmul.f32 $7.680000000e+02, v41;
	v39 =	vadd.f32 v39, v42  }
0x235: {  	v52 =	vor.u32 $0xB, v35;
	[tilespmem:v56+s17+$0x0] =	vst.idx.msk vm3, v38;
	v36 =	vmul.f32 $7.680000000e+02, v36  }
0x236: {  	v37 =	vmul.f32 v37, v27;
	[tilespmem:v58+s17+$0x0] =	vst.idx.msk vm3, v41;
	v39 =	vmul.f32 $7.680000000e+02, v39  }
0x237: {  	vm1 =	vmmov vm1;
	v44 =	vmul.f32 v44, v29;
	v41 =	vld.idx.msk [tilespmem:v59+s4+$0x0], $0xffff;
	[tilespmem:v61+s17+$0x0] =	vst.idx.msk vm4, v36  }
0x238: {  	v37 =	vadd.f32 v37, v26;
	v54 =	vor.u32 s26, v11;
	v53 =	vld.idx.msk [tilespmem:v60+s4+$0x0], $0xffff;
	[tilespmem:v62+s17+$0x0] =	vst.idx.msk vm2, v39  }
0x239: {  	v55 =	vadd.s32 s26, v12;
	v57 =	vadd.f32 v44, v28;
	v39 =	vld.idx.msk [tilespmem:v63+s4+$0x0], $0xffff  }
0x23a: {  	v37 =	vmul.f32 $7.680000000e+02, v37;
	v56 =	vor.u32 $0xC, v25;
	v58 =	vld.idx.msk [tilespmem:v52+s4+$0x0], $0xffff  }
0x23b: {  	v49 =	vor.u32 s0, v11;
	v40 =	vmul.f32 $7.680000000e+02, v57;
	v25 =	vor.u32 $0xD, v25  }
0x23c: {  	vm3 =	vmmov vm3;
	v59 =	vor.u32 s2, v11;
	v41 =	vmul.f32 v41, v34  }
0x23d: {  	[tilespmem:v54+s17+$0x0] =	vst.idx.msk vm1, v37;
	v60 =	vadd.s32 s2, v12;
	v48 =	vmul.f32 v53, v33;
	v61 =	vor.u32 $0xC, v30  }
0x23e: {  	[tilespmem:v55+s17+$0x0] =	vst.idx.msk vm1, v40;
	vm2 =	vmmov vm2;
	v41 =	vadd.f32 v41, v31;
	v63 =	vmul.f32 v39, v45  }
0x23f: {  	v38 =	vld.idx.msk [tilespmem:v56+s4+$0x0], $0xffff;
	v30 =	vor.u32 $0xD, v30;
	v48 =	vadd.f32 v48, v32;
	v52 =	vmul.f32 v58, v46  }
0x240: {  	v25 =	vld.idx.msk [tilespmem:v25+s4+$0x0], $0xffff;
	v53 =	vadd.s32 s0, v12;
	v62 =	vmul.f32 $7.680000000e+02, v41;
	v37 =	vadd.f32 v63, v43  }
0x241: {  	v54 =	vor.u32 $0xC, v35;
	v48 =	vmul.f32 $7.680000000e+02, v48;
	v41 =	vadd.f32 v52, v42  }
0x242: {  	v56 =	vor.u32 $0xD, v35;
	[tilespmem:v59+s17+$0x0] =	vst.idx.msk vm3, v62;
	v37 =	vmul.f32 $7.680000000e+02, v37  }
0x243: {  	[tilespmem:v60+s17+$0x0] =	vst.idx.msk vm3, v48;
	v41 =	vmul.f32 $7.680000000e+02, v41  }
0x244: {  	v27 =	vmul.f32 v38, v27;
	v55 =	vld.idx.msk [tilespmem:v61+s4+$0x0], $0xffff;
	[tilespmem:v49+s17+$0x0] =	vst.idx.msk vm2, v37  }
0x245: {  	v25 =	vmul.f32 v25, v29;
	v30 =	vld.idx.msk [tilespmem:v30+s4+$0x0], $0xffff;
	[tilespmem:v53+s17+$0x0] =	vst.idx.msk vm2, v41  }
0x246: {  	v26 =	vadd.f32 v27, v26;
	v29 =	vld.idx.msk [tilespmem:v54+s4+$0x0], $0xffff  }
0x247: {  	v25 =	vadd.f32 v25, v28;
	v57 =	vld.idx.msk [tilespmem:v56+s4+$0x0], $0xffff  }
0x248: {  	s8 =	simm.s32 $0x1380;
	v59 =	vor.u32 s26, v14;
	v58 =	vadd.s32 s26, v13;
	v26 =	vmul.f32 $7.680000000e+02, v26  }
0x249: {  	v62 =	vor.u32 s8, v0;
	v25 =	vmul.f32 $7.680000000e+02, v25;
	v27 =	vmul.f32 v55, v34  }
0x24a: {  	v60 =	vadd.s32 s0, v13;
	v28 =	vmul.f32 v30, v33;
	v30 =	vadd.s32 s2, v13  }
0x24b: {  	v27 =	vadd.f32 v27, v31;
	v31 =	vor.u32 s2, v14;
	v29 =	vmul.f32 v29, v45  }
0x24c: {  	vm4 =	vgt.u32 v62, $0x1387;
	v28 =	vadd.f32 v28, v32;
	v61 =	vmul.f32 v57, v46  }
0x24d: {  	[tilespmem:v58+s17+$0x0] =	vst.idx.msk vm1, v26;
	v26 =	vor.u32 s0, v14;
	v27 =	vmul.f32 $7.680000000e+02, v27;
	v29 =	vadd.f32 v29, v43  }
0x24e: {  	[tilespmem:v59+s17+$0x0] =	vst.idx.msk vm1, v25;
	v25 =	vmul.f32 $7.680000000e+02, v28;
	v28 =	vadd.f32 v61, v42  }
0x24f: {  	[tilespmem:v30+s17+$0x0] =	vst.idx.msk vm3, v27;
	v27 =	vmul.f32 $7.680000000e+02, v29;
	v29 =	vadd.s32 s8, v2  }
0x250: {  	vm1 =	vmmov vm4;
	[tilespmem:v31+s17+$0x0] =	vst.idx.msk vm3, v25;
	v25 =	vmul.f32 $7.680000000e+02, v28;
	v28 =	vor.u32 s8, v3  }
0x251: {  	v31 =	vadd.s32 s8, v4;
	[tilespmem:v60+s17+$0x0] =	vst.idx.msk vm2, v27  }
0x252: {  	v63 =	vadd.s32 s8, v5;
	s0 =	simm.s32 $0x1390;
	s2 =	simm.s32 $0xC800;
	[tilespmem:v26+s17+$0x0] =	vst.idx.msk vm2, v25  }
0x253: {  	v26 =	vor.u32 s0, v0;
	[tilespmem:v62+s2+$0x0] =	vst.idx.msk vm4, v15  }
0x254: {  	v30 =	vor.u32 s8, v6;
	vm2 =	vgt.u32 v26, $0x1387;
	[tilespmem:v29+s2+$0x0] =	vst.idx.msk vm4, v16  }
0x255: {  	v27 =	vadd.s32 s0, v2;
	vm3 =	vmmov vm2;
	[tilespmem:v28+s2+$0x0] =	vst.idx.msk vm4, v16  }
0x256: {  	v25 =	vadd.s32 s0, v5;
	vm5 =	vmmov vm2;
	vm4 =	vmmov vm2;
	[tilespmem:v31+s2+$0x0] =	vst.idx.msk vm1, v16  }
0x257: {  	s26 =	simm.s32 $0xC800;
	s8 =	simm.s32 $0x13A0;
	v29 =	vadd.s32 s0, v4;
	vm6 =	vmmov vm2;
	v28 =	vor.u32 s0, v3;
	[tilespmem:v63+s2+$0x0] =	vst.idx.msk vm1, v16  }
.LBB2_11:
0x258: {  	p1 =	sne.s32 s8, $0x13F0  }
0x259: {  	v31 =	vor.u32 s8, v0;
	v32 =	vadd.s32 s8, v5;
	[tilespmem:v30+s26+$0x0] =	vst.idx.msk vm1, v16;
	vm1 =	vmmov vm2;
	s26 =	smov.u32 s2;
	s28 =	smov.u32 s8;
	s8 =	sadd.s32 $0x10, s8  }
.Ltmp7:
0x25a: {  	v30 =	vor.u32 s0, v6;
	[tilespmem:v26+s26+$0x0] =	vst.idx.msk vm2, v15;
	vm2 =	vgt.u32 v31, $0x1387;
	v26 =	vmov v31;
	s0 =	smov.u32 s28;
	(pc) =	sbr.rel @p1 .LBB2_11-.Ltmp7, $4  }
0x25b: {  	[tilespmem:v27+s26+$0x0] =	vst.idx.msk vm3, v16;
	vm3 =	vmmov vm2  }
0x25c: {  	v27 =	vadd.s32 s0, v2;
	[tilespmem:v28+s26+$0x0] =	vst.idx.msk vm4, v16;
	vm4 =	vmmov vm2  }
0x25d: {  	v28 =	vor.u32 s0, v3;
	[tilespmem:v29+s26+$0x0] =	vst.idx.msk vm5, v16;
	vm5 =	vmmov vm2  }
0x25e: {  	v29 =	vadd.s32 s0, v4;
	[tilespmem:v25+s26+$0x0] =	vst.idx.msk vm6, v16;
	v25 =	vmov v32;
	vm6 =	vmmov vm2  }
0x25f: {  	_ =	sdelay $0x4  }
0x260: {  	[tilespmem:v30+s26+$0x0] =	vst.idx.msk vm1, v16  }
0x261: {  	[tilespmem:v26+s2+$0x0] =	vst.idx.msk vm2, v15;
	v26 =	vor.u32 s0, v6  }
0x262: {  	[tilespmem:v27+s2+$0x0] =	vst.idx.msk vm3, v16  }
0x263: {  	[tilespmem:v28+s2+$0x0] =	vst.idx.msk vm4, v16  }
0x264: {  	[tilespmem:v29+s2+$0x0] =	vst.idx.msk vm5, v16  }
0x265: {  	[tilespmem:v25+s2+$0x0] =	vst.idx.msk vm6, v16  }
0x266: {  	[tilespmem:v26+s2+$0x0] =	vst.idx.msk vm2, v16  }
0x267: {  	vm1 =	vmmov vm2;
	s8 =	simm.s32 $0x1;
	s26 =	simm.s32 $0x0;
	s0 =	simm.s32 $0x0;
	v25 =	vld [tilespmem:s2+$0x0]  }
.LBB2_13:
0x268: {  	p1 =	sne.s32 s8, $0x13F;
	_ =	sdelay $0x3  }
0x269: {  	(xrf0) =	vmax.scan.msk.f32 $0xffff, v25;
	_ =	sdelay $0x5  }
0x26a: {  	v25 =	vmov s26;
	s26 =	smov.u32 s8;
	v26, _, _ =	vpop (xrf0)  }
0x26b: {  	v26 =	vadd.f32 $0.0e+00, v26  }
.Ltmp8:
0x26c: {  	(pc) =	sbr.rel @p1 .LBB2_13-.Ltmp8, $3  }
0x26d: {  	v26 =	vbroadcast v26, $0xF;
	_ =	sdelay $0x1  }
0x26e: {  	s2 =	sadd.s32 $0x10, s2;
	[tilespmem:v25+s19+$0x0] =	vst.idx.msk $0x1, v26  }
0x26f: {  	s8 =	sadd.s32 $0x1, s8;
	v25 =	vld [tilespmem:s2+$0x0]  }
0x270: {  	_ =	sdelay $0x3  }
0x271: {  	(xrf0) =	vmax.scan.msk.f32 $0xffff, v25;
	_ =	sdelay $0x5  }
0x272: {  	v27 =	vmov s26;
	v25, _, _ =	vpop (xrf0)  }
.Ltmp9:
0x273: {  	v25 =	vadd.f32 $0.0e+00, v25;
	(pc) =	sbr.rel .LBB2_15-.Ltmp9, $4  }
0x274: {  	_ = 	snop  }
0x275: {  	v28 =	vbroadcast v25, $0xF  }
0x276: {  	v26 =	vimm.f32 $0.0e+00;
	v29 =	vimm.f32 $0.0e+00  }
0x277: {  	v25 =	vimm.f32 $0.0e+00;
	[tilespmem:v27+s19+$0x0] =	vst.idx.msk $0x1, v28;
	v27 =	vimm.f32 $0.0e+00;
	v28 =	vimm.f32 $0.0e+00  }
.LBB2_19:
0x278: {  	v31 =	vadd.s32 v17, v32;
	_ =	sdelay $0x4  }
0x279: {  	v31 =	vld.idx.msk [tilespmem:v31+s17+$0x0], $0xffff;
	_ =	sdelay $0x1  }
0x27a: {  	s2 =	sadd.s32 s1, s8  }
0x27b: {  	s2 =	scvt.s32.f32 s2  }
0x27c: {  	vm1 =	veq.s32 v0, $0xD  }
0x27d: {  	v31 =	vsel vm1, s2, v31  }
0x27e: {  	v31 =	vnsel vm0, $0x0, v31  }
0x27f: {  	[tilespmem:$0x1E280] =	vst v31  }
0x280: {  	[spmem:s11] =	stream.linear.scatter [tilespmem:s20], [sflag:$0x3], $0x400, $0x38;
	[tilespmem:$0x1FE80] =	vst v63  }
0x281: {  	_ =	swait.ge [sflag:s21], $0x400  }
0x282: {  	[sflag:s21] =	ssyncset.done $0x0  }
0x283: {  	[sflag:s21] =	ssyncadd.s32 $0xFFFFFC00  }
0x284: {  	[bflag:$0x0] =	sbarrier.arrive $0xFFFF  }
0x285: {  	[tilespmem:s22], [sflag:$0x3] =	stream.linear.gather [spmem:s12], $0x1000, $0x38;
	[tilespmem:$0x1FE80] =	vst v63  }
0x286: {  	_ =	swait.ge [sflag:s21], $0x1000  }
0x287: {  	[sflag:s21] =	ssyncset.done $0x0  }
0x288: {  	[sflag:s21] =	ssyncadd.s32 $0xFFFFF000  }
0x289: {  	v31 =	vld [tilespmem:$0x1EA80]  }
0x28a: {  	v59 =	vld [tilespmem:$0x1EE80]  }
0x28b: {  	v33 =	vld [tilespmem:$0x1F280]  }
0x28c: {  	v34 =	vld [tilespmem:$0x1F680];
	_ =	sdelay $0x1  }
0x28d: {  	[tilespmem:$0x1E180] =	vst v31  }
0x28e: {  	[tilespmem:$0x1E190] =	vst v59  }
0x28f: {  	[tilespmem:$0x1E1A0] =	vst v33  }
0x290: {  	[tilespmem:$0x1E1B0] =	vst v34  }
0x291: {  	v31 =	vld.idx.msk [tilespmem:v18+s23+$0x0], $0xffff;
	_ =	sdelay $0x3  }
0x292: {  	vm1 =	vmmov $0xf  }
0x293: {  	v31 =	vnsel vm1, $0xC0400000, v31  }
0x294: {  	(xrf0) =	vmax.scan.msk.f32 $0xffff, v31;
	_ =	sdelay $0x5  }
0x295: {  	v32 =	vld.idx.msk [tilespmem:v19+s23+$0x0], $0xffff;
	v60, _, _ =	vpop (xrf0)  }
0x296: {  	v33 =	vbroadcast v60, $0xF;
	_ =	sdelay $0x1  }
0x297: {  	vm2 =	veq.f32 v31, v33  }
0x298: {  	vm1 =	vmand vm2, vm1  }
0x299: {  	v31 =	vnsel vm1, $0x4F32D05E, v32  }
0x29a: {  	(xrf0) =	vmin.scan.msk.f32 $0xffff, v31;
	_ =	sdelay $0x5  }
0x29b: {  	v31, _, _ =	vpop (xrf0)  }
0x29c: {  	v31 =	vbroadcast v31, $0xF;
	_ =	sdelay $0x1  }
0x29d: {  	vm2 =	veq.f32 v32, v31  }
0x29e: {  	vm1 =	vmand vm1, vm2  }
0x29f: {  	v30 =	vnsel vm1, $0x80000063, v30  }
0x2a0: {  	(xrf0) =	vmin.scan.msk.u32 $0xffff, v30;
	_ =	sdelay $0x5  }
0x2a1: {  	v30, _, _ =	vpop (xrf0)  }
0x2a2: {  	(v2sf) =	vpush v30, $0xF;
	_ =	sdelay $0xe  }
0x2a3: {  	s31 =	spop (v2sf)  }
0x2a4: {  	s2 =	sshll.u32 s31, $0x4  }
0x2a5: {  	v30 =	vor.u32 s2, v0;
	_ =	sdelay $0x4  }
0x2a6: {  	v30 =	vld.idx.msk [tilespmem:v30+s23+$0x0], $0xffff;
	_ =	sdelay $0x2  }
0x2a7: {  	s2 =	sshll.u32 @!p0 s0, $0xA  }
0x2a8: {  	s2 =	sadd.s32 @!p0 s13, s2  }
0x2a9: {  	s2 =	sshrl.u32 @!p0 s2, $0x3;
	[tilespmem:$0x1E200] =	vst v30  }
0x2aa: {  	s8 =	simm.s32 @!p0 $0x0;
	s26 =	simm.s32 @!p0 $0x1E680;
	s2 =	sadd.s32 @!p0 s6, s2;
	[tilespmem:$0x1E680] =	vst v30  }
0x2ab: {  	[hbm4b:s2+s8] =	stream.linear.scatter @!p0 [tilespmem:s26], [sflag:$0x3], $0x400, $0x38;
	[tilespmem:$0x1FE80] =	vst v63  }
0x2ac: {  	s2 =	simm.s32 @!p0 $0x3  }
0x2ad: {  	_ =	swait.ge @!p0 [sflag:s2], $0x400  }
0x2ae: {  	[sflag:s2] =	ssyncset.done @!p0 $0x0  }
0x2af: {  	[sflag:s2] =	ssyncadd.s32 @!p0 $0xFFFFFC00  }
0x2b0: {  	v30 =	vld.idx.msk [tilespmem:v24+s24+$0x0], $0xffff;
	_ =	sdelay $0x4  }
0x2b1: {  	v30 =	vsub.f32 v30, v1;
	_ =	sdelay $0x1  }
0x2b2: {  	v30 =	vtrunc.f32 v30  }
0x2b3: {  	v30 =	vcvt.f32.s32 v30;
	_ =	sdelay $0x1  }
0x2b4: {  	v30 =	vxor.u32 $0x80000000, v30  }
0x2b5: {  	(xrf0) =	vmax.scan.msk.u32 $0xffff, v30;
	_ =	sdelay $0x5  }
0x2b6: {  	v30, _, _ =	vpop (xrf0)  }
0x2b7: {  	(v2sf) =	vpush v30, $0xF;
	_ =	sdelay $0xe  }
0x2b8: {  	s2 =	spop (v2sf)  }
0x2b9: {  	s8 =	sxor.u32 $0x80000000, s2;
	p2 =	sgt.s32 s2, $0xFFFFFFFF  }
0x2ba: {  	p3 =	sgt.s32 @!p2 s8, $0x1387  }
0x2bb: {  	p1 =	por p3, p2  }
0x2bc: {  	s2 =	sand.u32 @!p1 $0xF, s2  }
0x2bd: {  	p4 =	slt.s32 @!p1 s8, $0x1;
	p5 =	sne.s32 @!p1 s2, $0x0  }
0x2be: {  	p4 =	por @!p1 !p4, !p5  }
0x2bf: {  	p4 =	por @!p1 !p4, !p4  }
0x2c0: {  	p3 =	por @!p2 !p4, p3  }
0x2c1: {  	s2 =	simm.s32 @!p1 $0x1;
	p2 =	por !p3, p2  }
0x2c2: {  	s26 =	sshrl.u32 @!p1 s8, $0x4;
	s2 =	simm.s32 @!p2 $0x0  }
0x2c3: {  	s2 =	ssub.s32 @!p1 s26, s2  }
0x2c4: {  	s26 =	sshll.u32 @!p1 s2, $0x4  }
0x2c5: {  	v30 =	vld @!p1 [tilespmem:s26+$0xC800];
	_ =	sdelay $0x1  }
0x2c6: {  	s26 =	ssub.s32 @!p1 s8, s26  }
0x2c7: {  	v31 =	vld.idx.msk [tilespmem:v20+s24+$0x0], $0xffff;
	v33 =	vlaneseq.u32 @!p1;
	v32 =	vmov @!p1 s26  }
0x2c8: {  	v61 =	vld.idx.msk [tilespmem:v21+s24+$0x0], $0xffff;
	vm1 =	veq.s32 @!p1 v32, v33  }
0x2c9: {  	v62 =	vld.idx.msk [tilespmem:v22+s24+$0x0], $0xffff;
	v30 =	vsel @!p1 vm1, $0xBF800000, v30  }
0x2ca: {  	v63 =	vld.idx.msk [tilespmem:v23+s24+$0x0], $0xffff;
	(xrf0) =	vmax.scan.msk.f32 @!p1 $0xffff, v30;
	_ =	sdelay $0x1  }
0x2cb: {  	v30 =	vmov @!p1 s8  }
0x2cc: {  	v30 =	vand.u32 @!p1 $0x7FFFFFFF, v30  }
0x2cd: {  	v30 =	vbroadcast @!p1 v30, $0x0  }
0x2ce: {  	v39 =	vmov s0;
	s0 =	sadd.s32 $0x1, s0;
	v35 =	vsub.f32 v62, v31;
	v36 =	vsub.f32 v63, v61  }
0x2cf: {  	p2 =	sne.s32 s0, $0xA;
	v37 =	vmov @!p1 s2;
	v38, _, _ =	vpop @!p1 (xrf0)  }
.Ltmp10:
0x2d0: {  	v35 =	vmax.f32 v35, $0.0e+00;
	v36 =	vmax.f32 v36, $0.0e+00;
	v38 =	vadd.f32 @!p1 $0.0e+00, v38;
	(pc) =	sbr.rel @!p2 .LBB2_20-.Ltmp10, $4  }
0x2d1: {  	v35 =	vmul.f32 v36, v35;
	vm1 =	veq.s32 v39, v0  }
0x2d2: {  	s2 =	simm.s32 @!p1 $0xC800;
	v29 =	vsel vm1, v31, v29;
	v31 =	vimm.f32 @!p1 $-1.000000000e+00;
	v36 =	vbroadcast @!p1 v38, $0xF  }
0x2d3: {  	v28 =	vsel vm1, v61, v28;
	v27 =	vsel vm1, v62, v27;
	[tilespmem:v30+s2+$0x0] =	vst.idx.msk @!p1 $0x1, v31;
	s2 =	simm.s32 @!p1 $0x1E000  }
0x2d4: {  	v26 =	vsel vm1, v63, v26;
	v25 =	vsel vm1, v35, v25;
	[tilespmem:v37+s2+$0x0] =	vst.idx.msk @!p1 $0x1, v36  }
.LBB2_15:
0x2d5: {  	s2 =	simm.s32 $0x0;
	v31 =	vimm.f32 $-2.000000000e+00;
	v30 =	vimm.s32 $0x40000000  }
.LBB2_16:
0x2d6: {  	s8 =	sshll.u32 s2, $0x4  }
0x2d7: {  	v32 =	vld [tilespmem:s8+$0x1E000];
	_ =	sdelay $0x1  }
0x2d8: {  	s2 =	sadd.s32 $0x1, s2  }
0x2d9: {  	p1 =	sne.s32 s2, $0x14  }
.Ltmp11:
0x2da: {  	v33 =	vor.u32 s8, v0;
	(pc) =	sbr.rel @p1 .LBB2_16-.Ltmp11, $4  }
0x2db: {  	vm2 =	vlt.s32 v33, v30;
	vm1 =	veq.f32 v32, v31  }
0x2dc: {  	vm3 =	vgt.f32 v32, v31;
	vm1 =	vmand vm2, vm1  }
0x2dd: {  	vm1 =	vmor vm3, vm1  }
0x2de: {  	v31 =	vsel vm1, v32, v31;
	v30 =	vsel vm1, v33, v30  }
0x2df: {  	(xrf0) =	vmax.scan.msk.f32 $0xffff, v31;
	_ =	sdelay $0x5  }
0x2e0: {  	v32, _, _ =	vpop (xrf0)  }
0x2e1: {  	v33 =	vbroadcast v32, $0xF;
	_ =	sdelay $0x1  }
0x2e2: {  	v30 =	vxor.u32 $0x80000000, v30;
	vm1 =	veq.f32 v31, v33  }
0x2e3: {  	v30 =	vnsel vm1, $0xC0000000, v30  }
0x2e4: {  	(xrf0) =	vmin.scan.msk.u32 $0xffff, v30;
	_ =	sdelay $0x5  }
0x2e5: {  	(v2sf) =	vpush v32, $0xF;
	v30, _, _ =	vpop (xrf0)  }
0x2e6: {  	(v2sf) =	vpush v30, $0xF;
	_ =	sdelay $0xd  }
0x2e7: {  	s28 =	spop (v2sf)  }
0x2e8: {  	s2 =	spop (v2sf)  }
0x2e9: {  	s8 =	sshll.u32 s2, $0x4  }
0x2ea: {  	v31 =	vld [tilespmem:s8+$0xC800];
	_ =	sdelay $0x4  }
0x2eb: {  	v30 =	vor.u32 $0x80000000, v0;
	vm1 =	veq.f32 v31, v33  }
0x2ec: {  	v61 =	vnsel vm1, $0x80000063, v30  }
0x2ed: {  	(xrf0) =	vmin.scan.msk.u32 $0xffff, v61;
	_ =	sdelay $0x5  }
0x2ee: {  	v32, _, _ =	vpop (xrf0)  }
0x2ef: {  	(v2sf) =	vpush v32, $0xF;
	_ =	sdelay $0xe  }
0x2f0: {  	s26 =	spop (v2sf)  }
0x2f1: {  	s26 =	sxor.u32 $0x80000000, s26  }
0x2f2: {  	s8 =	sadd.s32 s8, s26  }
0x2f3: {  	v32 =	vmov s8  }
0x2f4: {  	v62 =	vadd.s32 $0x1400, v32  }
0x2f5: {  	v34 =	vadd.s32 $0x2800, v32  }
0x2f6: {  	v35 =	vadd.s32 $0x3C00, v32  }
0x2f7: {  	v36 =	vadd.s32 $0x5000, v32;
	_ =	sdelay $0x1  }
0x2f8: {  	v33 =	vld.idx.msk [tilespmem:v62+s17+$0x0], $0xffff  }
0x2f9: {  	v34 =	vld.idx.msk [tilespmem:v34+s17+$0x0], $0xffff  }
0x2fa: {  	v37 =	vadd.s32 $0x6400, v32;
	v35 =	vld.idx.msk [tilespmem:v35+s17+$0x0], $0xffff  }
0x2fb: {  	v36 =	vld.idx.msk [tilespmem:v36+s17+$0x0], $0xffff;
	_ =	sdelay $0x3  }
0x2fc: {  	v37 =	vld.idx.msk [tilespmem:v37+s17+$0x0], $0xffff;
	v35 =	vmin.f32 v27, v35  }
0x2fd: {  	v33 =	vmax.f32 v29, v33;
	v36 =	vmin.f32 v26, v36;
	v34 =	vmax.f32 v28, v34  }
0x2fe: {  	v33 =	vsub.f32 v35, v33;
	v34 =	vsub.f32 v36, v34;
	_ =	sdelay $0x1  }
0x2ff: {  	v33 =	vmax.f32 v33, $0.0e+00;
	v34 =	vmax.f32 v34, $0.0e+00  }
0x300: {  	v63 =	vadd.f32 v37, v25;
	v33 =	vmul.f32 v34, v33;
	_ =	sdelay $0x1  }
0x301: {  	v34 =	vsub.f32 v63, v33;
	_ =	sdelay $0x1  }
0x302: {  	v34 =	vadd.f32 $9.999999930e-09, v34;
	_ =	sdelay $0x1  }
0x303: {  	(erf) = vrcp.f32 v34;
	_ =	sdelay $0x8  }
0x304: {  	v34 =	vpop (erf)  }
0x305: {  	v33 =	vmul.f32 v34, v33;
	_ =	sdelay $0x1  }
0x306: {  	(xrf0) =	vmax.scan.msk.f32 $0xffff, v33;
	_ =	sdelay $0x5  }
0x307: {  	v33, _, _ =	vpop (xrf0)  }
0x308: {  	(v2sf) =	vpush v33, $0xF;
	_ =	sdelay $0xd  }
0x309: {  	p1 =	slt.f32 s28, $0.0e+00  }
0x30a: {  	s28 =	spop (v2sf)  }
0x30b: {  	p2 =	sgt.f32 @!p1 s28, $4.499999880e-01;
	_ =	sdelay $0x1  }
0x30c: {  	p1 =	por p1, !p2  }
.Ltmp12:
0x30d: {  	_ = 	snop;
	(pc) =	sbr.rel @p1 .LBB2_19-.Ltmp12, $1  }
0x30e: {  	_ =	sdelay $0x3  }
0x30f: {  	v30 =	vmov s26  }
0x310: {  	vm1 =	veq.s32 v30, v0  }
0x311: {  	v30 =	vsel vm1, $0xBF800000, v31  }
0x312: {  	(xrf0) =	vmax.scan.msk.f32 $0xffff, v30;
	_ =	sdelay $0x4  }
0x313: {  	s2 =	sxor.u32 $0x80000000, s2  }
0x314: {  	v30 =	vmov s2;
	v31, _, _ =	vpop (xrf0)  }
.Ltmp13:
0x315: {  	v31 =	vadd.f32 $0.0e+00, v31;
	(pc) =	sbr.rel .LBB2_16-.Ltmp13, $4  }
0x316: {  	_ = 	snop  }
0x317: {  	v31 =	vbroadcast v31, $0xF  }
0x318: {  	[tilespmem:v32+s17+$0x0] =	vst.idx.msk $0x1, v15  }
0x319: {  	s2 =	simm.s32 $0x0;
	[tilespmem:v30+s19+$0x0] =	vst.idx.msk $0x1, v31;
	v30 =	vimm.s32 $0x40000000;
	v31 =	vimm.f32 $-2.000000000e+00  }
.LBB2_21:
0x31a: {  	_ =	sfence.sel $0x180000  }
0x31b: {  	[bflag:$0x0] =	sbarrier.arrive $0xFFFF  }
0x31c: {  	_ =	strace $0x90000047  }
0x31d: {  	s0 =	stileid.u32;
	[bflag:$0x2] =	sbarrier.arrive $0xFFFF  }
0x31e: {  	p0 =	sne.s32 s0, $0x0;
	s0 =	rddreg [dreg:$0x2]  }
0x31f: {  	s0 =	sadd.s32 @!p0 $0x100000, s0  }
0x320: {  	[sflag:s0] =	ssyncadd.tile.s32 @!p0 $0x1;
	_ =	shalt  }
.Lfunc_end2:
_tile_overlayer_lowered:
.L_overlay_start_2:
0x321: {  	(tag) =	ssettag $0x2  }
0x322: {  	s0 =	rddreg [dreg:$0x0];
	s2 =	stileid.u32  }
0x323: {  	s1 =	rddreg [dreg:$0x1];
	p0 =	sne.s32 s2, $0x0  }
0x324: {  	s3 =	rddreg [dreg:$0x2];
	[bflag:$0x3] =	sbarrier.arrive $0xFFFF;
	s2 =	simm.s32 @!p0 $0x1C03  }
0x325: {  	[timem:s3], [sflag:s2] =	dma.local @!p0 [hbm:s0], s1  }
0x326: {  	s0 =	simm.s32 @!p0 $0x3  }
0x327: {  	_ =	swait.ge @!p0 [sflag:s0], s1  }
0x328: {  	s1 =	ssub.s32 @!p0 $0x0, s1;
	[sflag:s0] =	ssyncset.done @!p0 $0x0  }
0x329: {  	[sflag:s0] =	ssyncadd.s32 @!p0 s1  }
0x32a: {  	[bflag:$0x3] =	sbarrier.arrive $0xFFFF  }
0x32b: {  	_ =	shalt  }

</sc_bundles>
